<compile_context>
chip_gen: v7x
topology: tpu7x:2x2x1
jax: 0.10.2.dev20260603
libtpu: 0.0.44.dev20260713+nightly
codegen_flags: <defaults>
</compile_context>

<pallas_src>
import functools

import jax
import jax.numpy as jnp
from jax import lax
from jax.experimental import pallas as pl
from jax.experimental.pallas import tpu as pltpu
from jax.experimental.pallas import tpu_sc as plsc

NC = 2
NS = 16
NW = NC * NS
GE = 2048
KS = 32
G = 4
BR = 512


def _mesh():
    return plsc.VectorSubcoreMesh(core_axis_name="c", subcore_axis_name="s")


def _deg_kernel(npad, ew):
    n_groups = ew // GE
    assert ew % GE == 0

    @functools.partial(
        pl.kernel,
        out_type=(
            jax.ShapeDtypeStruct((NW, npad), jnp.float32),
            jax.ShapeDtypeStruct((NW, npad), jnp.float32),
        ),
        mesh=_mesh(),
        compiler_params=pltpu.CompilerParams(needs_layout_passes=False),
        scratch_types=(
            pltpu.VMEM((2, GE), jnp.int32),
            pltpu.VMEM((2, GE), jnp.int32),
            pltpu.VMEM((npad,), jnp.float32),
            pltpu.VMEM((npad,), jnp.float32),
            pltpu.SemaphoreType.DMA,
            pltpu.SemaphoreType.DMA,
        ),
    )
    def k(srcp, dstp, dego, degi, six, dix, hs, hd, si0, si1):
        cid = lax.axis_index("c")
        sid = lax.axis_index("s")
        w = cid * NS + sid

        zeros16 = jnp.zeros((16,), jnp.float32)
        ones16 = jnp.ones((16,), jnp.float32)

        def fill_z(i, carry):
            hs[pl.ds(i * 16, 16)] = zeros16
            hd[pl.ds(i * 16, 16)] = zeros16
            return carry

        lax.fori_loop(0, npad // 16, fill_z, 0)

        pltpu.sync_copy(srcp.at[w, pl.ds(0, GE)], six.at[0])
        pltpu.sync_copy(dstp.at[w, pl.ds(0, GE)], dix.at[0])

        def group(g, carry):
            pg = lax.rem(g, 2)
            npg = 1 - pg
            more = g + 1 < n_groups

            @pl.when(more)
            def _():
                pltpu.async_copy(srcp.at[w, pl.ds((g + 1) * GE, GE)], six.at[npg], si0)
                pltpu.async_copy(dstp.at[w, pl.ds((g + 1) * GE, GE)], dix.at[npg], si1)

            for v in range(GE // 16):
                sv = six[pg, pl.ds(v * 16, 16)]
                plsc.addupdate_scatter(hs, [sv], ones16)
                dv = dix[pg, pl.ds(v * 16, 16)]
                plsc.addupdate_scatter(hd, [dv], ones16)

            @pl.when(more)
            def _():
                pltpu.make_async_copy(srcp.at[w, pl.ds(0, GE)], six.at[0], si0).wait()
                pltpu.make_async_copy(dstp.at[w, pl.ds(0, GE)], dix.at[0], si1).wait()

            return carry

        lax.fori_loop(0, n_groups, group, 0)

        pltpu.sync_copy(hs, dego.at[w])
        pltpu.sync_copy(hd, degi.at[w])

    return k


def _h_body(x_ref, wt_ref, b_ref, dp_ref, o_ref):
    h = jnp.dot(x_ref[...], wt_ref[...], preferred_element_type=jnp.float32)
    h = h + b_ref[...]
    nrm2 = jnp.sum(h * h, axis=1, keepdims=True)
    h = h * (1.8 * lax.rsqrt(jnp.maximum(nrm2, 1e-24)))
    ones_w = jnp.ones((NW, 1), jnp.float32)
    deg = lax.dot_general(
        dp_ref[...], ones_w,
        dimension_numbers=(((0,), (0,)), ((), ())),
        preferred_element_type=jnp.float32)
    o_ref[...] = h * lax.rsqrt(jnp.maximum(deg, 1.0))


def _h_kernel(npad, d):
    return pl.pallas_call(
        _h_body,
        grid=(npad // BR,),
        in_specs=[
            pl.BlockSpec((BR, d), lambda i: (i, 0)),
            pl.BlockSpec((d, d), lambda i: (0, 0)),
            pl.BlockSpec((1, d), lambda i: (0, 0)),
            pl.BlockSpec((NW, BR), lambda i: (0, i)),
        ],
        out_specs=pl.BlockSpec((BR, d), lambda i: (i, 0)),
        out_shape=jax.ShapeDtypeStruct((npad, d), jnp.float32),
    )


def _scatter_kernel(npad, c_chunks, d):
    rows_pt = npad // NS
    n_groups = c_chunks // G
    assert c_chunks % G == 0 and rows_pt % (G * KS) == 0

    @functools.partial(
        pl.kernel,
        out_type=jax.ShapeDtypeStruct((NC, npad, d), jnp.float32),
        mesh=_mesh(),
        scratch_types=(
            pltpu.VMEM((2, G, KS), jnp.int32),
            pltpu.VMEM((2, G, KS), jnp.int32),
            pltpu.VMEM((G * KS, d), jnp.float32),
            pltpu.VMEM_SHARED((npad, d), jnp.float32),
            [pltpu.SemaphoreType.DMA] * G,
            pltpu.SemaphoreType.DMA,
            pltpu.SemaphoreType.DMA,
        ),
    )
    def k(hp, srcp, dstp, pout, six, dix, gbuf, acc, gsems, si0, si1):
        cid = lax.axis_index("c")
        sid = lax.axis_index("s")
        w = cid * NS + sid

        zeros16 = jnp.zeros((16,), jnp.float32)

        def fill_z(i, carry):
            for j in range(d // 16):
                gbuf[i, pl.ds(j * 16, 16)] = zeros16
            return carry

        lax.fori_loop(0, G * KS, fill_z, 0)

        r0 = sid * rows_pt
        for t in range(rows_pt // (G * KS)):
            pltpu.sync_copy(gbuf, acc.at[pl.ds(r0 + t * G * KS, G * KS)])
        plsc.subcore_barrier()

        pltpu.sync_copy(srcp.at[w, pl.ds(0, G)], six.at[0])
        pltpu.sync_copy(dstp.at[w, pl.ds(0, G)], dix.at[0])
        for b in range(G):
            pltpu.async_copy(hp.at[six.at[0, b]], gbuf.at[pl.ds(b * KS, KS)],
                             gsems[b])

        def group(g, carry):
            pg = lax.rem(g, 2)
            npg = 1 - pg
            more = g + 1 < n_groups

            @pl.when(more)
            def _():
                pltpu.async_copy(srcp.at[w, pl.ds((g + 1) * G, G)], six.at[npg], si0)
                pltpu.async_copy(dstp.at[w, pl.ds((g + 1) * G, G)], dix.at[npg], si1)

            for b in range(G):
                pltpu.make_async_copy(hp.at[six.at[0, b]],
                                      gbuf.at[pl.ds(b * KS, KS)], gsems[b]).wait()
                pltpu.sync_copy(gbuf.at[pl.ds(b * KS, KS)], acc.at[dix.at[pg, b]],
                                add=True)
                if b == 0:
                    @pl.when(more)
                    def _():
                        pltpu.make_async_copy(
                            srcp.at[w, pl.ds(0, G)], six.at[0], si0).wait()
                        pltpu.make_async_copy(
                            dstp.at[w, pl.ds(0, G)], dix.at[0], si1).wait()

                @pl.when(more)
                def _():
                    pltpu.async_copy(hp.at[six.at[npg, b]],
                                     gbuf.at[pl.ds(b * KS, KS)], gsems[b])

            return carry

        lax.fori_loop(0, n_groups, group, 0)

        plsc.subcore_barrier()
        pltpu.sync_copy(acc.at[pl.ds(r0, rows_pt)], pout.at[cid, pl.ds(r0, rows_pt)])

    return k


def _out_body(p_ref, dp_ref, o_ref):
    ones_w = jnp.ones((NW, 1), jnp.float32)
    deg = lax.dot_general(
        dp_ref[...], ones_w,
        dimension_numbers=(((0,), (0,)), ((), ())),
        preferred_element_type=jnp.float32)
    s = lax.rsqrt(jnp.maximum(deg, 1.0))
    o_ref[...] = (p_ref[0] + p_ref[1]) * s


def _out_kernel(npad, d):
    return pl.pallas_call(
        _out_body,
        grid=(npad // BR,),
        in_specs=[
            pl.BlockSpec((NC, BR, d), lambda i: (0, i, 0)),
            pl.BlockSpec((NW, BR), lambda i: (0, i)),
        ],
        out_specs=pl.BlockSpec((BR, d), lambda i: (i, 0)),
        out_shape=jax.ShapeDtypeStruct((npad, d), jnp.float32),
    )


@jax.jit
def kernel(x, edge_index, W, b):
    n, d = x.shape
    e = edge_index.shape[1]

    npad = ((n + 1 + 2560 - 1) // 2560) * 2560
    per_w = -(-e // NW)
    c_chunks = -(-per_w // KS)
    lcm = max(G, GE // KS)
    c_chunks = ((c_chunks + lcm - 1) // lcm) * lcm
    ep = NW * c_chunks * KS

    pad_e = ep - e
    src = jnp.concatenate([edge_index[0], jnp.full((pad_e,), n, jnp.int32)])
    dst = jnp.concatenate([edge_index[1], jnp.full((pad_e,), n, jnp.int32)])
    srcs = src.reshape(NW, c_chunks, KS)
    dsts = dst.reshape(NW, c_chunks, KS)
    srcw = src.reshape(NW, c_chunks * KS)
    dstw = dst.reshape(NW, c_chunks * KS)
    xp = jnp.pad(x, ((0, npad - n), (0, 0)))
    wt = W.T
    b2 = b.reshape(1, d)

    dego, degi = _deg_kernel(npad, c_chunks * KS)(srcw, dstw)
    hp = _h_kernel(npad, d)(xp, wt, b2, dego)
    pout = _scatter_kernel(npad, c_chunks, d)(hp, srcs, dsts)
    outp = _out_kernel(npad, d)(pout, degi)
    return outp[:n]

# --- scband reference (transcript-rebuilt; emitter-appended) ---
"""Pipeline reference for scband-ngcn-1056561954826 (READ-ONLY COPY).

The authoritative reference and input builder live on the scoring server;
editing this copy changes nothing except your own understanding.
"""

import jax, jax.numpy as jnp
import numpy as np

N = 10000
E = 320000
D = 128

def setup_inputs(seed: int = 0) -> dict:
    key = jax.random.key(seed)
    k1, k2, k3 = jax.random.split(key, 3)
    x = jax.random.normal(k1, (N, D), dtype=jnp.float32)
    edge_index = jax.random.randint(k2, (2, E), 0, N, dtype=jnp.int32)
    # single NGCN layer: Linear(128 -> 128) weight + bias (GraphConv has weight=False, bias=False)
    W = jax.random.normal(k3, (D, D), dtype=jnp.float32) * (1.0 / np.sqrt(D))
    b = jnp.zeros((D,), dtype=jnp.float32)
    return {"x": x, "edge_index": edge_index, "W": W, "b": b}

def reference(x, edge_index, W, b):
    # trans[0]: Linear
    h = x @ W.T + b
    # F.normalize(dim=1) * 1.8
    nrm = jnp.linalg.norm(h, axis=1, keepdims=True)
    h = (h / jnp.maximum(nrm, 1e-12)) * 1.8
    # GraphConv(norm='both', weight=False, bias=False, activation=None)
    src = edge_index[0]
    dst = edge_index[1]
    deg_out = jnp.zeros((N,), dtype=h.dtype).at[src].add(1.0)
    deg_in = jnp.zeros((N,), dtype=h.dtype).at[dst].add(1.0)
    norm_out = jnp.power(jnp.clip(deg_out, 1.0, None), -0.5)
    norm_in = jnp.power(jnp.clip(deg_in, 1.0, None), -0.5)
    h = h * norm_out[:, None]
    msgs = jnp.take(h, src, axis=0)
    out = jnp.zeros((N, D), dtype=h.dtype).at[dst].add(msgs)
    out = out * norm_in[:, None]
    return out

if __name__ == "__main__":
    import jax
    _d = setup_inputs()
    print(jax.jit(kernel)(*tuple(_d.values())))

</pallas_src>

<mosaic_0001>
#map = affine_map<(d0, d1) -> (0, 0)>
module attributes {stable_mosaic.version = 14 : i64} {
  func.func @k(%arg0: i32, %arg1: i32, %arg2: memref<32x10240xi32, #tpu.memory_space<hbm>>, %arg3: memref<32x10240xi32, #tpu.memory_space<hbm>>, %arg4: memref<32x10240xf32, #tpu.memory_space<hbm>>, %arg5: memref<32x10240xf32, #tpu.memory_space<hbm>>, %arg6: memref<2x2048xi32, #tpu.memory_space<vmem>>, %arg7: memref<2x2048xi32, #tpu.memory_space<vmem>>, %arg8: memref<10240xf32, #tpu.memory_space<vmem>>, %arg9: memref<10240xf32, #tpu.memory_space<vmem>>, %arg10: memref<!tpu.dma_semaphore, #tpu.memory_space<semaphore_mem>>, %arg11: memref<!tpu.dma_semaphore, #tpu.memory_space<semaphore_mem>>) attributes {dimension_semantics = [#tpu.dimension_semantics<core_parallel>, #tpu.dimension_semantics<subcore_parallel>], iteration_bounds = array<i64: 2, 16>, scalar_prefetch = 0 : i64, scratch_operands = 6 : i64, tpu.core_type = #tpu.core_type<sc_vector_subcore>, window_params = [{transform_indices = #map}, {transform_indices = #map}, {transform_indices = #map}, {transform_indices = #map}]} {
    %mul3A = arith.constant 16 : i32
    %mul3A_0 = arith.muli %arg0, %mul3A : i32
    %add3A = arith.addi %mul3A_0, %arg1 : i32
    %broadcast_in_dim3A = arith.constant 0.000000e+00 : f32
    %broadcast_in_dim3A_1 = vector.broadcast %broadcast_in_dim3A : f32 to vector<16xf32>
    %broadcast_in_dim3A_2 = arith.constant 1.000000e+00 : f32
    %broadcast_in_dim3A_3 = vector.broadcast %broadcast_in_dim3A_2 : f32 to vector<16xf32>
    %scan3A = arith.constant 0 : i32
    %scan3A_4 = arith.constant 0 : i32
    %scan3A_5 = arith.constant 640 : i32
    %scan3A_6 = arith.addi %scan3A_4, %scan3A_5 : i32
    %scan3A_7 = arith.constant 1 : i32
    scf.for %scan3A_16 = %scan3A_4 to %scan3A_6 step %scan3A_7  : i32 {
      %mul3A_17 = arith.constant 16 : i32
      %mul3A_18 = arith.muli %scan3A_16, %mul3A_17 : i32
      %swap3A = arith.index_cast %mul3A_18 : i32 to index
      %swap3A_19 = tpu.vector_load %arg8[%swap3A] {strides = array<i32>} : memref<10240xf32, #tpu.memory_space<vmem>>, vector<16xf32>,
      tpu.vector_store %arg8[%swap3A], %broadcast_in_dim3A_1 {strides = array<i32>} : memref<10240xf32, #tpu.memory_space<vmem>>, vector<16xf32>,
      %mul3A_20 = arith.constant 16 : i32
      %mul3A_21 = arith.muli %scan3A_16, %mul3A_20 : i32
      %swap3A_22 = arith.index_cast %mul3A_21 : i32 to index
      %swap3A_23 = tpu.vector_load %arg9[%swap3A_22] {strides = array<i32>} : memref<10240xf32, #tpu.memory_space<vmem>>, vector<16xf32>,
      tpu.vector_store %arg9[%swap3A_22], %broadcast_in_dim3A_1 {strides = array<i32>} : memref<10240xf32, #tpu.memory_space<vmem>>, vector<16xf32>,
    }
    %scan3A_8 = arith.constant 640 : i32
    %run_scoped3A = arith.constant 0 : i32
    "tpu.region"() ({
      %run_scoped3A_16 = tpu.sem_alloc : memref<!tpu.dma_semaphore, #tpu.memory_space<semaphore_mem>>
      %dma_start3A = arith.constant 0 : i32
      %dma_start3A_17 = tpu.memref_slice %arg6[%run_scoped3A, %dma_start3A] : memref<2x2048xi32, #tpu.memory_space<vmem>> -> memref<1x2048xi32, #tpu.memory_space<vmem>>
      %dma_start3A_18 = tpu.memref_squeeze %dma_start3A_17 : memref<1x2048xi32, #tpu.memory_space<vmem>> -> memref<2048xi32, #tpu.memory_space<vmem>>
      %dma_start3A_19 = arith.constant 0 : i32
      %dma_start3A_20 = tpu.memref_slice %arg2[%add3A, %dma_start3A_19] : memref<32x10240xi32, #tpu.memory_space<hbm>> -> memref<1x2048xi32, #tpu.memory_space<hbm>>
      %dma_start3A_21 = tpu.memref_squeeze %dma_start3A_20 : memref<1x2048xi32, #tpu.memory_space<hbm>> -> memref<2048xi32, #tpu.memory_space<hbm>>
      %dma_start3A_22 = arith.constant 0 : i32
      %dma_start3A_23 = tpu.memref_slice %arg6[%run_scoped3A, %dma_start3A_22] : memref<2x2048xi32, #tpu.memory_space<vmem>> -> memref<1x2048xi32, #tpu.memory_space<vmem>>
      %dma_start3A_24 = tpu.memref_squeeze %dma_start3A_23 : memref<1x2048xi32, #tpu.memory_space<vmem>> -> memref<2048xi32, #tpu.memory_space<vmem>>
      %dma_start3A_25 = arith.constant 0 : i32
      %dma_start3A_26 = tpu.memref_slice %arg2[%add3A, %dma_start3A_25] : memref<32x10240xi32, #tpu.memory_space<hbm>> -> memref<1x2048xi32, #tpu.memory_space<hbm>>
      %dma_start3A_27 = tpu.memref_squeeze %dma_start3A_26 : memref<1x2048xi32, #tpu.memory_space<hbm>> -> memref<2048xi32, #tpu.memory_space<hbm>>
      tpu.enqueue_dma source(%dma_start3A_27 : memref<2048xi32, #tpu.memory_space<hbm>>) target(%dma_start3A_24 : memref<2048xi32, #tpu.memory_space<vmem>>) target_semaphore(%run_scoped3A_16 : memref<!tpu.dma_semaphore, #tpu.memory_space<semaphore_mem>>)
      %dma_wait3A = arith.constant 0 : i32
      %dma_wait3A_28 = tpu.memref_slice %arg6[%run_scoped3A, %dma_wait3A] : memref<2x2048xi32, #tpu.memory_space<vmem>> -> memref<1x2048xi32, #tpu.memory_space<vmem>>
      %dma_wait3A_29 = tpu.memref_squeeze %dma_wait3A_28 : memref<1x2048xi32, #tpu.memory_space<vmem>> -> memref<2048xi32, #tpu.memory_space<vmem>>
      %dma_wait3A_30 = arith.constant 0 : i32
      %dma_wait3A_31 = tpu.memref_slice %arg2[%add3A, %dma_wait3A_30] : memref<32x10240xi32, #tpu.memory_space<hbm>> -> memref<1x2048xi32, #tpu.memory_space<hbm>>
      %dma_wait3A_32 = tpu.memref_squeeze %dma_wait3A_31 : memref<1x2048xi32, #tpu.memory_space<hbm>> -> memref<2048xi32, #tpu.memory_space<hbm>>
      %dma_wait3A_33 = arith.constant 0 : i32
      %dma_wait3A_34 = tpu.memref_slice %arg6[%run_scoped3A, %dma_wait3A_33] : memref<2x2048xi32, #tpu.memory_space<vmem>> -> memref<1x2048xi32, #tpu.memory_space<vmem>>
      %dma_wait3A_35 = tpu.memref_squeeze %dma_wait3A_34 : memref<1x2048xi32, #tpu.memory_space<vmem>> -> memref<2048xi32, #tpu.memory_space<vmem>>
      %dma_wait3A_36 = arith.constant 0 : i32
      %dma_wait3A_37 = tpu.memref_slice %arg2[%add3A, %dma_wait3A_36] : memref<32x10240xi32, #tpu.memory_space<hbm>> -> memref<1x2048xi32, #tpu.memory_space<hbm>>
      %dma_wait3A_38 = tpu.memref_squeeze %dma_wait3A_37 : memref<1x2048xi32, #tpu.memory_space<hbm>> -> memref<2048xi32, #tpu.memory_space<hbm>>
      tpu.wait_dma2 semaphore(%run_scoped3A_16 : memref<!tpu.dma_semaphore, #tpu.memory_space<semaphore_mem>>) src(%dma_wait3A_38 : memref<2048xi32, #tpu.memory_space<hbm>>) dst(%dma_wait3A_35 : memref<2048xi32, #tpu.memory_space<vmem>>)
      tpu.yield
    }) : () -> ()
    %run_scoped3A_9 = arith.constant 0 : i32
    "tpu.region"() ({
      %run_scoped3A_16 = tpu.sem_alloc : memref<!tpu.dma_semaphore, #tpu.memory_space<semaphore_mem>>
      %dma_start3A = arith.constant 0 : i32
      %dma_start3A_17 = tpu.memref_slice %arg7[%run_scoped3A_9, %dma_start3A] : memref<2x2048xi32, #tpu.memory_space<vmem>> -> memref<1x2048xi32, #tpu.memory_space<vmem>>
      %dma_start3A_18 = tpu.memref_squeeze %dma_start3A_17 : memref<1x2048xi32, #tpu.memory_space<vmem>> -> memref<2048xi32, #tpu.memory_space<vmem>>
      %dma_start3A_19 = arith.constant 0 : i32
      %dma_start3A_20 = tpu.memref_slice %arg3[%add3A, %dma_start3A_19] : memref<32x10240xi32, #tpu.memory_space<hbm>> -> memref<1x2048xi32, #tpu.memory_space<hbm>>
      %dma_start3A_21 = tpu.memref_squeeze %dma_start3A_20 : memref<1x2048xi32, #tpu.memory_space<hbm>> -> memref<2048xi32, #tpu.memory_space<hbm>>
      %dma_start3A_22 = arith.constant 0 : i32
      %dma_start3A_23 = tpu.memref_slice %arg7[%run_scoped3A_9, %dma_start3A_22] : memref<2x2048xi32, #tpu.memory_space<vmem>> -> memref<1x2048xi32, #tpu.memory_space<vmem>>
      %dma_start3A_24 = tpu.memref_squeeze %dma_start3A_23 : memref<1x2048xi32, #tpu.memory_space<vmem>> -> memref<2048xi32, #tpu.memory_space<vmem>>
      %dma_start3A_25 = arith.constant 0 : i32
      %dma_start3A_26 = tpu.memref_slice %arg3[%add3A, %dma_start3A_25] : memref<32x10240xi32, #tpu.memory_space<hbm>> -> memref<1x2048xi32, #tpu.memory_space<hbm>>
      %dma_start3A_27 = tpu.memref_squeeze %dma_start3A_26 : memref<1x2048xi32, #tpu.memory_space<hbm>> -> memref<2048xi32, #tpu.memory_space<hbm>>
      tpu.enqueue_dma source(%dma_start3A_27 : memref<2048xi32, #tpu.memory_space<hbm>>) target(%dma_start3A_24 : memref<2048xi32, #tpu.memory_space<vmem>>) target_semaphore(%run_scoped3A_16 : memref<!tpu.dma_semaphore, #tpu.memory_space<semaphore_mem>>)
      %dma_wait3A = arith.constant 0 : i32
      %dma_wait3A_28 = tpu.memref_slice %arg7[%run_scoped3A_9, %dma_wait3A] : memref<2x2048xi32, #tpu.memory_space<vmem>> -> memref<1x2048xi32, #tpu.memory_space<vmem>>
      %dma_wait3A_29 = tpu.memref_squeeze %dma_wait3A_28 : memref<1x2048xi32, #tpu.memory_space<vmem>> -> memref<2048xi32, #tpu.memory_space<vmem>>
      %dma_wait3A_30 = arith.constant 0 : i32
      %dma_wait3A_31 = tpu.memref_slice %arg3[%add3A, %dma_wait3A_30] : memref<32x10240xi32, #tpu.memory_space<hbm>> -> memref<1x2048xi32, #tpu.memory_space<hbm>>
      %dma_wait3A_32 = tpu.memref_squeeze %dma_wait3A_31 : memref<1x2048xi32, #tpu.memory_space<hbm>> -> memref<2048xi32, #tpu.memory_space<hbm>>
      %dma_wait3A_33 = arith.constant 0 : i32
      %dma_wait3A_34 = tpu.memref_slice %arg7[%run_scoped3A_9, %dma_wait3A_33] : memref<2x2048xi32, #tpu.memory_space<vmem>> -> memref<1x2048xi32, #tpu.memory_space<vmem>>
      %dma_wait3A_35 = tpu.memref_squeeze %dma_wait3A_34 : memref<1x2048xi32, #tpu.memory_space<vmem>> -> memref<2048xi32, #tpu.memory_space<vmem>>
      %dma_wait3A_36 = arith.constant 0 : i32
      %dma_wait3A_37 = tpu.memref_slice %arg3[%add3A, %dma_wait3A_36] : memref<32x10240xi32, #tpu.memory_space<hbm>> -> memref<1x2048xi32, #tpu.memory_space<hbm>>
      %dma_wait3A_38 = tpu.memref_squeeze %dma_wait3A_37 : memref<1x2048xi32, #tpu.memory_space<hbm>> -> memref<2048xi32, #tpu.memory_space<hbm>>
      tpu.wait_dma2 semaphore(%run_scoped3A_16 : memref<!tpu.dma_semaphore, #tpu.memory_space<semaphore_mem>>) src(%dma_wait3A_38 : memref<2048xi32, #tpu.memory_space<hbm>>) dst(%dma_wait3A_35 : memref<2048xi32, #tpu.memory_space<vmem>>)
      tpu.yield
    }) : () -> ()
    %scan3A_10 = arith.constant 0 : i32
    %scan3A_11 = arith.constant 0 : i32
    %scan3A_12 = arith.constant 5 : i32
    %scan3A_13 = arith.addi %scan3A_11, %scan3A_12 : i32
    %scan3A_14 = arith.constant 1 : i32
    scf.for %scan3A_16 = %scan3A_11 to %scan3A_13 step %scan3A_14  : i32 {
      %rem3A = arith.constant 2 : i32
      %rem3A_17 = arith.remsi %scan3A_16, %rem3A : i32
      %sub3A = arith.constant 1 : i32
      %sub3A_18 = arith.subi %sub3A, %rem3A_17 : i32
      %add3A_19 = arith.constant 1 : i32
      %add3A_20 = arith.addi %scan3A_16, %add3A_19 : i32
      %lt3A = arith.constant 5 : i32
      %lt3A_21 = arith.cmpi slt, %add3A_20, %lt3A : i32
      %convert_element_type3A = arith.extui %lt3A_21 : i1 to i32
      %cond3A = arith.constant 0 : i32
      %cond3A_22 = arith.cmpi ne, %convert_element_type3A, %cond3A : i32
      scf.if %cond3A_22 {
        %add3A_793 = arith.constant 1 : i32
        %add3A_794 = arith.addi %scan3A_16, %add3A_793 : i32
        %mul3A_795 = arith.constant 2048 : i32
        %mul3A_796 = arith.muli %add3A_794, %mul3A_795 : i32
        %dma_start3A = arith.constant 0 : i32
        %dma_start3A_797 = tpu.memref_slice %arg6[%sub3A_18, %dma_start3A] : memref<2x2048xi32, #tpu.memory_space<vmem>> -> memref<1x2048xi32, #tpu.memory_space<vmem>>
        %dma_start3A_798 = tpu.memref_squeeze %dma_start3A_797 : memref<1x2048xi32, #tpu.memory_space<vmem>> -> memref<2048xi32, #tpu.memory_space<vmem>>
        %dma_start3A_799 = tpu.memref_slice %arg2[%add3A, %mul3A_796] : memref<32x10240xi32, #tpu.memory_space<hbm>> -> memref<1x2048xi32, #tpu.memory_space<hbm>>
        %dma_start3A_800 = tpu.memref_squeeze %dma_start3A_799 : memref<1x2048xi32, #tpu.memory_space<hbm>> -> memref<2048xi32, #tpu.memory_space<hbm>>
        %dma_start3A_801 = arith.constant 0 : i32
        %dma_start3A_802 = tpu.memref_slice %arg6[%sub3A_18, %dma_start3A_801] : memref<2x2048xi32, #tpu.memory_space<vmem>> -> memref<1x2048xi32, #tpu.memory_space<vmem>>
        %dma_start3A_803 = tpu.memref_squeeze %dma_start3A_802 : memref<1x2048xi32, #tpu.memory_space<vmem>> -> memref<2048xi32, #tpu.memory_space<vmem>>
        %dma_start3A_804 = tpu.memref_slice %arg2[%add3A, %mul3A_796] : memref<32x10240xi32, #tpu.memory_space<hbm>> -> memref<1x2048xi32, #tpu.memory_space<hbm>>
        %dma_start3A_805 = tpu.memref_squeeze %dma_start3A_804 : memref<1x2048xi32, #tpu.memory_space<hbm>> -> memref<2048xi32, #tpu.memory_space<hbm>>
        tpu.enqueue_dma source(%dma_start3A_805 : memref<2048xi32, #tpu.memory_space<hbm>>) target(%dma_start3A_803 : memref<2048xi32, #tpu.memory_space<vmem>>) target_semaphore(%arg10 : memref<!tpu.dma_semaphore, #tpu.memory_space<semaphore_mem>>)
        %add3A_806 = arith.constant 1 : i32
        %add3A_807 = arith.addi %scan3A_16, %add3A_806 : i32
        %mul3A_808 = arith.constant 2048 : i32
        %mul3A_809 = arith.muli %add3A_807, %mul3A_808 : i32
        %dma_start3A_810 = arith.constant 0 : i32
        %dma_start3A_811 = tpu.memref_slice %arg7[%sub3A_18, %dma_start3A_810] : memref<2x2048xi32, #tpu.memory_space<vmem>> -> memref<1x2048xi32, #tpu.memory_space<vmem>>
        %dma_start3A_812 = tpu.memref_squeeze %dma_start3A_811 : memref<1x2048xi32, #tpu.memory_space<vmem>> -> memref<2048xi32, #tpu.memory_space<vmem>>
        %dma_start3A_813 = tpu.memref_slice %arg3[%add3A, %mul3A_809] : memref<32x10240xi32, #tpu.memory_space<hbm>> -> memref<1x2048xi32, #tpu.memory_space<hbm>>
        %dma_start3A_814 = tpu.memref_squeeze %dma_start3A_813 : memref<1x2048xi32, #tpu.memory_space<hbm>> -> memref<2048xi32, #tpu.memory_space<hbm>>
        %dma_start3A_815 = arith.constant 0 : i32
        %dma_start3A_816 = tpu.memref_slice %arg7[%sub3A_18, %dma_start3A_815] : memref<2x2048xi32, #tpu.memory_space<vmem>> -> memref<1x2048xi32, #tpu.memory_space<vmem>>
        %dma_start3A_817 = tpu.memref_squeeze %dma_start3A_816 : memref<1x2048xi32, #tpu.memory_space<vmem>> -> memref<2048xi32, #tpu.memory_space<vmem>>
        %dma_start3A_818 = tpu.memref_slice %arg3[%add3A, %mul3A_809] : memref<32x10240xi32, #tpu.memory_space<hbm>> -> memref<1x2048xi32, #tpu.memory_space<hbm>>
        %dma_start3A_819 = tpu.memref_squeeze %dma_start3A_818 : memref<1x2048xi32, #tpu.memory_space<hbm>> -> memref<2048xi32, #tpu.memory_space<hbm>>
        tpu.enqueue_dma source(%dma_start3A_819 : memref<2048xi32, #tpu.memory_space<hbm>>) target(%dma_start3A_817 : memref<2048xi32, #tpu.memory_space<vmem>>) target_semaphore(%arg11 : memref<!tpu.dma_semaphore, #tpu.memory_space<semaphore_mem>>)
      } else {
      }
      %get3A = arith.index_cast %rem3A_17 : i32 to index
      %get3A_23 = arith.constant 0 : index
      %get3A_24 = tpu.vector_load %arg6[%get3A, %get3A_23] {strides = array<i32>} : memref<2x2048xi32, #tpu.memory_space<vmem>>, vector<16xi32>,
      tpu.vector_store_idx %arg8[%get3A_24], %broadcast_in_dim3A_3 {add = true} : memref<10240xf32, #tpu.memory_space<vmem>>[vector<16xi32>], vector<16xf32>,
      %get3A_25 = arith.index_cast %rem3A_17 : i32 to index
      %get3A_26 = arith.constant 0 : index
      %get3A_27 = tpu.vector_load %arg7[%get3A_25, %get3A_26] {strides = array<i32>} : memref<2x2048xi32, #tpu.memory_space<vmem>>, vector<16xi32>,
      tpu.vector_store_idx %arg9[%get3A_27], %broadcast_in_dim3A_3 {add = true} : memref<10240xf32, #tpu.memory_space<vmem>>[vector<16xi32>], vector<16xf32>,
      %get3A_28 = arith.index_cast %rem3A_17 : i32 to index
      %get3A_29 = arith.constant 16 : index
      %get3A_30 = tpu.vector_load %arg6[%get3A_28, %get3A_29] {strides = array<i32>} : memref<2x2048xi32, #tpu.memory_space<vmem>>, vector<16xi32>,
      tpu.vector_store_idx %arg8[%get3A_30], %broadcast_in_dim3A_3 {add = true} : memref<10240xf32, #tpu.memory_space<vmem>>[vector<16xi32>], vector<16xf32>,
      %get3A_31 = arith.index_cast %rem3A_17 : i32 to index
      %get3A_32 = arith.constant 16 : index
      %get3A_33 = tpu.vector_load %arg7[%get3A_31, %get3A_32] {strides = array<i32>} : memref<2x2048xi32, #tpu.memory_space<vmem>>, vector<16xi32>,
      tpu.vector_store_idx %arg9[%get3A_33], %broadcast_in_dim3A_3 {add = true} : memref<10240xf32, #tpu.memory_space<vmem>>[vector<16xi32>], vector<16xf32>,
      %get3A_34 = arith.index_cast %rem3A_17 : i32 to index
      %get3A_35 = arith.constant 32 : index
      %get3A_36 = tpu.vector_load %arg6[%get3A_34, %get3A_35] {strides = array<i32>} : memref<2x2048xi32, #tpu.memory_space<vmem>>, vector<16xi32>,
      tpu.vector_store_idx %arg8[%get3A_36], %broadcast_in_dim3A_3 {add = true} : memref<10240xf32, #tpu.memory_space<vmem>>[vector<16xi32>], vector<16xf32>,
      %get3A_37 = arith.index_cast %rem3A_17 : i32 to index
      %get3A_38 = arith.constant 32 : index
      %get3A_39 = tpu.vector_load %arg7[%get3A_37, %get3A_38] {strides = array<i32>} : memref<2x2048xi32, #tpu.memory_space<vmem>>, vector<16xi32>,
      tpu.vector_store_idx %arg9[%get3A_39], %broadcast_in_dim3A_3 {add = true} : memref<10240xf32, #tpu.memory_space<vmem>>[vector<16xi32>], vector<16xf32>,
      %get3A_40 = arith.index_cast %rem3A_17 : i32 to index
      %get3A_41 = arith.constant 48 : index
      %get3A_42 = tpu.vector_load %arg6[%get3A_40, %get3A_41] {strides = array<i32>} : memref<2x2048xi32, #tpu.memory_space<vmem>>, vector<16xi32>,
      tpu.vector_store_idx %arg8[%get3A_42], %broadcast_in_dim3A_3 {add = true} : memref<10240xf32, #tpu.memory_space<vmem>>[vector<16xi32>], vector<16xf32>,
      %get3A_43 = arith.index_cast %rem3A_17 : i32 to index
      %get3A_44 = arith.constant 48 : index
      %get3A_45 = tpu.vector_load %arg7[%get3A_43, %get3A_44] {strides = array<i32>} : memref<2x2048xi32, #tpu.memory_space<vmem>>, vector<16xi32>,
      tpu.vector_store_idx %arg9[%get3A_45], %broadcast_in_dim3A_3 {add = true} : memref<10240xf32, #tpu.memory_space<vmem>>[vector<16xi32>], vector<16xf32>,
      %get3A_46 = arith.index_cast %rem3A_17 : i32 to index
      %get3A_47 = arith.constant 64 : index
      %get3A_48 = tpu.vector_load %arg6[%get3A_46, %get3A_47] {strides = array<i32>} : memref<2x2048xi32, #tpu.memory_space<vmem>>, vector<16xi32>,
      tpu.vector_store_idx %arg8[%get3A_48], %broadcast_in_dim3A_3 {add = true} : memref<10240xf32, #tpu.memory_space<vmem>>[vector<16xi32>], vector<16xf32>,
      %get3A_49 = arith.index_cast %rem3A_17 : i32 to index
      %get3A_50 = arith.constant 64 : index
      %get3A_51 = tpu.vector_load %arg7[%get3A_49, %get3A_50] {strides = array<i32>} : memref<2x2048xi32, #tpu.memory_space<vmem>>, vector<16xi32>,
      tpu.vector_store_idx %arg9[%get3A_51], %broadcast_in_dim3A_3 {add = true} : memref<10240xf32, #tpu.memory_space<vmem>>[vector<16xi32>], vector<16xf32>,
      %get3A_52 = arith.index_cast %rem3A_17 : i32 to index
      %get3A_53 = arith.constant 80 : index
      %get3A_54 = tpu.vector_load %arg6[%get3A_52, %get3A_53] {strides = array<i32>} : memref<2x2048xi32, #tpu.memory_space<vmem>>, vector<16xi32>,
      tpu.vector_store_idx %arg8[%get3A_54], %broadcast_in_dim3A_3 {add = true} : memref<10240xf32, #tpu.memory_space<vmem>>[vector<16xi32>], vector<16xf32>,
      %get3A_55 = arith.index_cast %rem3A_17 : i32 to index
      %get3A_56 = arith.constant 80 : index
      %get3A_57 = tpu.vector_load %arg7[%get3A_55, %get3A_56] {strides = array<i32>} : memref<2x2048xi32, #tpu.memory_space<vmem>>, vector<16xi32>,
      tpu.vector_store_idx %arg9[%get3A_57], %broadcast_in_dim3A_3 {add = true} : memref<10240xf32, #tpu.memory_space<vmem>>[vector<16xi32>], vector<16xf32>,
      %get3A_58 = arith.index_cast %rem3A_17 : i32 to index
      %get3A_59 = arith.constant 96 : index
      %get3A_60 = tpu.vector_load %arg6[%get3A_58, %get3A_59] {strides = array<i32>} : memref<2x2048xi32, #tpu.memory_space<vmem>>, vector<16xi32>,
      tpu.vector_store_idx %arg8[%get3A_60], %broadcast_in_dim3A_3 {add = true} : memref<10240xf32, #tpu.memory_space<vmem>>[vector<16xi32>], vector<16xf32>,
      %get3A_61 = arith.index_cast %rem3A_17 : i32 to index
      %get3A_62 = arith.constant 96 : index
      %get3A_63 = tpu.vector_load %arg7[%get3A_61, %get3A_62] {strides = array<i32>} : memref<2x2048xi32, #tpu.memory_space<vmem>>, vector<16xi32>,
      tpu.vector_store_idx %arg9[%get3A_63], %broadcast_in_dim3A_3 {add = true} : memref<10240xf32, #tpu.memory_space<vmem>>[vector<16xi32>], vector<16xf32>,
      %get3A_64 = arith.index_cast %rem3A_17 : i32 to index
      %get3A_65 = arith.constant 112 : index
      %get3A_66 = tpu.vector_load %arg6[%get3A_64, %get3A_65] {strides = array<i32>} : memref<2x2048xi32, #tpu.memory_space<vmem>>, vector<16xi32>,
      tpu.vector_store_idx %arg8[%get3A_66], %broadcast_in_dim3A_3 {add = true} : memref<10240xf32, #tpu.memory_space<vmem>>[vector<16xi32>], vector<16xf32>,
      %get3A_67 = arith.index_cast %rem3A_17 : i32 to index
      %get3A_68 = arith.constant 112 : index
      %get3A_69 = tpu.vector_load %arg7[%get3A_67, %get3A_68] {strides = array<i32>} : memref<2x2048xi32, #tpu.memory_space<vmem>>, vector<16xi32>,
      tpu.vector_store_idx %arg9[%get3A_69], %broadcast_in_dim3A_3 {add = true} : memref<10240xf32, #tpu.memory_space<vmem>>[vector<16xi32>], vector<16xf32>,
      %get3A_70 = arith.index_cast %rem3A_17 : i32 to index
      %get3A_71 = arith.constant 128 : index
      %get3A_72 = tpu.vector_load %arg6[%get3A_70, %get3A_71] {strides = array<i32>} : memref<2x2048xi32, #tpu.memory_space<vmem>>, vector<16xi32>,
      tpu.vector_store_idx %arg8[%get3A_72], %broadcast_in_dim3A_3 {add = true} : memref<10240xf32, #tpu.memory_space<vmem>>[vector<16xi32>], vector<16xf32>,
      %get3A_73 = arith.index_cast %rem3A_17 : i32 to index
      %get3A_74 = arith.constant 128 : index
      %get3A_75 = tpu.vector_load %arg7[%get3A_73, %get3A_74] {strides = array<i32>} : memref<2x2048xi32, #tpu.memory_space<vmem>>, vector<16xi32>,
      tpu.vector_store_idx %arg9[%get3A_75], %broadcast_in_dim3A_3 {add = true} : memref<10240xf32, #tpu.memory_space<vmem>>[vector<16xi32>], vector<16xf32>,
      %get3A_76 = arith.index_cast %rem3A_17 : i32 to index
      %get3A_77 = arith.constant 144 : index
      %get3A_78 = tpu.vector_load %arg6[%get3A_76, %get3A_77] {strides = array<i32>} : memref<2x2048xi32, #tpu.memory_space<vmem>>, vector<16xi32>,
      tpu.vector_store_idx %arg8[%get3A_78], %broadcast_in_dim3A_3 {add = true} : memref<10240xf32, #tpu.memory_space<vmem>>[vector<16xi32>], vector<16xf32>,
      %get3A_79 = arith.index_cast %rem3A_17 : i32 to index
      %get3A_80 = arith.constant 144 : index
      %get3A_81 = tpu.vector_load %arg7[%get3A_79, %get3A_80] {strides = array<i32>} : memref<2x2048xi32, #tpu.memory_space<vmem>>, vector<16xi32>,
      tpu.vector_store_idx %arg9[%get3A_81], %broadcast_in_dim3A_3 {add = true} : memref<10240xf32, #tpu.memory_space<vmem>>[vector<16xi32>], vector<16xf32>,
      %get3A_82 = arith.index_cast %rem3A_17 : i32 to index
      %get3A_83 = arith.constant 160 : index
      %get3A_84 = tpu.vector_load %arg6[%get3A_82, %get3A_83] {strides = array<i32>} : memref<2x2048xi32, #tpu.memory_space<vmem>>, vector<16xi32>,
      tpu.vector_store_idx %arg8[%get3A_84], %broadcast_in_dim3A_3 {add = true} : memref<10240xf32, #tpu.memory_space<vmem>>[vector<16xi32>], vector<16xf32>,
      %get3A_85 = arith.index_cast %rem3A_17 : i32 to index
      %get3A_86 = arith.constant 160 : index
      %get3A_87 = tpu.vector_load %arg7[%get3A_85, %get3A_86] {strides = array<i32>} : memref<2x2048xi32, #tpu.memory_space<vmem>>, vector<16xi32>,
      tpu.vector_store_idx %arg9[%get3A_87], %broadcast_in_dim3A_3 {add = true} : memref<10240xf32, #tpu.memory_space<vmem>>[vector<16xi32>], vector<16xf32>,
      %get3A_88 = arith.index_cast %rem3A_17 : i32 to index
      %get3A_89 = arith.constant 176 : index
      %get3A_90 = tpu.vector_load %arg6[%get3A_88, %get3A_89] {strides = array<i32>} : memref<2x2048xi32, #tpu.memory_space<vmem>>, vector<16xi32>,
      tpu.vector_store_idx %arg8[%get3A_90], %broadcast_in_dim3A_3 {add = true} : memref<10240xf32, #tpu.memory_space<vmem>>[vector<16xi32>], vector<16xf32>,
      %get3A_91 = arith.index_cast %rem3A_17 : i32 to index
      %get3A_92 = arith.constant 176 : index
      %get3A_93 = tpu.vector_load %arg7[%get3A_91, %get3A_92] {strides = array<i32>} : memref<2x2048xi32, #tpu.memory_space<vmem>>, vector<16xi32>,
      tpu.vector_store_idx %arg9[%get3A_93], %broadcast_in_dim3A_3 {add = true} : memref<10240xf32, #tpu.memory_space<vmem>>[vector<16xi32>], vector<16xf32>,
      %get3A_94 = arith.index_cast %rem3A_17 : i32 to index
      %get3A_95 = arith.constant 192 : index
      %get3A_96 = tpu.vector_load %arg6[%get3A_94, %get3A_95] {strides = array<i32>} : memref<2x2048xi32, #tpu.memory_space<vmem>>, vector<16xi32>,
      tpu.vector_store_idx %arg8[%get3A_96], %broadcast_in_dim3A_3 {add = true} : memref<10240xf32, #tpu.memory_space<vmem>>[vector<16xi32>], vector<16xf32>,
      %get3A_97 = arith.index_cast %rem3A_17 : i32 to index
      %get3A_98 = arith.constant 192 : index
      %get3A_99 = tpu.vector_load %arg7[%get3A_97, %get3A_98] {strides = array<i32>} : memref<2x2048xi32, #tpu.memory_space<vmem>>, vector<16xi32>,
      tpu.vector_store_idx %arg9[%get3A_99], %broadcast_in_dim3A_3 {add = true} : memref<10240xf32, #tpu.memory_space<vmem>>[vector<16xi32>], vector<16xf32>,
      %get3A_100 = arith.index_cast %rem3A_17 : i32 to index
      %get3A_101 = arith.constant 208 : index
      %get3A_102 = tpu.vector_load %arg6[%get3A_100, %get3A_101] {strides = array<i32>} : memref<2x2048xi32, #tpu.memory_space<vmem>>, vector<16xi32>,
      tpu.vector_store_idx %arg8[%get3A_102], %broadcast_in_dim3A_3 {add = true} : memref<10240xf32, #tpu.memory_space<vmem>>[vector<16xi32>], vector<16xf32>,
      %get3A_103 = arith.index_cast %rem3A_17 : i32 to index
      %get3A_104 = arith.constant 208 : index
      %get3A_105 = tpu.vector_load %arg7[%get3A_103, %get3A_104] {strides = array<i32>} : memref<2x2048xi32, #tpu.memory_space<vmem>>, vector<16xi32>,
      tpu.vector_store_idx %arg9[%get3A_105], %broadcast_in_dim3A_3 {add = true} : memref<10240xf32, #tpu.memory_space<vmem>>[vector<16xi32>], vector<16xf32>,
      %get3A_106 = arith.index_cast %rem3A_17 : i32 to index
      %get3A_107 = arith.constant 224 : index
      %get3A_108 = tpu.vector_load %arg6[%get3A_106, %get3A_107] {strides = array<i32>} : memref<2x2048xi32, #tpu.memory_space<vmem>>, vector<16xi32>,
      tpu.vector_store_idx %arg8[%get3A_108], %broadcast_in_dim3A_3 {add = true} : memref<10240xf32, #tpu.memory_space<vmem>>[vector<16xi32>], vector<16xf32>,
      %get3A_109 = arith.index_cast %rem3A_17 : i32 to index
      %get3A_110 = arith.constant 224 : index
      %get3A_111 = tpu.vector_load %arg7[%get3A_109, %get3A_110] {strides = array<i32>} : memref<2x2048xi32, #tpu.memory_space<vmem>>, vector<16xi32>,
      tpu.vector_store_idx %arg9[%get3A_111], %broadcast_in_dim3A_3 {add = true} : memref<10240xf32, #tpu.memory_space<vmem>>[vector<16xi32>], vector<16xf32>,
      %get3A_112 = arith.index_cast %rem3A_17 : i32 to index
      %get3A_113 = arith.constant 240 : index
      %get3A_114 = tpu.vector_load %arg6[%get3A_112, %get3A_113] {strides = array<i32>} : memref<2x2048xi32, #tpu.memory_space<vmem>>, vector<16xi32>,
      tpu.vector_store_idx %arg8[%get3A_114], %broadcast_in_dim3A_3 {add = true} : memref<10240xf32, #tpu.memory_space<vmem>>[vector<16xi32>], vector<16xf32>,
      %get3A_115 = arith.index_cast %rem3A_17 : i32 to index
      %get3A_116 = arith.constant 240 : index
      %get3A_117 = tpu.vector_load %arg7[%get3A_115, %get3A_116] {strides = array<i32>} : memref<2x2048xi32, #tpu.memory_space<vmem>>, vector<16xi32>,
      tpu.vector_store_idx %arg9[%get3A_117], %broadcast_in_dim3A_3 {add = true} : memref<10240xf32, #tpu.memory_space<vmem>>[vector<16xi32>], vector<16xf32>,
      %get3A_118 = arith.index_cast %rem3A_17 : i32 to index
      %get3A_119 = arith.constant 256 : index
      %get3A_120 = tpu.vector_load %arg6[%get3A_118, %get3A_119] {strides = array<i32>} : memref<2x2048xi32, #tpu.memory_space<vmem>>, vector<16xi32>,
      tpu.vector_store_idx %arg8[%get3A_120], %broadcast_in_dim3A_3 {add = true} : memref<10240xf32, #tpu.memory_space<vmem>>[vector<16xi32>], vector<16xf32>,
      %get3A_121 = arith.index_cast %rem3A_17 : i32 to index
      %get3A_122 = arith.constant 256 : index
      %get3A_123 = tpu.vector_load %arg7[%get3A_121, %get3A_122] {strides = array<i32>} : memref<2x2048xi32, #tpu.memory_space<vmem>>, vector<16xi32>,
      tpu.vector_store_idx %arg9[%get3A_123], %broadcast_in_dim3A_3 {add = true} : memref<10240xf32, #tpu.memory_space<vmem>>[vector<16xi32>], vector<16xf32>,
      %get3A_124 = arith.index_cast %rem3A_17 : i32 to index
      %get3A_125 = arith.constant 272 : index
      %get3A_126 = tpu.vector_load %arg6[%get3A_124, %get3A_125] {strides = array<i32>} : memref<2x2048xi32, #tpu.memory_space<vmem>>, vector<16xi32>,
      tpu.vector_store_idx %arg8[%get3A_126], %broadcast_in_dim3A_3 {add = true} : memref<10240xf32, #tpu.memory_space<vmem>>[vector<16xi32>], vector<16xf32>,
      %get3A_127 = arith.index_cast %rem3A_17 : i32 to index
      %get3A_128 = arith.constant 272 : index
      %get3A_129 = tpu.vector_load %arg7[%get3A_127, %get3A_128] {strides = array<i32>} : memref<2x2048xi32, #tpu.memory_space<vmem>>, vector<16xi32>,
      tpu.vector_store_idx %arg9[%get3A_129], %broadcast_in_dim3A_3 {add = true} : memref<10240xf32, #tpu.memory_space<vmem>>[vector<16xi32>], vector<16xf32>,
      %get3A_130 = arith.index_cast %rem3A_17 : i32 to index
      %get3A_131 = arith.constant 288 : index
      %get3A_132 = tpu.vector_load %arg6[%get3A_130, %get3A_131] {strides = array<i32>} : memref<2x2048xi32, #tpu.memory_space<vmem>>, vector<16xi32>,
      tpu.vector_store_idx %arg8[%get3A_132], %broadcast_in_dim3A_3 {add = true} : memref<10240xf32, #tpu.memory_space<vmem>>[vector<16xi32>], vector<16xf32>,
      %get3A_133 = arith.index_cast %rem3A_17 : i32 to index
      %get3A_134 = arith.constant 288 : index
      %get3A_135 = tpu.vector_load %arg7[%get3A_133, %get3A_134] {strides = array<i32>} : memref<2x2048xi32, #tpu.memory_space<vmem>>, vector<16xi32>,
      tpu.vector_store_idx %arg9[%get3A_135], %broadcast_in_dim3A_3 {add = true} : memref<10240xf32, #tpu.memory_space<vmem>>[vector<16xi32>], vector<16xf32>,
      %get3A_136 = arith.index_cast %rem3A_17 : i32 to index
      %get3A_137 = arith.constant 304 : index
      %get3A_138 = tpu.vector_load %arg6[%get3A_136, %get3A_137] {strides = array<i32>} : memref<2x2048xi32, #tpu.memory_space<vmem>>, vector<16xi32>,
      tpu.vector_store_idx %arg8[%get3A_138], %broadcast_in_dim3A_3 {add = true} : memref<10240xf32, #tpu.memory_space<vmem>>[vector<16xi32>], vector<16xf32>,
      %get3A_139 = arith.index_cast %rem3A_17 : i32 to index
      %get3A_140 = arith.constant 304 : index
      %get3A_141 = tpu.vector_load %arg7[%get3A_139, %get3A_140] {strides = array<i32>} : memref<2x2048xi32, #tpu.memory_space<vmem>>, vector<16xi32>,
      tpu.vector_store_idx %arg9[%get3A_141], %broadcast_in_dim3A_3 {add = true} : memref<10240xf32, #tpu.memory_space<vmem>>[vector<16xi32>], vector<16xf32>,
      %get3A_142 = arith.index_cast %rem3A_17 : i32 to index
      %get3A_143 = arith.constant 320 : index
      %get3A_144 = tpu.vector_load %arg6[%get3A_142, %get3A_143] {strides = array<i32>} : memref<2x2048xi32, #tpu.memory_space<vmem>>, vector<16xi32>,
      tpu.vector_store_idx %arg8[%get3A_144], %broadcast_in_dim3A_3 {add = true} : memref<10240xf32, #tpu.memory_space<vmem>>[vector<16xi32>], vector<16xf32>,
      %get3A_145 = arith.index_cast %rem3A_17 : i32 to index
      %get3A_146 = arith.constant 320 : index
      %get3A_147 = tpu.vector_load %arg7[%get3A_145, %get3A_146] {strides = array<i32>} : memref<2x2048xi32, #tpu.memory_space<vmem>>, vector<16xi32>,
      tpu.vector_store_idx %arg9[%get3A_147], %broadcast_in_dim3A_3 {add = true} : memref<10240xf32, #tpu.memory_space<vmem>>[vector<16xi32>], vector<16xf32>,
      %get3A_148 = arith.index_cast %rem3A_17 : i32 to index
      %get3A_149 = arith.constant 336 : index
      %get3A_150 = tpu.vector_load %arg6[%get3A_148, %get3A_149] {strides = array<i32>} : memref<2x2048xi32, #tpu.memory_space<vmem>>, vector<16xi32>,
      tpu.vector_store_idx %arg8[%get3A_150], %broadcast_in_dim3A_3 {add = true} : memref<10240xf32, #tpu.memory_space<vmem>>[vector<16xi32>], vector<16xf32>,
      %get3A_151 = arith.index_cast %rem3A_17 : i32 to index
      %get3A_152 = arith.constant 336 : index
      %get3A_153 = tpu.vector_load %arg7[%get3A_151, %get3A_152] {strides = array<i32>} : memref<2x2048xi32, #tpu.memory_space<vmem>>, vector<16xi32>,
      tpu.vector_store_idx %arg9[%get3A_153], %broadcast_in_dim3A_3 {add = true} : memref<10240xf32, #tpu.memory_space<vmem>>[vector<16xi32>], vector<16xf32>,
      %get3A_154 = arith.index_cast %rem3A_17 : i32 to index
      %get3A_155 = arith.constant 352 : index
      %get3A_156 = tpu.vector_load %arg6[%get3A_154, %get3A_155] {strides = array<i32>} : memref<2x2048xi32, #tpu.memory_space<vmem>>, vector<16xi32>,
      tpu.vector_store_idx %arg8[%get3A_156], %broadcast_in_dim3A_3 {add = true} : memref<10240xf32, #tpu.memory_space<vmem>>[vector<16xi32>], vector<16xf32>,
      %get3A_157 = arith.index_cast %rem3A_17 : i32 to index
      %get3A_158 = arith.constant 352 : index
      %get3A_159 = tpu.vector_load %arg7[%get3A_157, %get3A_158] {strides = array<i32>} : memref<2x2048xi32, #tpu.memory_space<vmem>>, vector<16xi32>,
      tpu.vector_store_idx %arg9[%get3A_159], %broadcast_in_dim3A_3 {add = true} : memref<10240xf32, #tpu.memory_space<vmem>>[vector<16xi32>], vector<16xf32>,
      %get3A_160 = arith.index_cast %rem3A_17 : i32 to index
      %get3A_161 = arith.constant 368 : index
      %get3A_162 = tpu.vector_load %arg6[%get3A_160, %get3A_161] {strides = array<i32>} : memref<2x2048xi32, #tpu.memory_space<vmem>>, vector<16xi32>,
      tpu.vector_store_idx %arg8[%get3A_162], %broadcast_in_dim3A_3 {add = true} : memref<10240xf32, #tpu.memory_space<vmem>>[vector<16xi32>], vector<16xf32>,
      %get3A_163 = arith.index_cast %rem3A_17 : i32 to index
      %get3A_164 = arith.constant 368 : index
      %get3A_165 = tpu.vector_load %arg7[%get3A_163, %get3A_164] {strides = array<i32>} : memref<2x2048xi32, #tpu.memory_space<vmem>>, vector<16xi32>,
      tpu.vector_store_idx %arg9[%get3A_165], %broadcast_in_dim3A_3 {add = true} : memref<10240xf32, #tpu.memory_space<vmem>>[vector<16xi32>], vector<16xf32>,
      %get3A_166 = arith.index_cast %rem3A_17 : i32 to index
      %get3A_167 = arith.constant 384 : index
      %get3A_168 = tpu.vector_load %arg6[%get3A_166, %get3A_167] {strides = array<i32>} : memref<2x2048xi32, #tpu.memory_space<vmem>>, vector<16xi32>,
      tpu.vector_store_idx %arg8[%get3A_168], %broadcast_in_dim3A_3 {add = true} : memref<10240xf32, #tpu.memory_space<vmem>>[vector<16xi32>], vector<16xf32>,
      %get3A_169 = arith.index_cast %rem3A_17 : i32 to index
      %get3A_170 = arith.constant 384 : index
      %get3A_171 = tpu.vector_load %arg7[%get3A_169, %get3A_170] {strides = array<i32>} : memref<2x2048xi32, #tpu.memory_space<vmem>>, vector<16xi32>,
      tpu.vector_store_idx %arg9[%get3A_171], %broadcast_in_dim3A_3 {add = true} : memref<10240xf32, #tpu.memory_space<vmem>>[vector<16xi32>], vector<16xf32>,
      %get3A_172 = arith.index_cast %rem3A_17 : i32 to index
      %get3A_173 = arith.constant 400 : index
      %get3A_174 = tpu.vector_load %arg6[%get3A_172, %get3A_173] {strides = array<i32>} : memref<2x2048xi32, #tpu.memory_space<vmem>>, vector<16xi32>,
      tpu.vector_store_idx %arg8[%get3A_174], %broadcast_in_dim3A_3 {add = true} : memref<10240xf32, #tpu.memory_space<vmem>>[vector<16xi32>], vector<16xf32>,
      %get3A_175 = arith.index_cast %rem3A_17 : i32 to index
      %get3A_176 = arith.constant 400 : index
      %get3A_177 = tpu.vector_load %arg7[%get3A_175, %get3A_176] {strides = array<i32>} : memref<2x2048xi32, #tpu.memory_space<vmem>>, vector<16xi32>,
      tpu.vector_store_idx %arg9[%get3A_177], %broadcast_in_dim3A_3 {add = true} : memref<10240xf32, #tpu.memory_space<vmem>>[vector<16xi32>], vector<16xf32>,
      %get3A_178 = arith.index_cast %rem3A_17 : i32 to index
      %get3A_179 = arith.constant 416 : index
      %get3A_180 = tpu.vector_load %arg6[%get3A_178, %get3A_179] {strides = array<i32>} : memref<2x2048xi32, #tpu.memory_space<vmem>>, vector<16xi32>,
      tpu.vector_store_idx %arg8[%get3A_180], %broadcast_in_dim3A_3 {add = true} : memref<10240xf32, #tpu.memory_space<vmem>>[vector<16xi32>], vector<16xf32>,
      %get3A_181 = arith.index_cast %rem3A_17 : i32 to index
      %get3A_182 = arith.constant 416 : index
      %get3A_183 = tpu.vector_load %arg7[%get3A_181, %get3A_182] {strides = array<i32>} : memref<2x2048xi32, #tpu.memory_space<vmem>>, vector<16xi32>,
      tpu.vector_store_idx %arg9[%get3A_183], %broadcast_in_dim3A_3 {add = true} : memref<10240xf32, #tpu.memory_space<vmem>>[vector<16xi32>], vector<16xf32>,
      %get3A_184 = arith.index_cast %rem3A_17 : i32 to index
      %get3A_185 = arith.constant 432 : index
      %get3A_186 = tpu.vector_load %arg6[%get3A_184, %get3A_185] {strides = array<i32>} : memref<2x2048xi32, #tpu.memory_space<vmem>>, vector<16xi32>,
      tpu.vector_store_idx %arg8[%get3A_186], %broadcast_in_dim3A_3 {add = true} : memref<10240xf32, #tpu.memory_space<vmem>>[vector<16xi32>], vector<16xf32>,
      %get3A_187 = arith.index_cast %rem3A_17 : i32 to index
      %get3A_188 = arith.constant 432 : index
      %get3A_189 = tpu.vector_load %arg7[%get3A_187, %get3A_188] {strides = array<i32>} : memref<2x2048xi32, #tpu.memory_space<vmem>>, vector<16xi32>,
      tpu.vector_store_idx %arg9[%get3A_189], %broadcast_in_dim3A_3 {add = true} : memref<10240xf32, #tpu.memory_space<vmem>>[vector<16xi32>], vector<16xf32>,
      %get3A_190 = arith.index_cast %rem3A_17 : i32 to index
      %get3A_191 = arith.constant 448 : index
      %get3A_192 = tpu.vector_load %arg6[%get3A_190, %get3A_191] {strides = array<i32>} : memref<2x2048xi32, #tpu.memory_space<vmem>>, vector<16xi32>,
      tpu.vector_store_idx %arg8[%get3A_192], %broadcast_in_dim3A_3 {add = true} : memref<10240xf32, #tpu.memory_space<vmem>>[vector<16xi32>], vector<16xf32>,
      %get3A_193 = arith.index_cast %rem3A_17 : i32 to index
      %get3A_194 = arith.constant 448 : index
      %get3A_195 = tpu.vector_load %arg7[%get3A_193, %get3A_194] {strides = array<i32>} : memref<2x2048xi32, #tpu.memory_space<vmem>>, vector<16xi32>,
      tpu.vector_store_idx %arg9[%get3A_195], %broadcast_in_dim3A_3 {add = true} : memref<10240xf32, #tpu.memory_space<vmem>>[vector<16xi32>], vector<16xf32>,
      %get3A_196 = arith.index_cast %rem3A_17 : i32 to index
      %get3A_197 = arith.constant 464 : index
      %get3A_198 = tpu.vector_load %arg6[%get3A_196, %get3A_197] {strides = array<i32>} : memref<2x2048xi32, #tpu.memory_space<vmem>>, vector<16xi32>,
      tpu.vector_store_idx %arg8[%get3A_198], %broadcast_in_dim3A_3 {add = true} : memref<10240xf32, #tpu.memory_space<vmem>>[vector<16xi32>], vector<16xf32>,
      %get3A_199 = arith.index_cast %rem3A_17 : i32 to index
      %get3A_200 = arith.constant 464 : index
      %get3A_201 = tpu.vector_load %arg7[%get3A_199, %get3A_200] {strides = array<i32>} : memref<2x2048xi32, #tpu.memory_space<vmem>>, vector<16xi32>,
      tpu.vector_store_idx %arg9[%get3A_201], %broadcast_in_dim3A_3 {add = true} : memref<10240xf32, #tpu.memory_space<vmem>>[vector<16xi32>], vector<16xf32>,
      %get3A_202 = arith.index_cast %rem3A_17 : i32 to index
      %get3A_203 = arith.constant 480 : index
      %get3A_204 = tpu.vector_load %arg6[%get3A_202, %get3A_203] {strides = array<i32>} : memref<2x2048xi32, #tpu.memory_space<vmem>>, vector<16xi32>,
      tpu.vector_store_idx %arg8[%get3A_204], %broadcast_in_dim3A_3 {add = true} : memref<10240xf32, #tpu.memory_space<vmem>>[vector<16xi32>], vector<16xf32>,
      %get3A_205 = arith.index_cast %rem3A_17 : i32 to index
      %get3A_206 = arith.constant 480 : index
      %get3A_207 = tpu.vector_load %arg7[%get3A_205, %get3A_206] {strides = array<i32>} : memref<2x2048xi32, #tpu.memory_space<vmem>>, vector<16xi32>,
      tpu.vector_store_idx %arg9[%get3A_207], %broadcast_in_dim3A_3 {add = true} : memref<10240xf32, #tpu.memory_space<vmem>>[vector<16xi32>], vector<16xf32>,
      %get3A_208 = arith.index_cast %rem3A_17 : i32 to index
      %get3A_209 = arith.constant 496 : index
      %get3A_210 = tpu.vector_load %arg6[%get3A_208, %get3A_209] {strides = array<i32>} : memref<2x2048xi32, #tpu.memory_space<vmem>>, vector<16xi32>,
      tpu.vector_store_idx %arg8[%get3A_210], %broadcast_in_dim3A_3 {add = true} : memref<10240xf32, #tpu.memory_space<vmem>>[vector<16xi32>], vector<16xf32>,
      %get3A_211 = arith.index_cast %rem3A_17 : i32 to index
      %get3A_212 = arith.constant 496 : index
      %get3A_213 = tpu.vector_load %arg7[%get3A_211, %get3A_212] {strides = array<i32>} : memref<2x2048xi32, #tpu.memory_space<vmem>>, vector<16xi32>,
      tpu.vector_store_idx %arg9[%get3A_213], %broadcast_in_dim3A_3 {add = true} : memref<10240xf32, #tpu.memory_space<vmem>>[vector<16xi32>], vector<16xf32>,
      %get3A_214 = arith.index_cast %rem3A_17 : i32 to index
      %get3A_215 = arith.constant 512 : index
      %get3A_216 = tpu.vector_load %arg6[%get3A_214, %get3A_215] {strides = array<i32>} : memref<2x2048xi32, #tpu.memory_space<vmem>>, vector<16xi32>,
      tpu.vector_store_idx %arg8[%get3A_216], %broadcast_in_dim3A_3 {add = true} : memref<10240xf32, #tpu.memory_space<vmem>>[vector<16xi32>], vector<16xf32>,
      %get3A_217 = arith.index_cast %rem3A_17 : i32 to index
      %get3A_218 = arith.constant 512 : index
      %get3A_219 = tpu.vector_load %arg7[%get3A_217, %get3A_218] {strides = array<i32>} : memref<2x2048xi32, #tpu.memory_space<vmem>>, vector<16xi32>,
      tpu.vector_store_idx %arg9[%get3A_219], %broadcast_in_dim3A_3 {add = true} : memref<10240xf32, #tpu.memory_space<vmem>>[vector<16xi32>], vector<16xf32>,
      %get3A_220 = arith.index_cast %rem3A_17 : i32 to index
      %get3A_221 = arith.constant 528 : index
      %get3A_222 = tpu.vector_load %arg6[%get3A_220, %get3A_221] {strides = array<i32>} : memref<2x2048xi32, #tpu.memory_space<vmem>>, vector<16xi32>,
      tpu.vector_store_idx %arg8[%get3A_222], %broadcast_in_dim3A_3 {add = true} : memref<10240xf32, #tpu.memory_space<vmem>>[vector<16xi32>], vector<16xf32>,
      %get3A_223 = arith.index_cast %rem3A_17 : i32 to index
      %get3A_224 = arith.constant 528 : index
      %get3A_225 = tpu.vector_load %arg7[%get3A_223, %get3A_224] {strides = array<i32>} : memref<2x2048xi32, #tpu.memory_space<vmem>>, vector<16xi32>,
      tpu.vector_store_idx %arg9[%get3A_225], %broadcast_in_dim3A_3 {add = true} : memref<10240xf32, #tpu.memory_space<vmem>>[vector<16xi32>], vector<16xf32>,
      %get3A_226 = arith.index_cast %rem3A_17 : i32 to index
      %get3A_227 = arith.constant 544 : index
      %get3A_228 = tpu.vector_load %arg6[%get3A_226, %get3A_227] {strides = array<i32>} : memref<2x2048xi32, #tpu.memory_space<vmem>>, vector<16xi32>,
      tpu.vector_store_idx %arg8[%get3A_228], %broadcast_in_dim3A_3 {add = true} : memref<10240xf32, #tpu.memory_space<vmem>>[vector<16xi32>], vector<16xf32>,
      %get3A_229 = arith.index_cast %rem3A_17 : i32 to index
      %get3A_230 = arith.constant 544 : index
      %get3A_231 = tpu.vector_load %arg7[%get3A_229, %get3A_230] {strides = array<i32>} : memref<2x2048xi32, #tpu.memory_space<vmem>>, vector<16xi32>,
      tpu.vector_store_idx %arg9[%get3A_231], %broadcast_in_dim3A_3 {add = true} : memref<10240xf32, #tpu.memory_space<vmem>>[vector<16xi32>], vector<16xf32>,
      %get3A_232 = arith.index_cast %rem3A_17 : i32 to index
      %get3A_233 = arith.constant 560 : index
      %get3A_234 = tpu.vector_load %arg6[%get3A_232, %get3A_233] {strides = array<i32>} : memref<2x2048xi32, #tpu.memory_space<vmem>>, vector<16xi32>,
      tpu.vector_store_idx %arg8[%get3A_234], %broadcast_in_dim3A_3 {add = true} : memref<10240xf32, #tpu.memory_space<vmem>>[vector<16xi32>], vector<16xf32>,
      %get3A_235 = arith.index_cast %rem3A_17 : i32 to index
      %get3A_236 = arith.constant 560 : index
      %get3A_237 = tpu.vector_load %arg7[%get3A_235, %get3A_236] {strides = array<i32>} : memref<2x2048xi32, #tpu.memory_space<vmem>>, vector<16xi32>,
      tpu.vector_store_idx %arg9[%get3A_237], %broadcast_in_dim3A_3 {add = true} : memref<10240xf32, #tpu.memory_space<vmem>>[vector<16xi32>], vector<16xf32>,
      %get3A_238 = arith.index_cast %rem3A_17 : i32 to index
      %get3A_239 = arith.constant 576 : index
      %get3A_240 = tpu.vector_load %arg6[%get3A_238, %get3A_239] {strides = array<i32>} : memref<2x2048xi32, #tpu.memory_space<vmem>>, vector<16xi32>,
      tpu.vector_store_idx %arg8[%get3A_240], %broadcast_in_dim3A_3 {add = true} : memref<10240xf32, #tpu.memory_space<vmem>>[vector<16xi32>], vector<16xf32>,
      %get3A_241 = arith.index_cast %rem3A_17 : i32 to index
      %get3A_242 = arith.constant 576 : index
      %get3A_243 = tpu.vector_load %arg7[%get3A_241, %get3A_242] {strides = array<i32>} : memref<2x2048xi32, #tpu.memory_space<vmem>>, vector<16xi32>,
      tpu.vector_store_idx %arg9[%get3A_243], %broadcast_in_dim3A_3 {add = true} : memref<10240xf32, #tpu.memory_space<vmem>>[vector<16xi32>], vector<16xf32>,
      %get3A_244 = arith.index_cast %rem3A_17 : i32 to index
      %get3A_245 = arith.constant 592 : index
      %get3A_246 = tpu.vector_load %arg6[%get3A_244, %get3A_245] {strides = array<i32>} : memref<2x2048xi32, #tpu.memory_space<vmem>>, vector<16xi32>,
      tpu.vector_store_idx %arg8[%get3A_246], %broadcast_in_dim3A_3 {add = true} : memref<10240xf32, #tpu.memory_space<vmem>>[vector<16xi32>], vector<16xf32>,
      %get3A_247 = arith.index_cast %rem3A_17 : i32 to index
      %get3A_248 = arith.constant 592 : index
      %get3A_249 = tpu.vector_load %arg7[%get3A_247, %get3A_248] {strides = array<i32>} : memref<2x2048xi32, #tpu.memory_space<vmem>>, vector<16xi32>,
      tpu.vector_store_idx %arg9[%get3A_249], %broadcast_in_dim3A_3 {add = true} : memref<10240xf32, #tpu.memory_space<vmem>>[vector<16xi32>], vector<16xf32>,
      %get3A_250 = arith.index_cast %rem3A_17 : i32 to index
      %get3A_251 = arith.constant 608 : index
      %get3A_252 = tpu.vector_load %arg6[%get3A_250, %get3A_251] {strides = array<i32>} : memref<2x2048xi32, #tpu.memory_space<vmem>>, vector<16xi32>,
      tpu.vector_store_idx %arg8[%get3A_252], %broadcast_in_dim3A_3 {add = true} : memref<10240xf32, #tpu.memory_space<vmem>>[vector<16xi32>], vector<16xf32>,
      %get3A_253 = arith.index_cast %rem3A_17 : i32 to index
      %get3A_254 = arith.constant 608 : index
      %get3A_255 = tpu.vector_load %arg7[%get3A_253, %get3A_254] {strides = array<i32>} : memref<2x2048xi32, #tpu.memory_space<vmem>>, vector<16xi32>,
      tpu.vector_store_idx %arg9[%get3A_255], %broadcast_in_dim3A_3 {add = true} : memref<10240xf32, #tpu.memory_space<vmem>>[vector<16xi32>], vector<16xf32>,
      %get3A_256 = arith.index_cast %rem3A_17 : i32 to index
      %get3A_257 = arith.constant 624 : index
      %get3A_258 = tpu.vector_load %arg6[%get3A_256, %get3A_257] {strides = array<i32>} : memref<2x2048xi32, #tpu.memory_space<vmem>>, vector<16xi32>,
      tpu.vector_store_idx %arg8[%get3A_258], %broadcast_in_dim3A_3 {add = true} : memref<10240xf32, #tpu.memory_space<vmem>>[vector<16xi32>], vector<16xf32>,
      %get3A_259 = arith.index_cast %rem3A_17 : i32 to index
      %get3A_260 = arith.constant 624 : index
      %get3A_261 = tpu.vector_load %arg7[%get3A_259, %get3A_260] {strides = array<i32>} : memref<2x2048xi32, #tpu.memory_space<vmem>>, vector<16xi32>,
      tpu.vector_store_idx %arg9[%get3A_261], %broadcast_in_dim3A_3 {add = true} : memref<10240xf32, #tpu.memory_space<vmem>>[vector<16xi32>], vector<16xf32>,
      %get3A_262 = arith.index_cast %rem3A_17 : i32 to index
      %get3A_263 = arith.constant 640 : index
      %get3A_264 = tpu.vector_load %arg6[%get3A_262, %get3A_263] {strides = array<i32>} : memref<2x2048xi32, #tpu.memory_space<vmem>>, vector<16xi32>,
      tpu.vector_store_idx %arg8[%get3A_264], %broadcast_in_dim3A_3 {add = true} : memref<10240xf32, #tpu.memory_space<vmem>>[vector<16xi32>], vector<16xf32>,
      %get3A_265 = arith.index_cast %rem3A_17 : i32 to index
      %get3A_266 = arith.constant 640 : index
      %get3A_267 = tpu.vector_load %arg7[%get3A_265, %get3A_266] {strides = array<i32>} : memref<2x2048xi32, #tpu.memory_space<vmem>>, vector<16xi32>,
      tpu.vector_store_idx %arg9[%get3A_267], %broadcast_in_dim3A_3 {add = true} : memref<10240xf32, #tpu.memory_space<vmem>>[vector<16xi32>], vector<16xf32>,
      %get3A_268 = arith.index_cast %rem3A_17 : i32 to index
      %get3A_269 = arith.constant 656 : index
      %get3A_270 = tpu.vector_load %arg6[%get3A_268, %get3A_269] {strides = array<i32>} : memref<2x2048xi32, #tpu.memory_space<vmem>>, vector<16xi32>,
      tpu.vector_store_idx %arg8[%get3A_270], %broadcast_in_dim3A_3 {add = true} : memref<10240xf32, #tpu.memory_space<vmem>>[vector<16xi32>], vector<16xf32>,
      %get3A_271 = arith.index_cast %rem3A_17 : i32 to index
      %get3A_272 = arith.constant 656 : index
      %get3A_273 = tpu.vector_load %arg7[%get3A_271, %get3A_272] {strides = array<i32>} : memref<2x2048xi32, #tpu.memory_space<vmem>>, vector<16xi32>,
      tpu.vector_store_idx %arg9[%get3A_273], %broadcast_in_dim3A_3 {add = true} : memref<10240xf32, #tpu.memory_space<vmem>>[vector<16xi32>], vector<16xf32>,
      %get3A_274 = arith.index_cast %rem3A_17 : i32 to index
      %get3A_275 = arith.constant 672 : index
      %get3A_276 = tpu.vector_load %arg6[%get3A_274, %get3A_275] {strides = array<i32>} : memref<2x2048xi32, #tpu.memory_space<vmem>>, vector<16xi32>,
      tpu.vector_store_idx %arg8[%get3A_276], %broadcast_in_dim3A_3 {add = true} : memref<10240xf32, #tpu.memory_space<vmem>>[vector<16xi32>], vector<16xf32>,
      %get3A_277 = arith.index_cast %rem3A_17 : i32 to index
      %get3A_278 = arith.constant 672 : index
      %get3A_279 = tpu.vector_load %arg7[%get3A_277, %get3A_278] {strides = array<i32>} : memref<2x2048xi32, #tpu.memory_space<vmem>>, vector<16xi32>,
      tpu.vector_store_idx %arg9[%get3A_279], %broadcast_in_dim3A_3 {add = true} : memref<10240xf32, #tpu.memory_space<vmem>>[vector<16xi32>], vector<16xf32>,
      %get3A_280 = arith.index_cast %rem3A_17 : i32 to index
      %get3A_281 = arith.constant 688 : index
      %get3A_282 = tpu.vector_load %arg6[%get3A_280, %get3A_281] {strides = array<i32>} : memref<2x2048xi32, #tpu.memory_space<vmem>>, vector<16xi32>,
      tpu.vector_store_idx %arg8[%get3A_282], %broadcast_in_dim3A_3 {add = true} : memref<10240xf32, #tpu.memory_space<vmem>>[vector<16xi32>], vector<16xf32>,
      %get3A_283 = arith.index_cast %rem3A_17 : i32 to index
      %get3A_284 = arith.constant 688 : index
      %get3A_285 = tpu.vector_load %arg7[%get3A_283, %get3A_284] {strides = array<i32>} : memref<2x2048xi32, #tpu.memory_space<vmem>>, vector<16xi32>,
      tpu.vector_store_idx %arg9[%get3A_285], %broadcast_in_dim3A_3 {add = true} : memref<10240xf32, #tpu.memory_space<vmem>>[vector<16xi32>], vector<16xf32>,
      %get3A_286 = arith.index_cast %rem3A_17 : i32 to index
      %get3A_287 = arith.constant 704 : index
      %get3A_288 = tpu.vector_load %arg6[%get3A_286, %get3A_287] {strides = array<i32>} : memref<2x2048xi32, #tpu.memory_space<vmem>>, vector<16xi32>,
      tpu.vector_store_idx %arg8[%get3A_288], %broadcast_in_dim3A_3 {add = true} : memref<10240xf32, #tpu.memory_space<vmem>>[vector<16xi32>], vector<16xf32>,
      %get3A_289 = arith.index_cast %rem3A_17 : i32 to index
      %get3A_290 = arith.constant 704 : index
      %get3A_291 = tpu.vector_load %arg7[%get3A_289, %get3A_290] {strides = array<i32>} : memref<2x2048xi32, #tpu.memory_space<vmem>>, vector<16xi32>,
      tpu.vector_store_idx %arg9[%get3A_291], %broadcast_in_dim3A_3 {add = true} : memref<10240xf32, #tpu.memory_space<vmem>>[vector<16xi32>], vector<16xf32>,
      %get3A_292 = arith.index_cast %rem3A_17 : i32 to index
      %get3A_293 = arith.constant 720 : index
      %get3A_294 = tpu.vector_load %arg6[%get3A_292, %get3A_293] {strides = array<i32>} : memref<2x2048xi32, #tpu.memory_space<vmem>>, vector<16xi32>,
      tpu.vector_store_idx %arg8[%get3A_294], %broadcast_in_dim3A_3 {add = true} : memref<10240xf32, #tpu.memory_space<vmem>>[vector<16xi32>], vector<16xf32>,
      %get3A_295 = arith.index_cast %rem3A_17 : i32 to index
      %get3A_296 = arith.constant 720 : index
      %get3A_297 = tpu.vector_load %arg7[%get3A_295, %get3A_296] {strides = array<i32>} : memref<2x2048xi32, #tpu.memory_space<vmem>>, vector<16xi32>,
      tpu.vector_store_idx %arg9[%get3A_297], %broadcast_in_dim3A_3 {add = true} : memref<10240xf32, #tpu.memory_space<vmem>>[vector<16xi32>], vector<16xf32>,
      %get3A_298 = arith.index_cast %rem3A_17 : i32 to index
      %get3A_299 = arith.constant 736 : index
      %get3A_300 = tpu.vector_load %arg6[%get3A_298, %get3A_299] {strides = array<i32>} : memref<2x2048xi32, #tpu.memory_space<vmem>>, vector<16xi32>,
      tpu.vector_store_idx %arg8[%get3A_300], %broadcast_in_dim3A_3 {add = true} : memref<10240xf32, #tpu.memory_space<vmem>>[vector<16xi32>], vector<16xf32>,
      %get3A_301 = arith.index_cast %rem3A_17 : i32 to index
      %get3A_302 = arith.constant 736 : index
      %get3A_303 = tpu.vector_load %arg7[%get3A_301, %get3A_302] {strides = array<i32>} : memref<2x2048xi32, #tpu.memory_space<vmem>>, vector<16xi32>,
      tpu.vector_store_idx %arg9[%get3A_303], %broadcast_in_dim3A_3 {add = true} : memref<10240xf32, #tpu.memory_space<vmem>>[vector<16xi32>], vector<16xf32>,
      %get3A_304 = arith.index_cast %rem3A_17 : i32 to index
      %get3A_305 = arith.constant 752 : index
      %get3A_306 = tpu.vector_load %arg6[%get3A_304, %get3A_305] {strides = array<i32>} : memref<2x2048xi32, #tpu.memory_space<vmem>>, vector<16xi32>,
      tpu.vector_store_idx %arg8[%get3A_306], %broadcast_in_dim3A_3 {add = true} : memref<10240xf32, #tpu.memory_space<vmem>>[vector<16xi32>], vector<16xf32>,
      %get3A_307 = arith.index_cast %rem3A_17 : i32 to index
      %get3A_308 = arith.constant 752 : index
      %get3A_309 = tpu.vector_load %arg7[%get3A_307, %get3A_308] {strides = array<i32>} : memref<2x2048xi32, #tpu.memory_space<vmem>>, vector<16xi32>,
      tpu.vector_store_idx %arg9[%get3A_309], %broadcast_in_dim3A_3 {add = true} : memref<10240xf32, #tpu.memory_space<vmem>>[vector<16xi32>], vector<16xf32>,
      %get3A_310 = arith.index_cast %rem3A_17 : i32 to index
      %get3A_311 = arith.constant 768 : index
      %get3A_312 = tpu.vector_load %arg6[%get3A_310, %get3A_311] {strides = array<i32>} : memref<2x2048xi32, #tpu.memory_space<vmem>>, vector<16xi32>,
      tpu.vector_store_idx %arg8[%get3A_312], %broadcast_in_dim3A_3 {add = true} : memref<10240xf32, #tpu.memory_space<vmem>>[vector<16xi32>], vector<16xf32>,
      %get3A_313 = arith.index_cast %rem3A_17 : i32 to index
      %get3A_314 = arith.constant 768 : index
      %get3A_315 = tpu.vector_load %arg7[%get3A_313, %get3A_314] {strides = array<i32>} : memref<2x2048xi32, #tpu.memory_space<vmem>>, vector<16xi32>,
      tpu.vector_store_idx %arg9[%get3A_315], %broadcast_in_dim3A_3 {add = true} : memref<10240xf32, #tpu.memory_space<vmem>>[vector<16xi32>], vector<16xf32>,
      %get3A_316 = arith.index_cast %rem3A_17 : i32 to index
      %get3A_317 = arith.constant 784 : index
      %get3A_318 = tpu.vector_load %arg6[%get3A_316, %get3A_317] {strides = array<i32>} : memref<2x2048xi32, #tpu.memory_space<vmem>>, vector<16xi32>,
      tpu.vector_store_idx %arg8[%get3A_318], %broadcast_in_dim3A_3 {add = true} : memref<10240xf32, #tpu.memory_space<vmem>>[vector<16xi32>], vector<16xf32>,
      %get3A_319 = arith.index_cast %rem3A_17 : i32 to index
      %get3A_320 = arith.constant 784 : index
      %get3A_321 = tpu.vector_load %arg7[%get3A_319, %get3A_320] {strides = array<i32>} : memref<2x2048xi32, #tpu.memory_space<vmem>>, vector<16xi32>,
      tpu.vector_store_idx %arg9[%get3A_321], %broadcast_in_dim3A_3 {add = true} : memref<10240xf32, #tpu.memory_space<vmem>>[vector<16xi32>], vector<16xf32>,
      %get3A_322 = arith.index_cast %rem3A_17 : i32 to index
      %get3A_323 = arith.constant 800 : index
      %get3A_324 = tpu.vector_load %arg6[%get3A_322, %get3A_323] {strides = array<i32>} : memref<2x2048xi32, #tpu.memory_space<vmem>>, vector<16xi32>,
      tpu.vector_store_idx %arg8[%get3A_324], %broadcast_in_dim3A_3 {add = true} : memref<10240xf32, #tpu.memory_space<vmem>>[vector<16xi32>], vector<16xf32>,
      %get3A_325 = arith.index_cast %rem3A_17 : i32 to index
      %get3A_326 = arith.constant 800 : index
      %get3A_327 = tpu.vector_load %arg7[%get3A_325, %get3A_326] {strides = array<i32>} : memref<2x2048xi32, #tpu.memory_space<vmem>>, vector<16xi32>,
      tpu.vector_store_idx %arg9[%get3A_327], %broadcast_in_dim3A_3 {add = true} : memref<10240xf32, #tpu.memory_space<vmem>>[vector<16xi32>], vector<16xf32>,
      %get3A_328 = arith.index_cast %rem3A_17 : i32 to index
      %get3A_329 = arith.constant 816 : index
      %get3A_330 = tpu.vector_load %arg6[%get3A_328, %get3A_329] {strides = array<i32>} : memref<2x2048xi32, #tpu.memory_space<vmem>>, vector<16xi32>,
      tpu.vector_store_idx %arg8[%get3A_330], %broadcast_in_dim3A_3 {add = true} : memref<10240xf32, #tpu.memory_space<vmem>>[vector<16xi32>], vector<16xf32>,
      %get3A_331 = arith.index_cast %rem3A_17 : i32 to index
      %get3A_332 = arith.constant 816 : index
      %get3A_333 = tpu.vector_load %arg7[%get3A_331, %get3A_332] {strides = array<i32>} : memref<2x2048xi32, #tpu.memory_space<vmem>>, vector<16xi32>,
      tpu.vector_store_idx %arg9[%get3A_333], %broadcast_in_dim3A_3 {add = true} : memref<10240xf32, #tpu.memory_space<vmem>>[vector<16xi32>], vector<16xf32>,
      %get3A_334 = arith.index_cast %rem3A_17 : i32 to index
      %get3A_335 = arith.constant 832 : index
      %get3A_336 = tpu.vector_load %arg6[%get3A_334, %get3A_335] {strides = array<i32>} : memref<2x2048xi32, #tpu.memory_space<vmem>>, vector<16xi32>,
      tpu.vector_store_idx %arg8[%get3A_336], %broadcast_in_dim3A_3 {add = true} : memref<10240xf32, #tpu.memory_space<vmem>>[vector<16xi32>], vector<16xf32>,
      %get3A_337 = arith.index_cast %rem3A_17 : i32 to index
      %get3A_338 = arith.constant 832 : index
      %get3A_339 = tpu.vector_load %arg7[%get3A_337, %get3A_338] {strides = array<i32>} : memref<2x2048xi32, #tpu.memory_space<vmem>>, vector<16xi32>,
      tpu.vector_store_idx %arg9[%get3A_339], %broadcast_in_dim3A_3 {add = true} : memref<10240xf32, #tpu.memory_space<vmem>>[vector<16xi32>], vector<16xf32>,
      %get3A_340 = arith.index_cast %rem3A_17 : i32 to index
      %get3A_341 = arith.constant 848 : index
      %get3A_342 = tpu.vector_load %arg6[%get3A_340, %get3A_341] {strides = array<i32>} : memref<2x2048xi32, #tpu.memory_space<vmem>>, vector<16xi32>,
      tpu.vector_store_idx %arg8[%get3A_342], %broadcast_in_dim3A_3 {add = true} : memref<10240xf32, #tpu.memory_space<vmem>>[vector<16xi32>], vector<16xf32>,
      %get3A_343 = arith.index_cast %rem3A_17 : i32 to index
      %get3A_344 = arith.constant 848 : index
      %get3A_345 = tpu.vector_load %arg7[%get3A_343, %get3A_344] {strides = array<i32>} : memref<2x2048xi32, #tpu.memory_space<vmem>>, vector<16xi32>,
      tpu.vector_store_idx %arg9[%get3A_345], %broadcast_in_dim3A_3 {add = true} : memref<10240xf32, #tpu.memory_space<vmem>>[vector<16xi32>], vector<16xf32>,
      %get3A_346 = arith.index_cast %rem3A_17 : i32 to index
      %get3A_347 = arith.constant 864 : index
      %get3A_348 = tpu.vector_load %arg6[%get3A_346, %get3A_347] {strides = array<i32>} : memref<2x2048xi32, #tpu.memory_space<vmem>>, vector<16xi32>,
      tpu.vector_store_idx %arg8[%get3A_348], %broadcast_in_dim3A_3 {add = true} : memref<10240xf32, #tpu.memory_space<vmem>>[vector<16xi32>], vector<16xf32>,
      %get3A_349 = arith.index_cast %rem3A_17 : i32 to index
      %get3A_350 = arith.constant 864 : index
      %get3A_351 = tpu.vector_load %arg7[%get3A_349, %get3A_350] {strides = array<i32>} : memref<2x2048xi32, #tpu.memory_space<vmem>>, vector<16xi32>,
      tpu.vector_store_idx %arg9[%get3A_351], %broadcast_in_dim3A_3 {add = true} : memref<10240xf32, #tpu.memory_space<vmem>>[vector<16xi32>], vector<16xf32>,
      %get3A_352 = arith.index_cast %rem3A_17 : i32 to index
      %get3A_353 = arith.constant 880 : index
      %get3A_354 = tpu.vector_load %arg6[%get3A_352, %get3A_353] {strides = array<i32>} : memref<2x2048xi32, #tpu.memory_space<vmem>>, vector<16xi32>,
      tpu.vector_store_idx %arg8[%get3A_354], %broadcast_in_dim3A_3 {add = true} : memref<10240xf32, #tpu.memory_space<vmem>>[vector<16xi32>], vector<16xf32>,
      %get3A_355 = arith.index_cast %rem3A_17 : i32 to index
      %get3A_356 = arith.constant 880 : index
      %get3A_357 = tpu.vector_load %arg7[%get3A_355, %get3A_356] {strides = array<i32>} : memref<2x2048xi32, #tpu.memory_space<vmem>>, vector<16xi32>,
      tpu.vector_store_idx %arg9[%get3A_357], %broadcast_in_dim3A_3 {add = true} : memref<10240xf32, #tpu.memory_space<vmem>>[vector<16xi32>], vector<16xf32>,
      %get3A_358 = arith.index_cast %rem3A_17 : i32 to index
      %get3A_359 = arith.constant 896 : index
      %get3A_360 = tpu.vector_load %arg6[%get3A_358, %get3A_359] {strides = array<i32>} : memref<2x2048xi32, #tpu.memory_space<vmem>>, vector<16xi32>,
      tpu.vector_store_idx %arg8[%get3A_360], %broadcast_in_dim3A_3 {add = true} : memref<10240xf32, #tpu.memory_space<vmem>>[vector<16xi32>], vector<16xf32>,
      %get3A_361 = arith.index_cast %rem3A_17 : i32 to index
      %get3A_362 = arith.constant 896 : index
      %get3A_363 = tpu.vector_load %arg7[%get3A_361, %get3A_362] {strides = array<i32>} : memref<2x2048xi32, #tpu.memory_space<vmem>>, vector<16xi32>,
      tpu.vector_store_idx %arg9[%get3A_363], %broadcast_in_dim3A_3 {add = true} : memref<10240xf32, #tpu.memory_space<vmem>>[vector<16xi32>], vector<16xf32>,
      %get3A_364 = arith.index_cast %rem3A_17 : i32 to index
      %get3A_365 = arith.constant 912 : index
      %get3A_366 = tpu.vector_load %arg6[%get3A_364, %get3A_365] {strides = array<i32>} : memref<2x2048xi32, #tpu.memory_space<vmem>>, vector<16xi32>,
      tpu.vector_store_idx %arg8[%get3A_366], %broadcast_in_dim3A_3 {add = true} : memref<10240xf32, #tpu.memory_space<vmem>>[vector<16xi32>], vector<16xf32>,
      %get3A_367 = arith.index_cast %rem3A_17 : i32 to index
      %get3A_368 = arith.constant 912 : index
      %get3A_369 = tpu.vector_load %arg7[%get3A_367, %get3A_368] {strides = array<i32>} : memref<2x2048xi32, #tpu.memory_space<vmem>>, vector<16xi32>,
      tpu.vector_store_idx %arg9[%get3A_369], %broadcast_in_dim3A_3 {add = true} : memref<10240xf32, #tpu.memory_space<vmem>>[vector<16xi32>], vector<16xf32>,
      %get3A_370 = arith.index_cast %rem3A_17 : i32 to index
      %get3A_371 = arith.constant 928 : index
      %get3A_372 = tpu.vector_load %arg6[%get3A_370, %get3A_371] {strides = array<i32>} : memref<2x2048xi32, #tpu.memory_space<vmem>>, vector<16xi32>,
      tpu.vector_store_idx %arg8[%get3A_372], %broadcast_in_dim3A_3 {add = true} : memref<10240xf32, #tpu.memory_space<vmem>>[vector<16xi32>], vector<16xf32>,
      %get3A_373 = arith.index_cast %rem3A_17 : i32 to index
      %get3A_374 = arith.constant 928 : index
      %get3A_375 = tpu.vector_load %arg7[%get3A_373, %get3A_374] {strides = array<i32>} : memref<2x2048xi32, #tpu.memory_space<vmem>>, vector<16xi32>,
      tpu.vector_store_idx %arg9[%get3A_375], %broadcast_in_dim3A_3 {add = true} : memref<10240xf32, #tpu.memory_space<vmem>>[vector<16xi32>], vector<16xf32>,
      %get3A_376 = arith.index_cast %rem3A_17 : i32 to index
      %get3A_377 = arith.constant 944 : index
      %get3A_378 = tpu.vector_load %arg6[%get3A_376, %get3A_377] {strides = array<i32>} : memref<2x2048xi32, #tpu.memory_space<vmem>>, vector<16xi32>,
      tpu.vector_store_idx %arg8[%get3A_378], %broadcast_in_dim3A_3 {add = true} : memref<10240xf32, #tpu.memory_space<vmem>>[vector<16xi32>], vector<16xf32>,
      %get3A_379 = arith.index_cast %rem3A_17 : i32 to index
      %get3A_380 = arith.constant 944 : index
      %get3A_381 = tpu.vector_load %arg7[%get3A_379, %get3A_380] {strides = array<i32>} : memref<2x2048xi32, #tpu.memory_space<vmem>>, vector<16xi32>,
      tpu.vector_store_idx %arg9[%get3A_381], %broadcast_in_dim3A_3 {add = true} : memref<10240xf32, #tpu.memory_space<vmem>>[vector<16xi32>], vector<16xf32>,
      %get3A_382 = arith.index_cast %rem3A_17 : i32 to index
      %get3A_383 = arith.constant 960 : index
      %get3A_384 = tpu.vector_load %arg6[%get3A_382, %get3A_383] {strides = array<i32>} : memref<2x2048xi32, #tpu.memory_space<vmem>>, vector<16xi32>,
      tpu.vector_store_idx %arg8[%get3A_384], %broadcast_in_dim3A_3 {add = true} : memref<10240xf32, #tpu.memory_space<vmem>>[vector<16xi32>], vector<16xf32>,
      %get3A_385 = arith.index_cast %rem3A_17 : i32 to index
      %get3A_386 = arith.constant 960 : index
      %get3A_387 = tpu.vector_load %arg7[%get3A_385, %get3A_386] {strides = array<i32>} : memref<2x2048xi32, #tpu.memory_space<vmem>>, vector<16xi32>,
      tpu.vector_store_idx %arg9[%get3A_387], %broadcast_in_dim3A_3 {add = true} : memref<10240xf32, #tpu.memory_space<vmem>>[vector<16xi32>], vector<16xf32>,
      %get3A_388 = arith.index_cast %rem3A_17 : i32 to index
      %get3A_389 = arith.constant 976 : index
      %get3A_390 = tpu.vector_load %arg6[%get3A_388, %get3A_389] {strides = array<i32>} : memref<2x2048xi32, #tpu.memory_space<vmem>>, vector<16xi32>,
      tpu.vector_store_idx %arg8[%get3A_390], %broadcast_in_dim3A_3 {add = true} : memref<10240xf32, #tpu.memory_space<vmem>>[vector<16xi32>], vector<16xf32>,
      %get3A_391 = arith.index_cast %rem3A_17 : i32 to index
      %get3A_392 = arith.constant 976 : index
      %get3A_393 = tpu.vector_load %arg7[%get3A_391, %get3A_392] {strides = array<i32>} : memref<2x2048xi32, #tpu.memory_space<vmem>>, vector<16xi32>,
      tpu.vector_store_idx %arg9[%get3A_393], %broadcast_in_dim3A_3 {add = true} : memref<10240xf32, #tpu.memory_space<vmem>>[vector<16xi32>], vector<16xf32>,
      %get3A_394 = arith.index_cast %rem3A_17 : i32 to index
      %get3A_395 = arith.constant 992 : index
      %get3A_396 = tpu.vector_load %arg6[%get3A_394, %get3A_395] {strides = array<i32>} : memref<2x2048xi32, #tpu.memory_space<vmem>>, vector<16xi32>,
      tpu.vector_store_idx %arg8[%get3A_396], %broadcast_in_dim3A_3 {add = true} : memref<10240xf32, #tpu.memory_space<vmem>>[vector<16xi32>], vector<16xf32>,
      %get3A_397 = arith.index_cast %rem3A_17 : i32 to index
      %get3A_398 = arith.constant 992 : index
      %get3A_399 = tpu.vector_load %arg7[%get3A_397, %get3A_398] {strides = array<i32>} : memref<2x2048xi32, #tpu.memory_space<vmem>>, vector<16xi32>,
      tpu.vector_store_idx %arg9[%get3A_399], %broadcast_in_dim3A_3 {add = true} : memref<10240xf32, #tpu.memory_space<vmem>>[vector<16xi32>], vector<16xf32>,
      %get3A_400 = arith.index_cast %rem3A_17 : i32 to index
      %get3A_401 = arith.constant 1008 : index
      %get3A_402 = tpu.vector_load %arg6[%get3A_400, %get3A_401] {strides = array<i32>} : memref<2x2048xi32, #tpu.memory_space<vmem>>, vector<16xi32>,
      tpu.vector_store_idx %arg8[%get3A_402], %broadcast_in_dim3A_3 {add = true} : memref<10240xf32, #tpu.memory_space<vmem>>[vector<16xi32>], vector<16xf32>,
      %get3A_403 = arith.index_cast %rem3A_17 : i32 to index
      %get3A_404 = arith.constant 1008 : index
      %get3A_405 = tpu.vector_load %arg7[%get3A_403, %get3A_404] {strides = array<i32>} : memref<2x2048xi32, #tpu.memory_space<vmem>>, vector<16xi32>,
      tpu.vector_store_idx %arg9[%get3A_405], %broadcast_in_dim3A_3 {add = true} : memref<10240xf32, #tpu.memory_space<vmem>>[vector<16xi32>], vector<16xf32>,
      %get3A_406 = arith.index_cast %rem3A_17 : i32 to index
      %get3A_407 = arith.constant 1024 : index
      %get3A_408 = tpu.vector_load %arg6[%get3A_406, %get3A_407] {strides = array<i32>} : memref<2x2048xi32, #tpu.memory_space<vmem>>, vector<16xi32>,
      tpu.vector_store_idx %arg8[%get3A_408], %broadcast_in_dim3A_3 {add = true} : memref<10240xf32, #tpu.memory_space<vmem>>[vector<16xi32>], vector<16xf32>,
      %get3A_409 = arith.index_cast %rem3A_17 : i32 to index
      %get3A_410 = arith.constant 1024 : index
      %get3A_411 = tpu.vector_load %arg7[%get3A_409, %get3A_410] {strides = array<i32>} : memref<2x2048xi32, #tpu.memory_space<vmem>>, vector<16xi32>,
      tpu.vector_store_idx %arg9[%get3A_411], %broadcast_in_dim3A_3 {add = true} : memref<10240xf32, #tpu.memory_space<vmem>>[vector<16xi32>], vector<16xf32>,
      %get3A_412 = arith.index_cast %rem3A_17 : i32 to index
      %get3A_413 = arith.constant 1040 : index
      %get3A_414 = tpu.vector_load %arg6[%get3A_412, %get3A_413] {strides = array<i32>} : memref<2x2048xi32, #tpu.memory_space<vmem>>, vector<16xi32>,
      tpu.vector_store_idx %arg8[%get3A_414], %broadcast_in_dim3A_3 {add = true} : memref<10240xf32, #tpu.memory_space<vmem>>[vector<16xi32>], vector<16xf32>,
      %get3A_415 = arith.index_cast %rem3A_17 : i32 to index
      %get3A_416 = arith.constant 1040 : index
      %get3A_417 = tpu.vector_load %arg7[%get3A_415, %get3A_416] {strides = array<i32>} : memref<2x2048xi32, #tpu.memory_space<vmem>>, vector<16xi32>,
      tpu.vector_store_idx %arg9[%get3A_417], %broadcast_in_dim3A_3 {add = true} : memref<10240xf32, #tpu.memory_space<vmem>>[vector<16xi32>], vector<16xf32>,
      %get3A_418 = arith.index_cast %rem3A_17 : i32 to index
      %get3A_419 = arith.constant 1056 : index
      %get3A_420 = tpu.vector_load %arg6[%get3A_418, %get3A_419] {strides = array<i32>} : memref<2x2048xi32, #tpu.memory_space<vmem>>, vector<16xi32>,
      tpu.vector_store_idx %arg8[%get3A_420], %broadcast_in_dim3A_3 {add = true} : memref<10240xf32, #tpu.memory_space<vmem>>[vector<16xi32>], vector<16xf32>,
      %get3A_421 = arith.index_cast %rem3A_17 : i32 to index
      %get3A_422 = arith.constant 1056 : index
      %get3A_423 = tpu.vector_load %arg7[%get3A_421, %get3A_422] {strides = array<i32>} : memref<2x2048xi32, #tpu.memory_space<vmem>>, vector<16xi32>,
      tpu.vector_store_idx %arg9[%get3A_423], %broadcast_in_dim3A_3 {add = true} : memref<10240xf32, #tpu.memory_space<vmem>>[vector<16xi32>], vector<16xf32>,
      %get3A_424 = arith.index_cast %rem3A_17 : i32 to index
      %get3A_425 = arith.constant 1072 : index
      %get3A_426 = tpu.vector_load %arg6[%get3A_424, %get3A_425] {strides = array<i32>} : memref<2x2048xi32, #tpu.memory_space<vmem>>, vector<16xi32>,
      tpu.vector_store_idx %arg8[%get3A_426], %broadcast_in_dim3A_3 {add = true} : memref<10240xf32, #tpu.memory_space<vmem>>[vector<16xi32>], vector<16xf32>,
      %get3A_427 = arith.index_cast %rem3A_17 : i32 to index
      %get3A_428 = arith.constant 1072 : index
      %get3A_429 = tpu.vector_load %arg7[%get3A_427, %get3A_428] {strides = array<i32>} : memref<2x2048xi32, #tpu.memory_space<vmem>>, vector<16xi32>,
      tpu.vector_store_idx %arg9[%get3A_429], %broadcast_in_dim3A_3 {add = true} : memref<10240xf32, #tpu.memory_space<vmem>>[vector<16xi32>], vector<16xf32>,
      %get3A_430 = arith.index_cast %rem3A_17 : i32 to index
      %get3A_431 = arith.constant 1088 : index
      %get3A_432 = tpu.vector_load %arg6[%get3A_430, %get3A_431] {strides = array<i32>} : memref<2x2048xi32, #tpu.memory_space<vmem>>, vector<16xi32>,
      tpu.vector_store_idx %arg8[%get3A_432], %broadcast_in_dim3A_3 {add = true} : memref<10240xf32, #tpu.memory_space<vmem>>[vector<16xi32>], vector<16xf32>,
      %get3A_433 = arith.index_cast %rem3A_17 : i32 to index
      %get3A_434 = arith.constant 1088 : index
      %get3A_435 = tpu.vector_load %arg7[%get3A_433, %get3A_434] {strides = array<i32>} : memref<2x2048xi32, #tpu.memory_space<vmem>>, vector<16xi32>,
      tpu.vector_store_idx %arg9[%get3A_435], %broadcast_in_dim3A_3 {add = true} : memref<10240xf32, #tpu.memory_space<vmem>>[vector<16xi32>], vector<16xf32>,
      %get3A_436 = arith.index_cast %rem3A_17 : i32 to index
      %get3A_437 = arith.constant 1104 : index
      %get3A_438 = tpu.vector_load %arg6[%get3A_436, %get3A_437] {strides = array<i32>} : memref<2x2048xi32, #tpu.memory_space<vmem>>, vector<16xi32>,
      tpu.vector_store_idx %arg8[%get3A_438], %broadcast_in_dim3A_3 {add = true} : memref<10240xf32, #tpu.memory_space<vmem>>[vector<16xi32>], vector<16xf32>,
      %get3A_439 = arith.index_cast %rem3A_17 : i32 to index
      %get3A_440 = arith.constant 1104 : index
      %get3A_441 = tpu.vector_load %arg7[%get3A_439, %get3A_440] {strides = array<i32>} : memref<2x2048xi32, #tpu.memory_space<vmem>>, vector<16xi32>,
      tpu.vector_store_idx %arg9[%get3A_441], %broadcast_in_dim3A_3 {add = true} : memref<10240xf32, #tpu.memory_space<vmem>>[vector<16xi32>], vector<16xf32>,
      %get3A_442 = arith.index_cast %rem3A_17 : i32 to index
      %get3A_443 = arith.constant 1120 : index
      %get3A_444 = tpu.vector_load %arg6[%get3A_442, %get3A_443] {strides = array<i32>} : memref<2x2048xi32, #tpu.memory_space<vmem>>, vector<16xi32>,
      tpu.vector_store_idx %arg8[%get3A_444], %broadcast_in_dim3A_3 {add = true} : memref<10240xf32, #tpu.memory_space<vmem>>[vector<16xi32>], vector<16xf32>,
      %get3A_445 = arith.index_cast %rem3A_17 : i32 to index
      %get3A_446 = arith.constant 1120 : index
      %get3A_447 = tpu.vector_load %arg7[%get3A_445, %get3A_446] {strides = array<i32>} : memref<2x2048xi32, #tpu.memory_space<vmem>>, vector<16xi32>,
      tpu.vector_store_idx %arg9[%get3A_447], %broadcast_in_dim3A_3 {add = true} : memref<10240xf32, #tpu.memory_space<vmem>>[vector<16xi32>], vector<16xf32>,
      %get3A_448 = arith.index_cast %rem3A_17 : i32 to index
      %get3A_449 = arith.constant 1136 : index
      %get3A_450 = tpu.vector_load %arg6[%get3A_448, %get3A_449] {strides = array<i32>} : memref<2x2048xi32, #tpu.memory_space<vmem>>, vector<16xi32>,
      tpu.vector_store_idx %arg8[%get3A_450], %broadcast_in_dim3A_3 {add = true} : memref<10240xf32, #tpu.memory_space<vmem>>[vector<16xi32>], vector<16xf32>,
      %get3A_451 = arith.index_cast %rem3A_17 : i32 to index
      %get3A_452 = arith.constant 1136 : index
      %get3A_453 = tpu.vector_load %arg7[%get3A_451, %get3A_452] {strides = array<i32>} : memref<2x2048xi32, #tpu.memory_space<vmem>>, vector<16xi32>,
      tpu.vector_store_idx %arg9[%get3A_453], %broadcast_in_dim3A_3 {add = true} : memref<10240xf32, #tpu.memory_space<vmem>>[vector<16xi32>], vector<16xf32>,
      %get3A_454 = arith.index_cast %rem3A_17 : i32 to index
      %get3A_455 = arith.constant 1152 : index
      %get3A_456 = tpu.vector_load %arg6[%get3A_454, %get3A_455] {strides = array<i32>} : memref<2x2048xi32, #tpu.memory_space<vmem>>, vector<16xi32>,
      tpu.vector_store_idx %arg8[%get3A_456], %broadcast_in_dim3A_3 {add = true} : memref<10240xf32, #tpu.memory_space<vmem>>[vector<16xi32>], vector<16xf32>,
      %get3A_457 = arith.index_cast %rem3A_17 : i32 to index
      %get3A_458 = arith.constant 1152 : index
      %get3A_459 = tpu.vector_load %arg7[%get3A_457, %get3A_458] {strides = array<i32>} : memref<2x2048xi32, #tpu.memory_space<vmem>>, vector<16xi32>,
      tpu.vector_store_idx %arg9[%get3A_459], %broadcast_in_dim3A_3 {add = true} : memref<10240xf32, #tpu.memory_space<vmem>>[vector<16xi32>], vector<16xf32>,
      %get3A_460 = arith.index_cast %rem3A_17 : i32 to index
      %get3A_461 = arith.constant 1168 : index
      %get3A_462 = tpu.vector_load %arg6[%get3A_460, %get3A_461] {strides = array<i32>} : memref<2x2048xi32, #tpu.memory_space<vmem>>, vector<16xi32>,
      tpu.vector_store_idx %arg8[%get3A_462], %broadcast_in_dim3A_3 {add = true} : memref<10240xf32, #tpu.memory_space<vmem>>[vector<16xi32>], vector<16xf32>,
      %get3A_463 = arith.index_cast %rem3A_17 : i32 to index
      %get3A_464 = arith.constant 1168 : index
      %get3A_465 = tpu.vector_load %arg7[%get3A_463, %get3A_464] {strides = array<i32>} : memref<2x2048xi32, #tpu.memory_space<vmem>>, vector<16xi32>,
      tpu.vector_store_idx %arg9[%get3A_465], %broadcast_in_dim3A_3 {add = true} : memref<10240xf32, #tpu.memory_space<vmem>>[vector<16xi32>], vector<16xf32>,
      %get3A_466 = arith.index_cast %rem3A_17 : i32 to index
      %get3A_467 = arith.constant 1184 : index
      %get3A_468 = tpu.vector_load %arg6[%get3A_466, %get3A_467] {strides = array<i32>} : memref<2x2048xi32, #tpu.memory_space<vmem>>, vector<16xi32>,
      tpu.vector_store_idx %arg8[%get3A_468], %broadcast_in_dim3A_3 {add = true} : memref<10240xf32, #tpu.memory_space<vmem>>[vector<16xi32>], vector<16xf32>,
      %get3A_469 = arith.index_cast %rem3A_17 : i32 to index
      %get3A_470 = arith.constant 1184 : index
      %get3A_471 = tpu.vector_load %arg7[%get3A_469, %get3A_470] {strides = array<i32>} : memref<2x2048xi32, #tpu.memory_space<vmem>>, vector<16xi32>,
      tpu.vector_store_idx %arg9[%get3A_471], %broadcast_in_dim3A_3 {add = true} : memref<10240xf32, #tpu.memory_space<vmem>>[vector<16xi32>], vector<16xf32>,
      %get3A_472 = arith.index_cast %rem3A_17 : i32 to index
      %get3A_473 = arith.constant 1200 : index
      %get3A_474 = tpu.vector_load %arg6[%get3A_472, %get3A_473] {strides = array<i32>} : memref<2x2048xi32, #tpu.memory_space<vmem>>, vector<16xi32>,
      tpu.vector_store_idx %arg8[%get3A_474], %broadcast_in_dim3A_3 {add = true} : memref<10240xf32, #tpu.memory_space<vmem>>[vector<16xi32>], vector<16xf32>,
      %get3A_475 = arith.index_cast %rem3A_17 : i32 to index
      %get3A_476 = arith.constant 1200 : index
      %get3A_477 = tpu.vector_load %arg7[%get3A_475, %get3A_476] {strides = array<i32>} : memref<2x2048xi32, #tpu.memory_space<vmem>>, vector<16xi32>,
      tpu.vector_store_idx %arg9[%get3A_477], %broadcast_in_dim3A_3 {add = true} : memref<10240xf32, #tpu.memory_space<vmem>>[vector<16xi32>], vector<16xf32>,
      %get3A_478 = arith.index_cast %rem3A_17 : i32 to index
      %get3A_479 = arith.constant 1216 : index
      %get3A_480 = tpu.vector_load %arg6[%get3A_478, %get3A_479] {strides = array<i32>} : memref<2x2048xi32, #tpu.memory_space<vmem>>, vector<16xi32>,
      tpu.vector_store_idx %arg8[%get3A_480], %broadcast_in_dim3A_3 {add = true} : memref<10240xf32, #tpu.memory_space<vmem>>[vector<16xi32>], vector<16xf32>,
      %get3A_481 = arith.index_cast %rem3A_17 : i32 to index
      %get3A_482 = arith.constant 1216 : index
      %get3A_483 = tpu.vector_load %arg7[%get3A_481, %get3A_482] {strides = array<i32>} : memref<2x2048xi32, #tpu.memory_space<vmem>>, vector<16xi32>,
      tpu.vector_store_idx %arg9[%get3A_483], %broadcast_in_dim3A_3 {add = true} : memref<10240xf32, #tpu.memory_space<vmem>>[vector<16xi32>], vector<16xf32>,
      %get3A_484 = arith.index_cast %rem3A_17 : i32 to index
      %get3A_485 = arith.constant 1232 : index
      %get3A_486 = tpu.vector_load %arg6[%get3A_484, %get3A_485] {strides = array<i32>} : memref<2x2048xi32, #tpu.memory_space<vmem>>, vector<16xi32>,
      tpu.vector_store_idx %arg8[%get3A_486], %broadcast_in_dim3A_3 {add = true} : memref<10240xf32, #tpu.memory_space<vmem>>[vector<16xi32>], vector<16xf32>,
      %get3A_487 = arith.index_cast %rem3A_17 : i32 to index
      %get3A_488 = arith.constant 1232 : index
      %get3A_489 = tpu.vector_load %arg7[%get3A_487, %get3A_488] {strides = array<i32>} : memref<2x2048xi32, #tpu.memory_space<vmem>>, vector<16xi32>,
      tpu.vector_store_idx %arg9[%get3A_489], %broadcast_in_dim3A_3 {add = true} : memref<10240xf32, #tpu.memory_space<vmem>>[vector<16xi32>], vector<16xf32>,
      %get3A_490 = arith.index_cast %rem3A_17 : i32 to index
      %get3A_491 = arith.constant 1248 : index
      %get3A_492 = tpu.vector_load %arg6[%get3A_490, %get3A_491] {strides = array<i32>} : memref<2x2048xi32, #tpu.memory_space<vmem>>, vector<16xi32>,
      tpu.vector_store_idx %arg8[%get3A_492], %broadcast_in_dim3A_3 {add = true} : memref<10240xf32, #tpu.memory_space<vmem>>[vector<16xi32>], vector<16xf32>,
      %get3A_493 = arith.index_cast %rem3A_17 : i32 to index
      %get3A_494 = arith.constant 1248 : index
      %get3A_495 = tpu.vector_load %arg7[%get3A_493, %get3A_494] {strides = array<i32>} : memref<2x2048xi32, #tpu.memory_space<vmem>>, vector<16xi32>,
      tpu.vector_store_idx %arg9[%get3A_495], %broadcast_in_dim3A_3 {add = true} : memref<10240xf32, #tpu.memory_space<vmem>>[vector<16xi32>], vector<16xf32>,
      %get3A_496 = arith.index_cast %rem3A_17 : i32 to index
      %get3A_497 = arith.constant 1264 : index
      %get3A_498 = tpu.vector_load %arg6[%get3A_496, %get3A_497] {strides = array<i32>} : memref<2x2048xi32, #tpu.memory_space<vmem>>, vector<16xi32>,
      tpu.vector_store_idx %arg8[%get3A_498], %broadcast_in_dim3A_3 {add = true} : memref<10240xf32, #tpu.memory_space<vmem>>[vector<16xi32>], vector<16xf32>,
      %get3A_499 = arith.index_cast %rem3A_17 : i32 to index
      %get3A_500 = arith.constant 1264 : index
      %get3A_501 = tpu.vector_load %arg7[%get3A_499, %get3A_500] {strides = array<i32>} : memref<2x2048xi32, #tpu.memory_space<vmem>>, vector<16xi32>,
      tpu.vector_store_idx %arg9[%get3A_501], %broadcast_in_dim3A_3 {add = true} : memref<10240xf32, #tpu.memory_space<vmem>>[vector<16xi32>], vector<16xf32>,
      %get3A_502 = arith.index_cast %rem3A_17 : i32 to index
      %get3A_503 = arith.constant 1280 : index
      %get3A_504 = tpu.vector_load %arg6[%get3A_502, %get3A_503] {strides = array<i32>} : memref<2x2048xi32, #tpu.memory_space<vmem>>, vector<16xi32>,
      tpu.vector_store_idx %arg8[%get3A_504], %broadcast_in_dim3A_3 {add = true} : memref<10240xf32, #tpu.memory_space<vmem>>[vector<16xi32>], vector<16xf32>,
      %get3A_505 = arith.index_cast %rem3A_17 : i32 to index
      %get3A_506 = arith.constant 1280 : index
      %get3A_507 = tpu.vector_load %arg7[%get3A_505, %get3A_506] {strides = array<i32>} : memref<2x2048xi32, #tpu.memory_space<vmem>>, vector<16xi32>,
      tpu.vector_store_idx %arg9[%get3A_507], %broadcast_in_dim3A_3 {add = true} : memref<10240xf32, #tpu.memory_space<vmem>>[vector<16xi32>], vector<16xf32>,
      %get3A_508 = arith.index_cast %rem3A_17 : i32 to index
      %get3A_509 = arith.constant 1296 : index
      %get3A_510 = tpu.vector_load %arg6[%get3A_508, %get3A_509] {strides = array<i32>} : memref<2x2048xi32, #tpu.memory_space<vmem>>, vector<16xi32>,
      tpu.vector_store_idx %arg8[%get3A_510], %broadcast_in_dim3A_3 {add = true} : memref<10240xf32, #tpu.memory_space<vmem>>[vector<16xi32>], vector<16xf32>,
      %get3A_511 = arith.index_cast %rem3A_17 : i32 to index
      %get3A_512 = arith.constant 1296 : index
      %get3A_513 = tpu.vector_load %arg7[%get3A_511, %get3A_512] {strides = array<i32>} : memref<2x2048xi32, #tpu.memory_space<vmem>>, vector<16xi32>,
      tpu.vector_store_idx %arg9[%get3A_513], %broadcast_in_dim3A_3 {add = true} : memref<10240xf32, #tpu.memory_space<vmem>>[vector<16xi32>], vector<16xf32>,
      %get3A_514 = arith.index_cast %rem3A_17 : i32 to index
      %get3A_515 = arith.constant 1312 : index
      %get3A_516 = tpu.vector_load %arg6[%get3A_514, %get3A_515] {strides = array<i32>} : memref<2x2048xi32, #tpu.memory_space<vmem>>, vector<16xi32>,
      tpu.vector_store_idx %arg8[%get3A_516], %broadcast_in_dim3A_3 {add = true} : memref<10240xf32, #tpu.memory_space<vmem>>[vector<16xi32>], vector<16xf32>,
      %get3A_517 = arith.index_cast %rem3A_17 : i32 to index
      %get3A_518 = arith.constant 1312 : index
      %get3A_519 = tpu.vector_load %arg7[%get3A_517, %get3A_518] {strides = array<i32>} : memref<2x2048xi32, #tpu.memory_space<vmem>>, vector<16xi32>,
      tpu.vector_store_idx %arg9[%get3A_519], %broadcast_in_dim3A_3 {add = true} : memref<10240xf32, #tpu.memory_space<vmem>>[vector<16xi32>], vector<16xf32>,
      %get3A_520 = arith.index_cast %rem3A_17 : i32 to index
      %get3A_521 = arith.constant 1328 : index
      %get3A_522 = tpu.vector_load %arg6[%get3A_520, %get3A_521] {strides = array<i32>} : memref<2x2048xi32, #tpu.memory_space<vmem>>, vector<16xi32>,
      tpu.vector_store_idx %arg8[%get3A_522], %broadcast_in_dim3A_3 {add = true} : memref<10240xf32, #tpu.memory_space<vmem>>[vector<16xi32>], vector<16xf32>,
      %get3A_523 = arith.index_cast %rem3A_17 : i32 to index
      %get3A_524 = arith.constant 1328 : index
      %get3A_525 = tpu.vector_load %arg7[%get3A_523, %get3A_524] {strides = array<i32>} : memref<2x2048xi32, #tpu.memory_space<vmem>>, vector<16xi32>,
      tpu.vector_store_idx %arg9[%get3A_525], %broadcast_in_dim3A_3 {add = true} : memref<10240xf32, #tpu.memory_space<vmem>>[vector<16xi32>], vector<16xf32>,
      %get3A_526 = arith.index_cast %rem3A_17 : i32 to index
      %get3A_527 = arith.constant 1344 : index
      %get3A_528 = tpu.vector_load %arg6[%get3A_526, %get3A_527] {strides = array<i32>} : memref<2x2048xi32, #tpu.memory_space<vmem>>, vector<16xi32>,
      tpu.vector_store_idx %arg8[%get3A_528], %broadcast_in_dim3A_3 {add = true} : memref<10240xf32, #tpu.memory_space<vmem>>[vector<16xi32>], vector<16xf32>,
      %get3A_529 = arith.index_cast %rem3A_17 : i32 to index
      %get3A_530 = arith.constant 1344 : index
      %get3A_531 = tpu.vector_load %arg7[%get3A_529, %get3A_530] {strides = array<i32>} : memref<2x2048xi32, #tpu.memory_space<vmem>>, vector<16xi32>,
      tpu.vector_store_idx %arg9[%get3A_531], %broadcast_in_dim3A_3 {add = true} : memref<10240xf32, #tpu.memory_space<vmem>>[vector<16xi32>], vector<16xf32>,
      %get3A_532 = arith.index_cast %rem3A_17 : i32 to index
      %get3A_533 = arith.constant 1360 : index
      %get3A_534 = tpu.vector_load %arg6[%get3A_532, %get3A_533] {strides = array<i32>} : memref<2x2048xi32, #tpu.memory_space<vmem>>, vector<16xi32>,
      tpu.vector_store_idx %arg8[%get3A_534], %broadcast_in_dim3A_3 {add = true} : memref<10240xf32, #tpu.memory_space<vmem>>[vector<16xi32>], vector<16xf32>,
      %get3A_535 = arith.index_cast %rem3A_17 : i32 to index
      %get3A_536 = arith.constant 1360 : index
      %get3A_537 = tpu.vector_load %arg7[%get3A_535, %get3A_536] {strides = array<i32>} : memref<2x2048xi32, #tpu.memory_space<vmem>>, vector<16xi32>,
      tpu.vector_store_idx %arg9[%get3A_537], %broadcast_in_dim3A_3 {add = true} : memref<10240xf32, #tpu.memory_space<vmem>>[vector<16xi32>], vector<16xf32>,
      %get3A_538 = arith.index_cast %rem3A_17 : i32 to index
      %get3A_539 = arith.constant 1376 : index
      %get3A_540 = tpu.vector_load %arg6[%get3A_538, %get3A_539] {strides = array<i32>} : memref<2x2048xi32, #tpu.memory_space<vmem>>, vector<16xi32>,
      tpu.vector_store_idx %arg8[%get3A_540], %broadcast_in_dim3A_3 {add = true} : memref<10240xf32, #tpu.memory_space<vmem>>[vector<16xi32>], vector<16xf32>,
      %get3A_541 = arith.index_cast %rem3A_17 : i32 to index
      %get3A_542 = arith.constant 1376 : index
      %get3A_543 = tpu.vector_load %arg7[%get3A_541, %get3A_542] {strides = array<i32>} : memref<2x2048xi32, #tpu.memory_space<vmem>>, vector<16xi32>,
      tpu.vector_store_idx %arg9[%get3A_543], %broadcast_in_dim3A_3 {add = true} : memref<10240xf32, #tpu.memory_space<vmem>>[vector<16xi32>], vector<16xf32>,
      %get3A_544 = arith.index_cast %rem3A_17 : i32 to index
      %get3A_545 = arith.constant 1392 : index
      %get3A_546 = tpu.vector_load %arg6[%get3A_544, %get3A_545] {strides = array<i32>} : memref<2x2048xi32, #tpu.memory_space<vmem>>, vector<16xi32>,
      tpu.vector_store_idx %arg8[%get3A_546], %broadcast_in_dim3A_3 {add = true} : memref<10240xf32, #tpu.memory_space<vmem>>[vector<16xi32>], vector<16xf32>,
      %get3A_547 = arith.index_cast %rem3A_17 : i32 to index
      %get3A_548 = arith.constant 1392 : index
      %get3A_549 = tpu.vector_load %arg7[%get3A_547, %get3A_548] {strides = array<i32>} : memref<2x2048xi32, #tpu.memory_space<vmem>>, vector<16xi32>,
      tpu.vector_store_idx %arg9[%get3A_549], %broadcast_in_dim3A_3 {add = true} : memref<10240xf32, #tpu.memory_space<vmem>>[vector<16xi32>], vector<16xf32>,
      %get3A_550 = arith.index_cast %rem3A_17 : i32 to index
      %get3A_551 = arith.constant 1408 : index
      %get3A_552 = tpu.vector_load %arg6[%get3A_550, %get3A_551] {strides = array<i32>} : memref<2x2048xi32, #tpu.memory_space<vmem>>, vector<16xi32>,
      tpu.vector_store_idx %arg8[%get3A_552], %broadcast_in_dim3A_3 {add = true} : memref<10240xf32, #tpu.memory_space<vmem>>[vector<16xi32>], vector<16xf32>,
      %get3A_553 = arith.index_cast %rem3A_17 : i32 to index
      %get3A_554 = arith.constant 1408 : index
      %get3A_555 = tpu.vector_load %arg7[%get3A_553, %get3A_554] {strides = array<i32>} : memref<2x2048xi32, #tpu.memory_space<vmem>>, vector<16xi32>,
      tpu.vector_store_idx %arg9[%get3A_555], %broadcast_in_dim3A_3 {add = true} : memref<10240xf32, #tpu.memory_space<vmem>>[vector<16xi32>], vector<16xf32>,
      %get3A_556 = arith.index_cast %rem3A_17 : i32 to index
      %get3A_557 = arith.constant 1424 : index
      %get3A_558 = tpu.vector_load %arg6[%get3A_556, %get3A_557] {strides = array<i32>} : memref<2x2048xi32, #tpu.memory_space<vmem>>, vector<16xi32>,
      tpu.vector_store_idx %arg8[%get3A_558], %broadcast_in_dim3A_3 {add = true} : memref<10240xf32, #tpu.memory_space<vmem>>[vector<16xi32>], vector<16xf32>,
      %get3A_559 = arith.index_cast %rem3A_17 : i32 to index
      %get3A_560 = arith.constant 1424 : index
      %get3A_561 = tpu.vector_load %arg7[%get3A_559, %get3A_560] {strides = array<i32>} : memref<2x2048xi32, #tpu.memory_space<vmem>>, vector<16xi32>,
      tpu.vector_store_idx %arg9[%get3A_561], %broadcast_in_dim3A_3 {add = true} : memref<10240xf32, #tpu.memory_space<vmem>>[vector<16xi32>], vector<16xf32>,
      %get3A_562 = arith.index_cast %rem3A_17 : i32 to index
      %get3A_563 = arith.constant 1440 : index
      %get3A_564 = tpu.vector_load %arg6[%get3A_562, %get3A_563] {strides = array<i32>} : memref<2x2048xi32, #tpu.memory_space<vmem>>, vector<16xi32>,
      tpu.vector_store_idx %arg8[%get3A_564], %broadcast_in_dim3A_3 {add = true} : memref<10240xf32, #tpu.memory_space<vmem>>[vector<16xi32>], vector<16xf32>,
      %get3A_565 = arith.index_cast %rem3A_17 : i32 to index
      %get3A_566 = arith.constant 1440 : index
      %get3A_567 = tpu.vector_load %arg7[%get3A_565, %get3A_566] {strides = array<i32>} : memref<2x2048xi32, #tpu.memory_space<vmem>>, vector<16xi32>,
      tpu.vector_store_idx %arg9[%get3A_567], %broadcast_in_dim3A_3 {add = true} : memref<10240xf32, #tpu.memory_space<vmem>>[vector<16xi32>], vector<16xf32>,
      %get3A_568 = arith.index_cast %rem3A_17 : i32 to index
      %get3A_569 = arith.constant 1456 : index
      %get3A_570 = tpu.vector_load %arg6[%get3A_568, %get3A_569] {strides = array<i32>} : memref<2x2048xi32, #tpu.memory_space<vmem>>, vector<16xi32>,
      tpu.vector_store_idx %arg8[%get3A_570], %broadcast_in_dim3A_3 {add = true} : memref<10240xf32, #tpu.memory_space<vmem>>[vector<16xi32>], vector<16xf32>,
      %get3A_571 = arith.index_cast %rem3A_17 : i32 to index
      %get3A_572 = arith.constant 1456 : index
      %get3A_573 = tpu.vector_load %arg7[%get3A_571, %get3A_572] {strides = array<i32>} : memref<2x2048xi32, #tpu.memory_space<vmem>>, vector<16xi32>,
      tpu.vector_store_idx %arg9[%get3A_573], %broadcast_in_dim3A_3 {add = true} : memref<10240xf32, #tpu.memory_space<vmem>>[vector<16xi32>], vector<16xf32>,
      %get3A_574 = arith.index_cast %rem3A_17 : i32 to index
      %get3A_575 = arith.constant 1472 : index
      %get3A_576 = tpu.vector_load %arg6[%get3A_574, %get3A_575] {strides = array<i32>} : memref<2x2048xi32, #tpu.memory_space<vmem>>, vector<16xi32>,
      tpu.vector_store_idx %arg8[%get3A_576], %broadcast_in_dim3A_3 {add = true} : memref<10240xf32, #tpu.memory_space<vmem>>[vector<16xi32>], vector<16xf32>,
      %get3A_577 = arith.index_cast %rem3A_17 : i32 to index
      %get3A_578 = arith.constant 1472 : index
      %get3A_579 = tpu.vector_load %arg7[%get3A_577, %get3A_578] {strides = array<i32>} : memref<2x2048xi32, #tpu.memory_space<vmem>>, vector<16xi32>,
      tpu.vector_store_idx %arg9[%get3A_579], %broadcast_in_dim3A_3 {add = true} : memref<10240xf32, #tpu.memory_space<vmem>>[vector<16xi32>], vector<16xf32>,
      %get3A_580 = arith.index_cast %rem3A_17 : i32 to index
      %get3A_581 = arith.constant 1488 : index
      %get3A_582 = tpu.vector_load %arg6[%get3A_580, %get3A_581] {strides = array<i32>} : memref<2x2048xi32, #tpu.memory_space<vmem>>, vector<16xi32>,
      tpu.vector_store_idx %arg8[%get3A_582], %broadcast_in_dim3A_3 {add = true} : memref<10240xf32, #tpu.memory_space<vmem>>[vector<16xi32>], vector<16xf32>,
      %get3A_583 = arith.index_cast %rem3A_17 : i32 to index
      %get3A_584 = arith.constant 1488 : index
      %get3A_585 = tpu.vector_load %arg7[%get3A_583, %get3A_584] {strides = array<i32>} : memref<2x2048xi32, #tpu.memory_space<vmem>>, vector<16xi32>,
      tpu.vector_store_idx %arg9[%get3A_585], %broadcast_in_dim3A_3 {add = true} : memref<10240xf32, #tpu.memory_space<vmem>>[vector<16xi32>], vector<16xf32>,
      %get3A_586 = arith.index_cast %rem3A_17 : i32 to index
      %get3A_587 = arith.constant 1504 : index
      %get3A_588 = tpu.vector_load %arg6[%get3A_586, %get3A_587] {strides = array<i32>} : memref<2x2048xi32, #tpu.memory_space<vmem>>, vector<16xi32>,
      tpu.vector_store_idx %arg8[%get3A_588], %broadcast_in_dim3A_3 {add = true} : memref<10240xf32, #tpu.memory_space<vmem>>[vector<16xi32>], vector<16xf32>,
      %get3A_589 = arith.index_cast %rem3A_17 : i32 to index
      %get3A_590 = arith.constant 1504 : index
      %get3A_591 = tpu.vector_load %arg7[%get3A_589, %get3A_590] {strides = array<i32>} : memref<2x2048xi32, #tpu.memory_space<vmem>>, vector<16xi32>,
      tpu.vector_store_idx %arg9[%get3A_591], %broadcast_in_dim3A_3 {add = true} : memref<10240xf32, #tpu.memory_space<vmem>>[vector<16xi32>], vector<16xf32>,
      %get3A_592 = arith.index_cast %rem3A_17 : i32 to index
      %get3A_593 = arith.constant 1520 : index
      %get3A_594 = tpu.vector_load %arg6[%get3A_592, %get3A_593] {strides = array<i32>} : memref<2x2048xi32, #tpu.memory_space<vmem>>, vector<16xi32>,
      tpu.vector_store_idx %arg8[%get3A_594], %broadcast_in_dim3A_3 {add = true} : memref<10240xf32, #tpu.memory_space<vmem>>[vector<16xi32>], vector<16xf32>,
      %get3A_595 = arith.index_cast %rem3A_17 : i32 to index
      %get3A_596 = arith.constant 1520 : index
      %get3A_597 = tpu.vector_load %arg7[%get3A_595, %get3A_596] {strides = array<i32>} : memref<2x2048xi32, #tpu.memory_space<vmem>>, vector<16xi32>,
      tpu.vector_store_idx %arg9[%get3A_597], %broadcast_in_dim3A_3 {add = true} : memref<10240xf32, #tpu.memory_space<vmem>>[vector<16xi32>], vector<16xf32>,
      %get3A_598 = arith.index_cast %rem3A_17 : i32 to index
      %get3A_599 = arith.constant 1536 : index
      %get3A_600 = tpu.vector_load %arg6[%get3A_598, %get3A_599] {strides = array<i32>} : memref<2x2048xi32, #tpu.memory_space<vmem>>, vector<16xi32>,
      tpu.vector_store_idx %arg8[%get3A_600], %broadcast_in_dim3A_3 {add = true} : memref<10240xf32, #tpu.memory_space<vmem>>[vector<16xi32>], vector<16xf32>,
      %get3A_601 = arith.index_cast %rem3A_17 : i32 to index
      %get3A_602 = arith.constant 1536 : index
      %get3A_603 = tpu.vector_load %arg7[%get3A_601, %get3A_602] {strides = array<i32>} : memref<2x2048xi32, #tpu.memory_space<vmem>>, vector<16xi32>,
      tpu.vector_store_idx %arg9[%get3A_603], %broadcast_in_dim3A_3 {add = true} : memref<10240xf32, #tpu.memory_space<vmem>>[vector<16xi32>], vector<16xf32>,
      %get3A_604 = arith.index_cast %rem3A_17 : i32 to index
      %get3A_605 = arith.constant 1552 : index
      %get3A_606 = tpu.vector_load %arg6[%get3A_604, %get3A_605] {strides = array<i32>} : memref<2x2048xi32, #tpu.memory_space<vmem>>, vector<16xi32>,
      tpu.vector_store_idx %arg8[%get3A_606], %broadcast_in_dim3A_3 {add = true} : memref<10240xf32, #tpu.memory_space<vmem>>[vector<16xi32>], vector<16xf32>,
      %get3A_607 = arith.index_cast %rem3A_17 : i32 to index
      %get3A_608 = arith.constant 1552 : index
      %get3A_609 = tpu.vector_load %arg7[%get3A_607, %get3A_608] {strides = array<i32>} : memref<2x2048xi32, #tpu.memory_space<vmem>>, vector<16xi32>,
      tpu.vector_store_idx %arg9[%get3A_609], %broadcast_in_dim3A_3 {add = true} : memref<10240xf32, #tpu.memory_space<vmem>>[vector<16xi32>], vector<16xf32>,
      %get3A_610 = arith.index_cast %rem3A_17 : i32 to index
      %get3A_611 = arith.constant 1568 : index
      %get3A_612 = tpu.vector_load %arg6[%get3A_610, %get3A_611] {strides = array<i32>} : memref<2x2048xi32, #tpu.memory_space<vmem>>, vector<16xi32>,
      tpu.vector_store_idx %arg8[%get3A_612], %broadcast_in_dim3A_3 {add = true} : memref<10240xf32, #tpu.memory_space<vmem>>[vector<16xi32>], vector<16xf32>,
      %get3A_613 = arith.index_cast %rem3A_17 : i32 to index
      %get3A_614 = arith.constant 1568 : index
      %get3A_615 = tpu.vector_load %arg7[%get3A_613, %get3A_614] {strides = array<i32>} : memref<2x2048xi32, #tpu.memory_space<vmem>>, vector<16xi32>,
      tpu.vector_store_idx %arg9[%get3A_615], %broadcast_in_dim3A_3 {add = true} : memref<10240xf32, #tpu.memory_space<vmem>>[vector<16xi32>], vector<16xf32>,
      %get3A_616 = arith.index_cast %rem3A_17 : i32 to index
      %get3A_617 = arith.constant 1584 : index
      %get3A_618 = tpu.vector_load %arg6[%get3A_616, %get3A_617] {strides = array<i32>} : memref<2x2048xi32, #tpu.memory_space<vmem>>, vector<16xi32>,
      tpu.vector_store_idx %arg8[%get3A_618], %broadcast_in_dim3A_3 {add = true} : memref<10240xf32, #tpu.memory_space<vmem>>[vector<16xi32>], vector<16xf32>,
      %get3A_619 = arith.index_cast %rem3A_17 : i32 to index
      %get3A_620 = arith.constant 1584 : index
      %get3A_621 = tpu.vector_load %arg7[%get3A_619, %get3A_620] {strides = array<i32>} : memref<2x2048xi32, #tpu.memory_space<vmem>>, vector<16xi32>,
      tpu.vector_store_idx %arg9[%get3A_621], %broadcast_in_dim3A_3 {add = true} : memref<10240xf32, #tpu.memory_space<vmem>>[vector<16xi32>], vector<16xf32>,
      %get3A_622 = arith.index_cast %rem3A_17 : i32 to index
      %get3A_623 = arith.constant 1600 : index
      %get3A_624 = tpu.vector_load %arg6[%get3A_622, %get3A_623] {strides = array<i32>} : memref<2x2048xi32, #tpu.memory_space<vmem>>, vector<16xi32>,
      tpu.vector_store_idx %arg8[%get3A_624], %broadcast_in_dim3A_3 {add = true} : memref<10240xf32, #tpu.memory_space<vmem>>[vector<16xi32>], vector<16xf32>,
      %get3A_625 = arith.index_cast %rem3A_17 : i32 to index
      %get3A_626 = arith.constant 1600 : index
      %get3A_627 = tpu.vector_load %arg7[%get3A_625, %get3A_626] {strides = array<i32>} : memref<2x2048xi32, #tpu.memory_space<vmem>>, vector<16xi32>,
      tpu.vector_store_idx %arg9[%get3A_627], %broadcast_in_dim3A_3 {add = true} : memref<10240xf32, #tpu.memory_space<vmem>>[vector<16xi32>], vector<16xf32>,
      %get3A_628 = arith.index_cast %rem3A_17 : i32 to index
      %get3A_629 = arith.constant 1616 : index
      %get3A_630 = tpu.vector_load %arg6[%get3A_628, %get3A_629] {strides = array<i32>} : memref<2x2048xi32, #tpu.memory_space<vmem>>, vector<16xi32>,
      tpu.vector_store_idx %arg8[%get3A_630], %broadcast_in_dim3A_3 {add = true} : memref<10240xf32, #tpu.memory_space<vmem>>[vector<16xi32>], vector<16xf32>,
      %get3A_631 = arith.index_cast %rem3A_17 : i32 to index
      %get3A_632 = arith.constant 1616 : index
      %get3A_633 = tpu.vector_load %arg7[%get3A_631, %get3A_632] {strides = array<i32>} : memref<2x2048xi32, #tpu.memory_space<vmem>>, vector<16xi32>,
      tpu.vector_store_idx %arg9[%get3A_633], %broadcast_in_dim3A_3 {add = true} : memref<10240xf32, #tpu.memory_space<vmem>>[vector<16xi32>], vector<16xf32>,
      %get3A_634 = arith.index_cast %rem3A_17 : i32 to index
      %get3A_635 = arith.constant 1632 : index
      %get3A_636 = tpu.vector_load %arg6[%get3A_634, %get3A_635] {strides = array<i32>} : memref<2x2048xi32, #tpu.memory_space<vmem>>, vector<16xi32>,
      tpu.vector_store_idx %arg8[%get3A_636], %broadcast_in_dim3A_3 {add = true} : memref<10240xf32, #tpu.memory_space<vmem>>[vector<16xi32>], vector<16xf32>,
      %get3A_637 = arith.index_cast %rem3A_17 : i32 to index
      %get3A_638 = arith.constant 1632 : index
      %get3A_639 = tpu.vector_load %arg7[%get3A_637, %get3A_638] {strides = array<i32>} : memref<2x2048xi32, #tpu.memory_space<vmem>>, vector<16xi32>,
      tpu.vector_store_idx %arg9[%get3A_639], %broadcast_in_dim3A_3 {add = true} : memref<10240xf32, #tpu.memory_space<vmem>>[vector<16xi32>], vector<16xf32>,
      %get3A_640 = arith.index_cast %rem3A_17 : i32 to index
      %get3A_641 = arith.constant 1648 : index
      %get3A_642 = tpu.vector_load %arg6[%get3A_640, %get3A_641] {strides = array<i32>} : memref<2x2048xi32, #tpu.memory_space<vmem>>, vector<16xi32>,
      tpu.vector_store_idx %arg8[%get3A_642], %broadcast_in_dim3A_3 {add = true} : memref<10240xf32, #tpu.memory_space<vmem>>[vector<16xi32>], vector<16xf32>,
      %get3A_643 = arith.index_cast %rem3A_17 : i32 to index
      %get3A_644 = arith.constant 1648 : index
      %get3A_645 = tpu.vector_load %arg7[%get3A_643, %get3A_644] {strides = array<i32>} : memref<2x2048xi32, #tpu.memory_space<vmem>>, vector<16xi32>,
      tpu.vector_store_idx %arg9[%get3A_645], %broadcast_in_dim3A_3 {add = true} : memref<10240xf32, #tpu.memory_space<vmem>>[vector<16xi32>], vector<16xf32>,
      %get3A_646 = arith.index_cast %rem3A_17 : i32 to index
      %get3A_647 = arith.constant 1664 : index
      %get3A_648 = tpu.vector_load %arg6[%get3A_646, %get3A_647] {strides = array<i32>} : memref<2x2048xi32, #tpu.memory_space<vmem>>, vector<16xi32>,
      tpu.vector_store_idx %arg8[%get3A_648], %broadcast_in_dim3A_3 {add = true} : memref<10240xf32, #tpu.memory_space<vmem>>[vector<16xi32>], vector<16xf32>,
      %get3A_649 = arith.index_cast %rem3A_17 : i32 to index
      %get3A_650 = arith.constant 1664 : index
      %get3A_651 = tpu.vector_load %arg7[%get3A_649, %get3A_650] {strides = array<i32>} : memref<2x2048xi32, #tpu.memory_space<vmem>>, vector<16xi32>,
      tpu.vector_store_idx %arg9[%get3A_651], %broadcast_in_dim3A_3 {add = true} : memref<10240xf32, #tpu.memory_space<vmem>>[vector<16xi32>], vector<16xf32>,
      %get3A_652 = arith.index_cast %rem3A_17 : i32 to index
      %get3A_653 = arith.constant 1680 : index
      %get3A_654 = tpu.vector_load %arg6[%get3A_652, %get3A_653] {strides = array<i32>} : memref<2x2048xi32, #tpu.memory_space<vmem>>, vector<16xi32>,
      tpu.vector_store_idx %arg8[%get3A_654], %broadcast_in_dim3A_3 {add = true} : memref<10240xf32, #tpu.memory_space<vmem>>[vector<16xi32>], vector<16xf32>,
      %get3A_655 = arith.index_cast %rem3A_17 : i32 to index
      %get3A_656 = arith.constant 1680 : index
      %get3A_657 = tpu.vector_load %arg7[%get3A_655, %get3A_656] {strides = array<i32>} : memref<2x2048xi32, #tpu.memory_space<vmem>>, vector<16xi32>,
      tpu.vector_store_idx %arg9[%get3A_657], %broadcast_in_dim3A_3 {add = true} : memref<10240xf32, #tpu.memory_space<vmem>>[vector<16xi32>], vector<16xf32>,
      %get3A_658 = arith.index_cast %rem3A_17 : i32 to index
      %get3A_659 = arith.constant 1696 : index
      %get3A_660 = tpu.vector_load %arg6[%get3A_658, %get3A_659] {strides = array<i32>} : memref<2x2048xi32, #tpu.memory_space<vmem>>, vector<16xi32>,
      tpu.vector_store_idx %arg8[%get3A_660], %broadcast_in_dim3A_3 {add = true} : memref<10240xf32, #tpu.memory_space<vmem>>[vector<16xi32>], vector<16xf32>,
      %get3A_661 = arith.index_cast %rem3A_17 : i32 to index
      %get3A_662 = arith.constant 1696 : index
      %get3A_663 = tpu.vector_load %arg7[%get3A_661, %get3A_662] {strides = array<i32>} : memref<2x2048xi32, #tpu.memory_space<vmem>>, vector<16xi32>,
      tpu.vector_store_idx %arg9[%get3A_663], %broadcast_in_dim3A_3 {add = true} : memref<10240xf32, #tpu.memory_space<vmem>>[vector<16xi32>], vector<16xf32>,
      %get3A_664 = arith.index_cast %rem3A_17 : i32 to index
      %get3A_665 = arith.constant 1712 : index
      %get3A_666 = tpu.vector_load %arg6[%get3A_664, %get3A_665] {strides = array<i32>} : memref<2x2048xi32, #tpu.memory_space<vmem>>, vector<16xi32>,
      tpu.vector_store_idx %arg8[%get3A_666], %broadcast_in_dim3A_3 {add = true} : memref<10240xf32, #tpu.memory_space<vmem>>[vector<16xi32>], vector<16xf32>,
      %get3A_667 = arith.index_cast %rem3A_17 : i32 to index
      %get3A_668 = arith.constant 1712 : index
      %get3A_669 = tpu.vector_load %arg7[%get3A_667, %get3A_668] {strides = array<i32>} : memref<2x2048xi32, #tpu.memory_space<vmem>>, vector<16xi32>,
      tpu.vector_store_idx %arg9[%get3A_669], %broadcast_in_dim3A_3 {add = true} : memref<10240xf32, #tpu.memory_space<vmem>>[vector<16xi32>], vector<16xf32>,
      %get3A_670 = arith.index_cast %rem3A_17 : i32 to index
      %get3A_671 = arith.constant 1728 : index
      %get3A_672 = tpu.vector_load %arg6[%get3A_670, %get3A_671] {strides = array<i32>} : memref<2x2048xi32, #tpu.memory_space<vmem>>, vector<16xi32>,
      tpu.vector_store_idx %arg8[%get3A_672], %broadcast_in_dim3A_3 {add = true} : memref<10240xf32, #tpu.memory_space<vmem>>[vector<16xi32>], vector<16xf32>,
      %get3A_673 = arith.index_cast %rem3A_17 : i32 to index
      %get3A_674 = arith.constant 1728 : index
      %get3A_675 = tpu.vector_load %arg7[%get3A_673, %get3A_674] {strides = array<i32>} : memref<2x2048xi32, #tpu.memory_space<vmem>>, vector<16xi32>,
      tpu.vector_store_idx %arg9[%get3A_675], %broadcast_in_dim3A_3 {add = true} : memref<10240xf32, #tpu.memory_space<vmem>>[vector<16xi32>], vector<16xf32>,
      %get3A_676 = arith.index_cast %rem3A_17 : i32 to index
      %get3A_677 = arith.constant 1744 : index
      %get3A_678 = tpu.vector_load %arg6[%get3A_676, %get3A_677] {strides = array<i32>} : memref<2x2048xi32, #tpu.memory_space<vmem>>, vector<16xi32>,
      tpu.vector_store_idx %arg8[%get3A_678], %broadcast_in_dim3A_3 {add = true} : memref<10240xf32, #tpu.memory_space<vmem>>[vector<16xi32>], vector<16xf32>,
      %get3A_679 = arith.index_cast %rem3A_17 : i32 to index
      %get3A_680 = arith.constant 1744 : index
      %get3A_681 = tpu.vector_load %arg7[%get3A_679, %get3A_680] {strides = array<i32>} : memref<2x2048xi32, #tpu.memory_space<vmem>>, vector<16xi32>,
      tpu.vector_store_idx %arg9[%get3A_681], %broadcast_in_dim3A_3 {add = true} : memref<10240xf32, #tpu.memory_space<vmem>>[vector<16xi32>], vector<16xf32>,
      %get3A_682 = arith.index_cast %rem3A_17 : i32 to index
      %get3A_683 = arith.constant 1760 : index
      %get3A_684 = tpu.vector_load %arg6[%get3A_682, %get3A_683] {strides = array<i32>} : memref<2x2048xi32, #tpu.memory_space<vmem>>, vector<16xi32>,
      tpu.vector_store_idx %arg8[%get3A_684], %broadcast_in_dim3A_3 {add = true} : memref<10240xf32, #tpu.memory_space<vmem>>[vector<16xi32>], vector<16xf32>,
      %get3A_685 = arith.index_cast %rem3A_17 : i32 to index
      %get3A_686 = arith.constant 1760 : index
      %get3A_687 = tpu.vector_load %arg7[%get3A_685, %get3A_686] {strides = array<i32>} : memref<2x2048xi32, #tpu.memory_space<vmem>>, vector<16xi32>,
      tpu.vector_store_idx %arg9[%get3A_687], %broadcast_in_dim3A_3 {add = true} : memref<10240xf32, #tpu.memory_space<vmem>>[vector<16xi32>], vector<16xf32>,
      %get3A_688 = arith.index_cast %rem3A_17 : i32 to index
      %get3A_689 = arith.constant 1776 : index
      %get3A_690 = tpu.vector_load %arg6[%get3A_688, %get3A_689] {strides = array<i32>} : memref<2x2048xi32, #tpu.memory_space<vmem>>, vector<16xi32>,
      tpu.vector_store_idx %arg8[%get3A_690], %broadcast_in_dim3A_3 {add = true} : memref<10240xf32, #tpu.memory_space<vmem>>[vector<16xi32>], vector<16xf32>,
      %get3A_691 = arith.index_cast %rem3A_17 : i32 to index
      %get3A_692 = arith.constant 1776 : index
      %get3A_693 = tpu.vector_load %arg7[%get3A_691, %get3A_692] {strides = array<i32>} : memref<2x2048xi32, #tpu.memory_space<vmem>>, vector<16xi32>,
      tpu.vector_store_idx %arg9[%get3A_693], %broadcast_in_dim3A_3 {add = true} : memref<10240xf32, #tpu.memory_space<vmem>>[vector<16xi32>], vector<16xf32>,
      %get3A_694 = arith.index_cast %rem3A_17 : i32 to index
      %get3A_695 = arith.constant 1792 : index
      %get3A_696 = tpu.vector_load %arg6[%get3A_694, %get3A_695] {strides = array<i32>} : memref<2x2048xi32, #tpu.memory_space<vmem>>, vector<16xi32>,
      tpu.vector_store_idx %arg8[%get3A_696], %broadcast_in_dim3A_3 {add = true} : memref<10240xf32, #tpu.memory_space<vmem>>[vector<16xi32>], vector<16xf32>,
      %get3A_697 = arith.index_cast %rem3A_17 : i32 to index
      %get3A_698 = arith.constant 1792 : index
      %get3A_699 = tpu.vector_load %arg7[%get3A_697, %get3A_698] {strides = array<i32>} : memref<2x2048xi32, #tpu.memory_space<vmem>>, vector<16xi32>,
      tpu.vector_store_idx %arg9[%get3A_699], %broadcast_in_dim3A_3 {add = true} : memref<10240xf32, #tpu.memory_space<vmem>>[vector<16xi32>], vector<16xf32>,
      %get3A_700 = arith.index_cast %rem3A_17 : i32 to index
      %get3A_701 = arith.constant 1808 : index
      %get3A_702 = tpu.vector_load %arg6[%get3A_700, %get3A_701] {strides = array<i32>} : memref<2x2048xi32, #tpu.memory_space<vmem>>, vector<16xi32>,
      tpu.vector_store_idx %arg8[%get3A_702], %broadcast_in_dim3A_3 {add = true} : memref<10240xf32, #tpu.memory_space<vmem>>[vector<16xi32>], vector<16xf32>,
      %get3A_703 = arith.index_cast %rem3A_17 : i32 to index
      %get3A_704 = arith.constant 1808 : index
      %get3A_705 = tpu.vector_load %arg7[%get3A_703, %get3A_704] {strides = array<i32>} : memref<2x2048xi32, #tpu.memory_space<vmem>>, vector<16xi32>,
      tpu.vector_store_idx %arg9[%get3A_705], %broadcast_in_dim3A_3 {add = true} : memref<10240xf32, #tpu.memory_space<vmem>>[vector<16xi32>], vector<16xf32>,
      %get3A_706 = arith.index_cast %rem3A_17 : i32 to index
      %get3A_707 = arith.constant 1824 : index
      %get3A_708 = tpu.vector_load %arg6[%get3A_706, %get3A_707] {strides = array<i32>} : memref<2x2048xi32, #tpu.memory_space<vmem>>, vector<16xi32>,
      tpu.vector_store_idx %arg8[%get3A_708], %broadcast_in_dim3A_3 {add = true} : memref<10240xf32, #tpu.memory_space<vmem>>[vector<16xi32>], vector<16xf32>,
      %get3A_709 = arith.index_cast %rem3A_17 : i32 to index
      %get3A_710 = arith.constant 1824 : index
      %get3A_711 = tpu.vector_load %arg7[%get3A_709, %get3A_710] {strides = array<i32>} : memref<2x2048xi32, #tpu.memory_space<vmem>>, vector<16xi32>,
      tpu.vector_store_idx %arg9[%get3A_711], %broadcast_in_dim3A_3 {add = true} : memref<10240xf32, #tpu.memory_space<vmem>>[vector<16xi32>], vector<16xf32>,
      %get3A_712 = arith.index_cast %rem3A_17 : i32 to index
      %get3A_713 = arith.constant 1840 : index
      %get3A_714 = tpu.vector_load %arg6[%get3A_712, %get3A_713] {strides = array<i32>} : memref<2x2048xi32, #tpu.memory_space<vmem>>, vector<16xi32>,
      tpu.vector_store_idx %arg8[%get3A_714], %broadcast_in_dim3A_3 {add = true} : memref<10240xf32, #tpu.memory_space<vmem>>[vector<16xi32>], vector<16xf32>,
      %get3A_715 = arith.index_cast %rem3A_17 : i32 to index
      %get3A_716 = arith.constant 1840 : index
      %get3A_717 = tpu.vector_load %arg7[%get3A_715, %get3A_716] {strides = array<i32>} : memref<2x2048xi32, #tpu.memory_space<vmem>>, vector<16xi32>,
      tpu.vector_store_idx %arg9[%get3A_717], %broadcast_in_dim3A_3 {add = true} : memref<10240xf32, #tpu.memory_space<vmem>>[vector<16xi32>], vector<16xf32>,
      %get3A_718 = arith.index_cast %rem3A_17 : i32 to index
      %get3A_719 = arith.constant 1856 : index
      %get3A_720 = tpu.vector_load %arg6[%get3A_718, %get3A_719] {strides = array<i32>} : memref<2x2048xi32, #tpu.memory_space<vmem>>, vector<16xi32>,
      tpu.vector_store_idx %arg8[%get3A_720], %broadcast_in_dim3A_3 {add = true} : memref<10240xf32, #tpu.memory_space<vmem>>[vector<16xi32>], vector<16xf32>,
      %get3A_721 = arith.index_cast %rem3A_17 : i32 to index
      %get3A_722 = arith.constant 1856 : index
      %get3A_723 = tpu.vector_load %arg7[%get3A_721, %get3A_722] {strides = array<i32>} : memref<2x2048xi32, #tpu.memory_space<vmem>>, vector<16xi32>,
      tpu.vector_store_idx %arg9[%get3A_723], %broadcast_in_dim3A_3 {add = true} : memref<10240xf32, #tpu.memory_space<vmem>>[vector<16xi32>], vector<16xf32>,
      %get3A_724 = arith.index_cast %rem3A_17 : i32 to index
      %get3A_725 = arith.constant 1872 : index
      %get3A_726 = tpu.vector_load %arg6[%get3A_724, %get3A_725] {strides = array<i32>} : memref<2x2048xi32, #tpu.memory_space<vmem>>, vector<16xi32>,
      tpu.vector_store_idx %arg8[%get3A_726], %broadcast_in_dim3A_3 {add = true} : memref<10240xf32, #tpu.memory_space<vmem>>[vector<16xi32>], vector<16xf32>,
      %get3A_727 = arith.index_cast %rem3A_17 : i32 to index
      %get3A_728 = arith.constant 1872 : index
      %get3A_729 = tpu.vector_load %arg7[%get3A_727, %get3A_728] {strides = array<i32>} : memref<2x2048xi32, #tpu.memory_space<vmem>>, vector<16xi32>,
      tpu.vector_store_idx %arg9[%get3A_729], %broadcast_in_dim3A_3 {add = true} : memref<10240xf32, #tpu.memory_space<vmem>>[vector<16xi32>], vector<16xf32>,
      %get3A_730 = arith.index_cast %rem3A_17 : i32 to index
      %get3A_731 = arith.constant 1888 : index
      %get3A_732 = tpu.vector_load %arg6[%get3A_730, %get3A_731] {strides = array<i32>} : memref<2x2048xi32, #tpu.memory_space<vmem>>, vector<16xi32>,
      tpu.vector_store_idx %arg8[%get3A_732], %broadcast_in_dim3A_3 {add = true} : memref<10240xf32, #tpu.memory_space<vmem>>[vector<16xi32>], vector<16xf32>,
      %get3A_733 = arith.index_cast %rem3A_17 : i32 to index
      %get3A_734 = arith.constant 1888 : index
      %get3A_735 = tpu.vector_load %arg7[%get3A_733, %get3A_734] {strides = array<i32>} : memref<2x2048xi32, #tpu.memory_space<vmem>>, vector<16xi32>,
      tpu.vector_store_idx %arg9[%get3A_735], %broadcast_in_dim3A_3 {add = true} : memref<10240xf32, #tpu.memory_space<vmem>>[vector<16xi32>], vector<16xf32>,
      %get3A_736 = arith.index_cast %rem3A_17 : i32 to index
      %get3A_737 = arith.constant 1904 : index
      %get3A_738 = tpu.vector_load %arg6[%get3A_736, %get3A_737] {strides = array<i32>} : memref<2x2048xi32, #tpu.memory_space<vmem>>, vector<16xi32>,
      tpu.vector_store_idx %arg8[%get3A_738], %broadcast_in_dim3A_3 {add = true} : memref<10240xf32, #tpu.memory_space<vmem>>[vector<16xi32>], vector<16xf32>,
      %get3A_739 = arith.index_cast %rem3A_17 : i32 to index
      %get3A_740 = arith.constant 1904 : index
      %get3A_741 = tpu.vector_load %arg7[%get3A_739, %get3A_740] {strides = array<i32>} : memref<2x2048xi32, #tpu.memory_space<vmem>>, vector<16xi32>,
      tpu.vector_store_idx %arg9[%get3A_741], %broadcast_in_dim3A_3 {add = true} : memref<10240xf32, #tpu.memory_space<vmem>>[vector<16xi32>], vector<16xf32>,
      %get3A_742 = arith.index_cast %rem3A_17 : i32 to index
      %get3A_743 = arith.constant 1920 : index
      %get3A_744 = tpu.vector_load %arg6[%get3A_742, %get3A_743] {strides = array<i32>} : memref<2x2048xi32, #tpu.memory_space<vmem>>, vector<16xi32>,
      tpu.vector_store_idx %arg8[%get3A_744], %broadcast_in_dim3A_3 {add = true} : memref<10240xf32, #tpu.memory_space<vmem>>[vector<16xi32>], vector<16xf32>,
      %get3A_745 = arith.index_cast %rem3A_17 : i32 to index
      %get3A_746 = arith.constant 1920 : index
      %get3A_747 = tpu.vector_load %arg7[%get3A_745, %get3A_746] {strides = array<i32>} : memref<2x2048xi32, #tpu.memory_space<vmem>>, vector<16xi32>,
      tpu.vector_store_idx %arg9[%get3A_747], %broadcast_in_dim3A_3 {add = true} : memref<10240xf32, #tpu.memory_space<vmem>>[vector<16xi32>], vector<16xf32>,
      %get3A_748 = arith.index_cast %rem3A_17 : i32 to index
      %get3A_749 = arith.constant 1936 : index
      %get3A_750 = tpu.vector_load %arg6[%get3A_748, %get3A_749] {strides = array<i32>} : memref<2x2048xi32, #tpu.memory_space<vmem>>, vector<16xi32>,
      tpu.vector_store_idx %arg8[%get3A_750], %broadcast_in_dim3A_3 {add = true} : memref<10240xf32, #tpu.memory_space<vmem>>[vector<16xi32>], vector<16xf32>,
      %get3A_751 = arith.index_cast %rem3A_17 : i32 to index
      %get3A_752 = arith.constant 1936 : index
      %get3A_753 = tpu.vector_load %arg7[%get3A_751, %get3A_752] {strides = array<i32>} : memref<2x2048xi32, #tpu.memory_space<vmem>>, vector<16xi32>,
      tpu.vector_store_idx %arg9[%get3A_753], %broadcast_in_dim3A_3 {add = true} : memref<10240xf32, #tpu.memory_space<vmem>>[vector<16xi32>], vector<16xf32>,
      %get3A_754 = arith.index_cast %rem3A_17 : i32 to index
      %get3A_755 = arith.constant 1952 : index
      %get3A_756 = tpu.vector_load %arg6[%get3A_754, %get3A_755] {strides = array<i32>} : memref<2x2048xi32, #tpu.memory_space<vmem>>, vector<16xi32>,
      tpu.vector_store_idx %arg8[%get3A_756], %broadcast_in_dim3A_3 {add = true} : memref<10240xf32, #tpu.memory_space<vmem>>[vector<16xi32>], vector<16xf32>,
      %get3A_757 = arith.index_cast %rem3A_17 : i32 to index
      %get3A_758 = arith.constant 1952 : index
      %get3A_759 = tpu.vector_load %arg7[%get3A_757, %get3A_758] {strides = array<i32>} : memref<2x2048xi32, #tpu.memory_space<vmem>>, vector<16xi32>,
      tpu.vector_store_idx %arg9[%get3A_759], %broadcast_in_dim3A_3 {add = true} : memref<10240xf32, #tpu.memory_space<vmem>>[vector<16xi32>], vector<16xf32>,
      %get3A_760 = arith.index_cast %rem3A_17 : i32 to index
      %get3A_761 = arith.constant 1968 : index
      %get3A_762 = tpu.vector_load %arg6[%get3A_760, %get3A_761] {strides = array<i32>} : memref<2x2048xi32, #tpu.memory_space<vmem>>, vector<16xi32>,
      tpu.vector_store_idx %arg8[%get3A_762], %broadcast_in_dim3A_3 {add = true} : memref<10240xf32, #tpu.memory_space<vmem>>[vector<16xi32>], vector<16xf32>,
      %get3A_763 = arith.index_cast %rem3A_17 : i32 to index
      %get3A_764 = arith.constant 1968 : index
      %get3A_765 = tpu.vector_load %arg7[%get3A_763, %get3A_764] {strides = array<i32>} : memref<2x2048xi32, #tpu.memory_space<vmem>>, vector<16xi32>,
      tpu.vector_store_idx %arg9[%get3A_765], %broadcast_in_dim3A_3 {add = true} : memref<10240xf32, #tpu.memory_space<vmem>>[vector<16xi32>], vector<16xf32>,
      %get3A_766 = arith.index_cast %rem3A_17 : i32 to index
      %get3A_767 = arith.constant 1984 : index
      %get3A_768 = tpu.vector_load %arg6[%get3A_766, %get3A_767] {strides = array<i32>} : memref<2x2048xi32, #tpu.memory_space<vmem>>, vector<16xi32>,
      tpu.vector_store_idx %arg8[%get3A_768], %broadcast_in_dim3A_3 {add = true} : memref<10240xf32, #tpu.memory_space<vmem>>[vector<16xi32>], vector<16xf32>,
      %get3A_769 = arith.index_cast %rem3A_17 : i32 to index
      %get3A_770 = arith.constant 1984 : index
      %get3A_771 = tpu.vector_load %arg7[%get3A_769, %get3A_770] {strides = array<i32>} : memref<2x2048xi32, #tpu.memory_space<vmem>>, vector<16xi32>,
      tpu.vector_store_idx %arg9[%get3A_771], %broadcast_in_dim3A_3 {add = true} : memref<10240xf32, #tpu.memory_space<vmem>>[vector<16xi32>], vector<16xf32>,
      %get3A_772 = arith.index_cast %rem3A_17 : i32 to index
      %get3A_773 = arith.constant 2000 : index
      %get3A_774 = tpu.vector_load %arg6[%get3A_772, %get3A_773] {strides = array<i32>} : memref<2x2048xi32, #tpu.memory_space<vmem>>, vector<16xi32>,
      tpu.vector_store_idx %arg8[%get3A_774], %broadcast_in_dim3A_3 {add = true} : memref<10240xf32, #tpu.memory_space<vmem>>[vector<16xi32>], vector<16xf32>,
      %get3A_775 = arith.index_cast %rem3A_17 : i32 to index
      %get3A_776 = arith.constant 2000 : index
      %get3A_777 = tpu.vector_load %arg7[%get3A_775, %get3A_776] {strides = array<i32>} : memref<2x2048xi32, #tpu.memory_space<vmem>>, vector<16xi32>,
      tpu.vector_store_idx %arg9[%get3A_777], %broadcast_in_dim3A_3 {add = true} : memref<10240xf32, #tpu.memory_space<vmem>>[vector<16xi32>], vector<16xf32>,
      %get3A_778 = arith.index_cast %rem3A_17 : i32 to index
      %get3A_779 = arith.constant 2016 : index
      %get3A_780 = tpu.vector_load %arg6[%get3A_778, %get3A_779] {strides = array<i32>} : memref<2x2048xi32, #tpu.memory_space<vmem>>, vector<16xi32>,
      tpu.vector_store_idx %arg8[%get3A_780], %broadcast_in_dim3A_3 {add = true} : memref<10240xf32, #tpu.memory_space<vmem>>[vector<16xi32>], vector<16xf32>,
      %get3A_781 = arith.index_cast %rem3A_17 : i32 to index
      %get3A_782 = arith.constant 2016 : index
      %get3A_783 = tpu.vector_load %arg7[%get3A_781, %get3A_782] {strides = array<i32>} : memref<2x2048xi32, #tpu.memory_space<vmem>>, vector<16xi32>,
      tpu.vector_store_idx %arg9[%get3A_783], %broadcast_in_dim3A_3 {add = true} : memref<10240xf32, #tpu.memory_space<vmem>>[vector<16xi32>], vector<16xf32>,
      %get3A_784 = arith.index_cast %rem3A_17 : i32 to index
      %get3A_785 = arith.constant 2032 : index
      %get3A_786 = tpu.vector_load %arg6[%get3A_784, %get3A_785] {strides = array<i32>} : memref<2x2048xi32, #tpu.memory_space<vmem>>, vector<16xi32>,
      tpu.vector_store_idx %arg8[%get3A_786], %broadcast_in_dim3A_3 {add = true} : memref<10240xf32, #tpu.memory_space<vmem>>[vector<16xi32>], vector<16xf32>,
      %get3A_787 = arith.index_cast %rem3A_17 : i32 to index
      %get3A_788 = arith.constant 2032 : index
      %get3A_789 = tpu.vector_load %arg7[%get3A_787, %get3A_788] {strides = array<i32>} : memref<2x2048xi32, #tpu.memory_space<vmem>>, vector<16xi32>,
      tpu.vector_store_idx %arg9[%get3A_789], %broadcast_in_dim3A_3 {add = true} : memref<10240xf32, #tpu.memory_space<vmem>>[vector<16xi32>], vector<16xf32>,
      %convert_element_type3A_790 = arith.extui %lt3A_21 : i1 to i32
      %cond3A_791 = arith.constant 0 : i32
      %cond3A_792 = arith.cmpi ne, %convert_element_type3A_790, %cond3A_791 : i32
      scf.if %cond3A_792 {
        %dma_wait3A = arith.constant 0 : i32
        %dma_wait3A_793 = arith.constant 0 : i32
        %dma_wait3A_794 = tpu.memref_slice %arg6[%dma_wait3A, %dma_wait3A_793] : memref<2x2048xi32, #tpu.memory_space<vmem>> -> memref<1x2048xi32, #tpu.memory_space<vmem>>
        %dma_wait3A_795 = tpu.memref_squeeze %dma_wait3A_794 : memref<1x2048xi32, #tpu.memory_space<vmem>> -> memref<2048xi32, #tpu.memory_space<vmem>>
        %dma_wait3A_796 = arith.constant 0 : i32
        %dma_wait3A_797 = tpu.memref_slice %arg2[%add3A, %dma_wait3A_796] : memref<32x10240xi32, #tpu.memory_space<hbm>> -> memref<1x2048xi32, #tpu.memory_space<hbm>>
        %dma_wait3A_798 = tpu.memref_squeeze %dma_wait3A_797 : memref<1x2048xi32, #tpu.memory_space<hbm>> -> memref<2048xi32, #tpu.memory_space<hbm>>
        %dma_wait3A_799 = arith.constant 0 : i32
        %dma_wait3A_800 = tpu.memref_slice %arg6[%dma_wait3A, %dma_wait3A_799] : memref<2x2048xi32, #tpu.memory_space<vmem>> -> memref<1x2048xi32, #tpu.memory_space<vmem>>
        %dma_wait3A_801 = tpu.memref_squeeze %dma_wait3A_800 : memref<1x2048xi32, #tpu.memory_space<vmem>> -> memref<2048xi32, #tpu.memory_space<vmem>>
        %dma_wait3A_802 = arith.constant 0 : i32
        %dma_wait3A_803 = tpu.memref_slice %arg2[%add3A, %dma_wait3A_802] : memref<32x10240xi32, #tpu.memory_space<hbm>> -> memref<1x2048xi32, #tpu.memory_space<hbm>>
        %dma_wait3A_804 = tpu.memref_squeeze %dma_wait3A_803 : memref<1x2048xi32, #tpu.memory_space<hbm>> -> memref<2048xi32, #tpu.memory_space<hbm>>
        tpu.wait_dma2 semaphore(%arg10 : memref<!tpu.dma_semaphore, #tpu.memory_space<semaphore_mem>>) src(%dma_wait3A_804 : memref<2048xi32, #tpu.memory_space<hbm>>) dst(%dma_wait3A_801 : memref<2048xi32, #tpu.memory_space<vmem>>)
        %dma_wait3A_805 = arith.constant 0 : i32
        %dma_wait3A_806 = arith.constant 0 : i32
        %dma_wait3A_807 = tpu.memref_slice %arg7[%dma_wait3A_805, %dma_wait3A_806] : memref<2x2048xi32, #tpu.memory_space<vmem>> -> memref<1x2048xi32, #tpu.memory_space<vmem>>
        %dma_wait3A_808 = tpu.memref_squeeze %dma_wait3A_807 : memref<1x2048xi32, #tpu.memory_space<vmem>> -> memref<2048xi32, #tpu.memory_space<vmem>>
        %dma_wait3A_809 = arith.constant 0 : i32
        %dma_wait3A_810 = tpu.memref_slice %arg3[%add3A, %dma_wait3A_809] : memref<32x10240xi32, #tpu.memory_space<hbm>> -> memref<1x2048xi32, #tpu.memory_space<hbm>>
        %dma_wait3A_811 = tpu.memref_squeeze %dma_wait3A_810 : memref<1x2048xi32, #tpu.memory_space<hbm>> -> memref<2048xi32, #tpu.memory_space<hbm>>
        %dma_wait3A_812 = arith.constant 0 : i32
        %dma_wait3A_813 = tpu.memref_slice %arg7[%dma_wait3A_805, %dma_wait3A_812] : memref<2x2048xi32, #tpu.memory_space<vmem>> -> memref<1x2048xi32, #tpu.memory_space<vmem>>
        %dma_wait3A_814 = tpu.memref_squeeze %dma_wait3A_813 : memref<1x2048xi32, #tpu.memory_space<vmem>> -> memref<2048xi32, #tpu.memory_space<vmem>>
        %dma_wait3A_815 = arith.constant 0 : i32
        %dma_wait3A_816 = tpu.memref_slice %arg3[%add3A, %dma_wait3A_815] : memref<32x10240xi32, #tpu.memory_space<hbm>> -> memref<1x2048xi32, #tpu.memory_space<hbm>>
        %dma_wait3A_817 = tpu.memref_squeeze %dma_wait3A_816 : memref<1x2048xi32, #tpu.memory_space<hbm>> -> memref<2048xi32, #tpu.memory_space<hbm>>
        tpu.wait_dma2 semaphore(%arg11 : memref<!tpu.dma_semaphore, #tpu.memory_space<semaphore_mem>>) src(%dma_wait3A_817 : memref<2048xi32, #tpu.memory_space<hbm>>) dst(%dma_wait3A_814 : memref<2048xi32, #tpu.memory_space<vmem>>)
      } else {
      }
    }
    %scan3A_15 = arith.constant 5 : i32
    "tpu.region"() ({
      %run_scoped3A_16 = tpu.sem_alloc : memref<!tpu.dma_semaphore, #tpu.memory_space<semaphore_mem>>
      %dma_start3A = arith.constant 0 : i32
      %dma_start3A_17 = tpu.memref_slice %arg4[%add3A, %dma_start3A] : memref<32x10240xf32, #tpu.memory_space<hbm>> -> memref<1x10240xf32, #tpu.memory_space<hbm>>
      %dma_start3A_18 = tpu.memref_squeeze %dma_start3A_17 : memref<1x10240xf32, #tpu.memory_space<hbm>> -> memref<10240xf32, #tpu.memory_space<hbm>>
      %dma_start3A_19 = arith.constant 0 : i32
      %dma_start3A_20 = tpu.memref_slice %arg4[%add3A, %dma_start3A_19] : memref<32x10240xf32, #tpu.memory_space<hbm>> -> memref<1x10240xf32, #tpu.memory_space<hbm>>
      %dma_start3A_21 = tpu.memref_squeeze %dma_start3A_20 : memref<1x10240xf32, #tpu.memory_space<hbm>> -> memref<10240xf32, #tpu.memory_space<hbm>>
      tpu.enqueue_dma source(%arg8 : memref<10240xf32, #tpu.memory_space<vmem>>) target(%dma_start3A_21 : memref<10240xf32, #tpu.memory_space<hbm>>) target_semaphore(%run_scoped3A_16 : memref<!tpu.dma_semaphore, #tpu.memory_space<semaphore_mem>>)
      %dma_wait3A = arith.constant 0 : i32
      %dma_wait3A_22 = tpu.memref_slice %arg4[%add3A, %dma_wait3A] : memref<32x10240xf32, #tpu.memory_space<hbm>> -> memref<1x10240xf32, #tpu.memory_space<hbm>>
      %dma_wait3A_23 = tpu.memref_squeeze %dma_wait3A_22 : memref<1x10240xf32, #tpu.memory_space<hbm>> -> memref<10240xf32, #tpu.memory_space<hbm>>
      %dma_wait3A_24 = arith.constant 0 : i32
      %dma_wait3A_25 = tpu.memref_slice %arg4[%add3A, %dma_wait3A_24] : memref<32x10240xf32, #tpu.memory_space<hbm>> -> memref<1x10240xf32, #tpu.memory_space<hbm>>
      %dma_wait3A_26 = tpu.memref_squeeze %dma_wait3A_25 : memref<1x10240xf32, #tpu.memory_space<hbm>> -> memref<10240xf32, #tpu.memory_space<hbm>>
      tpu.wait_dma2 semaphore(%run_scoped3A_16 : memref<!tpu.dma_semaphore, #tpu.memory_space<semaphore_mem>>) src(%arg8 : memref<10240xf32, #tpu.memory_space<vmem>>) dst(%dma_wait3A_26 : memref<10240xf32, #tpu.memory_space<hbm>>)
      tpu.yield
    }) : () -> ()
    "tpu.region"() ({
      %run_scoped3A_16 = tpu.sem_alloc : memref<!tpu.dma_semaphore, #tpu.memory_space<semaphore_mem>>
      %dma_start3A = arith.constant 0 : i32
      %dma_start3A_17 = tpu.memref_slice %arg5[%add3A, %dma_start3A] : memref<32x10240xf32, #tpu.memory_space<hbm>> -> memref<1x10240xf32, #tpu.memory_space<hbm>>
      %dma_start3A_18 = tpu.memref_squeeze %dma_start3A_17 : memref<1x10240xf32, #tpu.memory_space<hbm>> -> memref<10240xf32, #tpu.memory_space<hbm>>
      %dma_start3A_19 = arith.constant 0 : i32
      %dma_start3A_20 = tpu.memref_slice %arg5[%add3A, %dma_start3A_19] : memref<32x10240xf32, #tpu.memory_space<hbm>> -> memref<1x10240xf32, #tpu.memory_space<hbm>>
      %dma_start3A_21 = tpu.memref_squeeze %dma_start3A_20 : memref<1x10240xf32, #tpu.memory_space<hbm>> -> memref<10240xf32, #tpu.memory_space<hbm>>
      tpu.enqueue_dma source(%arg9 : memref<10240xf32, #tpu.memory_space<vmem>>) target(%dma_start3A_21 : memref<10240xf32, #tpu.memory_space<hbm>>) target_semaphore(%run_scoped3A_16 : memref<!tpu.dma_semaphore, #tpu.memory_space<semaphore_mem>>)
      %dma_wait3A = arith.constant 0 : i32
      %dma_wait3A_22 = tpu.memref_slice %arg5[%add3A, %dma_wait3A] : memref<32x10240xf32, #tpu.memory_space<hbm>> -> memref<1x10240xf32, #tpu.memory_space<hbm>>
      %dma_wait3A_23 = tpu.memref_squeeze %dma_wait3A_22 : memref<1x10240xf32, #tpu.memory_space<hbm>> -> memref<10240xf32, #tpu.memory_space<hbm>>
      %dma_wait3A_24 = arith.constant 0 : i32
      %dma_wait3A_25 = tpu.memref_slice %arg5[%add3A, %dma_wait3A_24] : memref<32x10240xf32, #tpu.memory_space<hbm>> -> memref<1x10240xf32, #tpu.memory_space<hbm>>
      %dma_wait3A_26 = tpu.memref_squeeze %dma_wait3A_25 : memref<1x10240xf32, #tpu.memory_space<hbm>> -> memref<10240xf32, #tpu.memory_space<hbm>>
      tpu.wait_dma2 semaphore(%run_scoped3A_16 : memref<!tpu.dma_semaphore, #tpu.memory_space<semaphore_mem>>) src(%arg9 : memref<10240xf32, #tpu.memory_space<vmem>>) dst(%dma_wait3A_26 : memref<10240xf32, #tpu.memory_space<hbm>>)
      tpu.yield
    }) : () -> ()
    return
  }
}

#map = affine_map<(d0, d1) -> (0, 0)>
#map1 = affine_map<(d0, d1) -> (0, 0, 0)>
module attributes {stable_mosaic.version = 14 : i64} {
  func.func @k(%arg0: i32, %arg1: i32, %arg2: memref<10240x128xf32, #tpu.memory_space<hbm>>, %arg3: memref<32x320x32xi32, #tpu.memory_space<hbm>>, %arg4: memref<32x320x32xi32, #tpu.memory_space<hbm>>, %arg5: memref<2x10240x128xf32, #tpu.memory_space<hbm>>, %arg6: memref<2x4x32xi32, #tpu.memory_space<vmem>>, %arg7: memref<2x4x32xi32, #tpu.memory_space<vmem>>, %arg8: memref<128x128xf32, #tpu.memory_space<vmem>>, %arg9: memref<10240x128xf32, #tpu.memory_space<vmem_shared>>, %arg10: memref<!tpu.dma_semaphore, #tpu.memory_space<semaphore_mem>>, %arg11: memref<!tpu.dma_semaphore, #tpu.memory_space<semaphore_mem>>, %arg12: memref<!tpu.dma_semaphore, #tpu.memory_space<semaphore_mem>>, %arg13: memref<!tpu.dma_semaphore, #tpu.memory_space<semaphore_mem>>, %arg14: memref<!tpu.dma_semaphore, #tpu.memory_space<semaphore_mem>>, %arg15: memref<!tpu.dma_semaphore, #tpu.memory_space<semaphore_mem>>) attributes {dimension_semantics = [#tpu.dimension_semantics<core_parallel>, #tpu.dimension_semantics<subcore_parallel>], iteration_bounds = array<i64: 2, 16>, scalar_prefetch = 0 : i64, scratch_operands = 10 : i64, tpu.core_type = #tpu.core_type<sc_vector_subcore>, window_params = [{transform_indices = #map}, {transform_indices = #map1}, {transform_indices = #map1}, {transform_indices = #map1}]} {
    %mul3A = arith.constant 16 : i32
    %mul3A_0 = arith.muli %arg0, %mul3A : i32
    %add3A = arith.addi %mul3A_0, %arg1 : i32
    %broadcast_in_dim3A = arith.constant 0.000000e+00 : f32
    %broadcast_in_dim3A_1 = vector.broadcast %broadcast_in_dim3A : f32 to vector<16xf32>
    %scan3A = arith.constant 0 : i32
    %scan3A_2 = arith.constant 0 : i32
    %scan3A_3 = arith.constant 128 : i32
    %scan3A_4 = arith.addi %scan3A_2, %scan3A_3 : i32
    %scan3A_5 = arith.constant 1 : i32
    scf.for %scan3A_70 = %scan3A_2 to %scan3A_4 step %scan3A_5  : i32 {
      %swap3A = arith.index_cast %scan3A_70 : i32 to index
      %swap3A_71 = arith.constant 0 : index
      %swap3A_72 = tpu.vector_load %arg8[%swap3A, %swap3A_71] {strides = array<i32>} : memref<128x128xf32, #tpu.memory_space<vmem>>, vector<1x16xf32>,
      %swap3A_73 = vector.shape_cast %swap3A_72 : vector<1x16xf32> to vector<16xf32>
      %swap3A_74 = vector.shape_cast %broadcast_in_dim3A_1 : vector<16xf32> to vector<1x16xf32>
      tpu.vector_store %arg8[%swap3A, %swap3A_71], %swap3A_74 {strides = array<i32>} : memref<128x128xf32, #tpu.memory_space<vmem>>, vector<1x16xf32>,
      %swap3A_75 = arith.index_cast %scan3A_70 : i32 to index
      %swap3A_76 = arith.constant 16 : index
      %swap3A_77 = tpu.vector_load %arg8[%swap3A_75, %swap3A_76] {strides = array<i32>} : memref<128x128xf32, #tpu.memory_space<vmem>>, vector<1x16xf32>,
      %swap3A_78 = vector.shape_cast %swap3A_77 : vector<1x16xf32> to vector<16xf32>
      %swap3A_79 = vector.shape_cast %broadcast_in_dim3A_1 : vector<16xf32> to vector<1x16xf32>
      tpu.vector_store %arg8[%swap3A_75, %swap3A_76], %swap3A_79 {strides = array<i32>} : memref<128x128xf32, #tpu.memory_space<vmem>>, vector<1x16xf32>,
      %swap3A_80 = arith.index_cast %scan3A_70 : i32 to index
      %swap3A_81 = arith.constant 32 : index
      %swap3A_82 = tpu.vector_load %arg8[%swap3A_80, %swap3A_81] {strides = array<i32>} : memref<128x128xf32, #tpu.memory_space<vmem>>, vector<1x16xf32>,
      %swap3A_83 = vector.shape_cast %swap3A_82 : vector<1x16xf32> to vector<16xf32>
      %swap3A_84 = vector.shape_cast %broadcast_in_dim3A_1 : vector<16xf32> to vector<1x16xf32>
      tpu.vector_store %arg8[%swap3A_80, %swap3A_81], %swap3A_84 {strides = array<i32>} : memref<128x128xf32, #tpu.memory_space<vmem>>, vector<1x16xf32>,
      %swap3A_85 = arith.index_cast %scan3A_70 : i32 to index
      %swap3A_86 = arith.constant 48 : index
      %swap3A_87 = tpu.vector_load %arg8[%swap3A_85, %swap3A_86] {strides = array<i32>} : memref<128x128xf32, #tpu.memory_space<vmem>>, vector<1x16xf32>,
      %swap3A_88 = vector.shape_cast %swap3A_87 : vector<1x16xf32> to vector<16xf32>
      %swap3A_89 = vector.shape_cast %broadcast_in_dim3A_1 : vector<16xf32> to vector<1x16xf32>
      tpu.vector_store %arg8[%swap3A_85, %swap3A_86], %swap3A_89 {strides = array<i32>} : memref<128x128xf32, #tpu.memory_space<vmem>>, vector<1x16xf32>,
      %swap3A_90 = arith.index_cast %scan3A_70 : i32 to index
      %swap3A_91 = arith.constant 64 : index
      %swap3A_92 = tpu.vector_load %arg8[%swap3A_90, %swap3A_91] {strides = array<i32>} : memref<128x128xf32, #tpu.memory_space<vmem>>, vector<1x16xf32>,
      %swap3A_93 = vector.shape_cast %swap3A_92 : vector<1x16xf32> to vector<16xf32>
      %swap3A_94 = vector.shape_cast %broadcast_in_dim3A_1 : vector<16xf32> to vector<1x16xf32>
      tpu.vector_store %arg8[%swap3A_90, %swap3A_91], %swap3A_94 {strides = array<i32>} : memref<128x128xf32, #tpu.memory_space<vmem>>, vector<1x16xf32>,
      %swap3A_95 = arith.index_cast %scan3A_70 : i32 to index
      %swap3A_96 = arith.constant 80 : index
      %swap3A_97 = tpu.vector_load %arg8[%swap3A_95, %swap3A_96] {strides = array<i32>} : memref<128x128xf32, #tpu.memory_space<vmem>>, vector<1x16xf32>,
      %swap3A_98 = vector.shape_cast %swap3A_97 : vector<1x16xf32> to vector<16xf32>
      %swap3A_99 = vector.shape_cast %broadcast_in_dim3A_1 : vector<16xf32> to vector<1x16xf32>
      tpu.vector_store %arg8[%swap3A_95, %swap3A_96], %swap3A_99 {strides = array<i32>} : memref<128x128xf32, #tpu.memory_space<vmem>>, vector<1x16xf32>,
      %swap3A_100 = arith.index_cast %scan3A_70 : i32 to index
      %swap3A_101 = arith.constant 96 : index
      %swap3A_102 = tpu.vector_load %arg8[%swap3A_100, %swap3A_101] {strides = array<i32>} : memref<128x128xf32, #tpu.memory_space<vmem>>, vector<1x16xf32>,
      %swap3A_103 = vector.shape_cast %swap3A_102 : vector<1x16xf32> to vector<16xf32>
      %swap3A_104 = vector.shape_cast %broadcast_in_dim3A_1 : vector<16xf32> to vector<1x16xf32>
      tpu.vector_store %arg8[%swap3A_100, %swap3A_101], %swap3A_104 {strides = array<i32>} : memref<128x128xf32, #tpu.memory_space<vmem>>, vector<1x16xf32>,
      %swap3A_105 = arith.index_cast %scan3A_70 : i32 to index
      %swap3A_106 = arith.constant 112 : index
      %swap3A_107 = tpu.vector_load %arg8[%swap3A_105, %swap3A_106] {strides = array<i32>} : memref<128x128xf32, #tpu.memory_space<vmem>>, vector<1x16xf32>,
      %swap3A_108 = vector.shape_cast %swap3A_107 : vector<1x16xf32> to vector<16xf32>
      %swap3A_109 = vector.shape_cast %broadcast_in_dim3A_1 : vector<16xf32> to vector<1x16xf32>
      tpu.vector_store %arg8[%swap3A_105, %swap3A_106], %swap3A_109 {strides = array<i32>} : memref<128x128xf32, #tpu.memory_space<vmem>>, vector<1x16xf32>,
    }
    %scan3A_6 = arith.constant 128 : i32
    %mul3A_7 = arith.constant 640 : i32
    %mul3A_8 = arith.muli %arg1, %mul3A_7 : i32
    %add3A_9 = arith.constant 0 : i32
    %add3A_10 = arith.addi %mul3A_8, %add3A_9 : i32
    "tpu.region"() ({
      %run_scoped3A_70 = tpu.sem_alloc : memref<!tpu.dma_semaphore, #tpu.memory_space<semaphore_mem>>
      %dma_start3A_71 = arith.constant 0 : i32
      %dma_start3A_72 = tpu.memref_slice %arg9[%add3A_10, %dma_start3A_71] : memref<10240x128xf32, #tpu.memory_space<vmem_shared>> -> memref<128x128xf32, #tpu.memory_space<vmem_shared>>
      %dma_start3A_73 = arith.constant 0 : i32
      %dma_start3A_74 = tpu.memref_slice %arg9[%add3A_10, %dma_start3A_73] : memref<10240x128xf32, #tpu.memory_space<vmem_shared>> -> memref<128x128xf32, #tpu.memory_space<vmem_shared>>
      tpu.enqueue_dma source(%arg8 : memref<128x128xf32, #tpu.memory_space<vmem>>) target(%dma_start3A_74 : memref<128x128xf32, #tpu.memory_space<vmem_shared>>) target_semaphore(%run_scoped3A_70 : memref<!tpu.dma_semaphore, #tpu.memory_space<semaphore_mem>>)
      %dma_wait3A = arith.constant 0 : i32
      %dma_wait3A_75 = tpu.memref_slice %arg9[%add3A_10, %dma_wait3A] : memref<10240x128xf32, #tpu.memory_space<vmem_shared>> -> memref<128x128xf32, #tpu.memory_space<vmem_shared>>
      %dma_wait3A_76 = arith.constant 0 : i32
      %dma_wait3A_77 = tpu.memref_slice %arg9[%add3A_10, %dma_wait3A_76] : memref<10240x128xf32, #tpu.memory_space<vmem_shared>> -> memref<128x128xf32, #tpu.memory_space<vmem_shared>>
      tpu.wait_dma2 semaphore(%run_scoped3A_70 : memref<!tpu.dma_semaphore, #tpu.memory_space<semaphore_mem>>) src(%arg8 : memref<128x128xf32, #tpu.memory_space<vmem>>) dst(%dma_wait3A_77 : memref<128x128xf32, #tpu.memory_space<vmem_shared>>)
      tpu.yield
    }) : () -> ()
    %add3A_11 = arith.constant 128 : i32
    %add3A_12 = arith.addi %mul3A_8, %add3A_11 : i32
    "tpu.region"() ({
      %run_scoped3A_70 = tpu.sem_alloc : memref<!tpu.dma_semaphore, #tpu.memory_space<semaphore_mem>>
      %dma_start3A_71 = arith.constant 0 : i32
      %dma_start3A_72 = tpu.memref_slice %arg9[%add3A_12, %dma_start3A_71] : memref<10240x128xf32, #tpu.memory_space<vmem_shared>> -> memref<128x128xf32, #tpu.memory_space<vmem_shared>>
      %dma_start3A_73 = arith.constant 0 : i32
      %dma_start3A_74 = tpu.memref_slice %arg9[%add3A_12, %dma_start3A_73] : memref<10240x128xf32, #tpu.memory_space<vmem_shared>> -> memref<128x128xf32, #tpu.memory_space<vmem_shared>>
      tpu.enqueue_dma source(%arg8 : memref<128x128xf32, #tpu.memory_space<vmem>>) target(%dma_start3A_74 : memref<128x128xf32, #tpu.memory_space<vmem_shared>>) target_semaphore(%run_scoped3A_70 : memref<!tpu.dma_semaphore, #tpu.memory_space<semaphore_mem>>)
      %dma_wait3A = arith.constant 0 : i32
      %dma_wait3A_75 = tpu.memref_slice %arg9[%add3A_12, %dma_wait3A] : memref<10240x128xf32, #tpu.memory_space<vmem_shared>> -> memref<128x128xf32, #tpu.memory_space<vmem_shared>>
      %dma_wait3A_76 = arith.constant 0 : i32
      %dma_wait3A_77 = tpu.memref_slice %arg9[%add3A_12, %dma_wait3A_76] : memref<10240x128xf32, #tpu.memory_space<vmem_shared>> -> memref<128x128xf32, #tpu.memory_space<vmem_shared>>
      tpu.wait_dma2 semaphore(%run_scoped3A_70 : memref<!tpu.dma_semaphore, #tpu.memory_space<semaphore_mem>>) src(%arg8 : memref<128x128xf32, #tpu.memory_space<vmem>>) dst(%dma_wait3A_77 : memref<128x128xf32, #tpu.memory_space<vmem_shared>>)
      tpu.yield
    }) : () -> ()
    %add3A_13 = arith.constant 256 : i32
    %add3A_14 = arith.addi %mul3A_8, %add3A_13 : i32
    "tpu.region"() ({
      %run_scoped3A_70 = tpu.sem_alloc : memref<!tpu.dma_semaphore, #tpu.memory_space<semaphore_mem>>
      %dma_start3A_71 = arith.constant 0 : i32
      %dma_start3A_72 = tpu.memref_slice %arg9[%add3A_14, %dma_start3A_71] : memref<10240x128xf32, #tpu.memory_space<vmem_shared>> -> memref<128x128xf32, #tpu.memory_space<vmem_shared>>
      %dma_start3A_73 = arith.constant 0 : i32
      %dma_start3A_74 = tpu.memref_slice %arg9[%add3A_14, %dma_start3A_73] : memref<10240x128xf32, #tpu.memory_space<vmem_shared>> -> memref<128x128xf32, #tpu.memory_space<vmem_shared>>
      tpu.enqueue_dma source(%arg8 : memref<128x128xf32, #tpu.memory_space<vmem>>) target(%dma_start3A_74 : memref<128x128xf32, #tpu.memory_space<vmem_shared>>) target_semaphore(%run_scoped3A_70 : memref<!tpu.dma_semaphore, #tpu.memory_space<semaphore_mem>>)
      %dma_wait3A = arith.constant 0 : i32
      %dma_wait3A_75 = tpu.memref_slice %arg9[%add3A_14, %dma_wait3A] : memref<10240x128xf32, #tpu.memory_space<vmem_shared>> -> memref<128x128xf32, #tpu.memory_space<vmem_shared>>
      %dma_wait3A_76 = arith.constant 0 : i32
      %dma_wait3A_77 = tpu.memref_slice %arg9[%add3A_14, %dma_wait3A_76] : memref<10240x128xf32, #tpu.memory_space<vmem_shared>> -> memref<128x128xf32, #tpu.memory_space<vmem_shared>>
      tpu.wait_dma2 semaphore(%run_scoped3A_70 : memref<!tpu.dma_semaphore, #tpu.memory_space<semaphore_mem>>) src(%arg8 : memref<128x128xf32, #tpu.memory_space<vmem>>) dst(%dma_wait3A_77 : memref<128x128xf32, #tpu.memory_space<vmem_shared>>)
      tpu.yield
    }) : () -> ()
    %add3A_15 = arith.constant 384 : i32
    %add3A_16 = arith.addi %mul3A_8, %add3A_15 : i32
    "tpu.region"() ({
      %run_scoped3A_70 = tpu.sem_alloc : memref<!tpu.dma_semaphore, #tpu.memory_space<semaphore_mem>>
      %dma_start3A_71 = arith.constant 0 : i32
      %dma_start3A_72 = tpu.memref_slice %arg9[%add3A_16, %dma_start3A_71] : memref<10240x128xf32, #tpu.memory_space<vmem_shared>> -> memref<128x128xf32, #tpu.memory_space<vmem_shared>>
      %dma_start3A_73 = arith.constant 0 : i32
      %dma_start3A_74 = tpu.memref_slice %arg9[%add3A_16, %dma_start3A_73] : memref<10240x128xf32, #tpu.memory_space<vmem_shared>> -> memref<128x128xf32, #tpu.memory_space<vmem_shared>>
      tpu.enqueue_dma source(%arg8 : memref<128x128xf32, #tpu.memory_space<vmem>>) target(%dma_start3A_74 : memref<128x128xf32, #tpu.memory_space<vmem_shared>>) target_semaphore(%run_scoped3A_70 : memref<!tpu.dma_semaphore, #tpu.memory_space<semaphore_mem>>)
      %dma_wait3A = arith.constant 0 : i32
      %dma_wait3A_75 = tpu.memref_slice %arg9[%add3A_16, %dma_wait3A] : memref<10240x128xf32, #tpu.memory_space<vmem_shared>> -> memref<128x128xf32, #tpu.memory_space<vmem_shared>>
      %dma_wait3A_76 = arith.constant 0 : i32
      %dma_wait3A_77 = tpu.memref_slice %arg9[%add3A_16, %dma_wait3A_76] : memref<10240x128xf32, #tpu.memory_space<vmem_shared>> -> memref<128x128xf32, #tpu.memory_space<vmem_shared>>
      tpu.wait_dma2 semaphore(%run_scoped3A_70 : memref<!tpu.dma_semaphore, #tpu.memory_space<semaphore_mem>>) src(%arg8 : memref<128x128xf32, #tpu.memory_space<vmem>>) dst(%dma_wait3A_77 : memref<128x128xf32, #tpu.memory_space<vmem_shared>>)
      tpu.yield
    }) : () -> ()
    %add3A_17 = arith.constant 512 : i32
    %add3A_18 = arith.addi %mul3A_8, %add3A_17 : i32
    "tpu.region"() ({
      %run_scoped3A_70 = tpu.sem_alloc : memref<!tpu.dma_semaphore, #tpu.memory_space<semaphore_mem>>
      %dma_start3A_71 = arith.constant 0 : i32
      %dma_start3A_72 = tpu.memref_slice %arg9[%add3A_18, %dma_start3A_71] : memref<10240x128xf32, #tpu.memory_space<vmem_shared>> -> memref<128x128xf32, #tpu.memory_space<vmem_shared>>
      %dma_start3A_73 = arith.constant 0 : i32
      %dma_start3A_74 = tpu.memref_slice %arg9[%add3A_18, %dma_start3A_73] : memref<10240x128xf32, #tpu.memory_space<vmem_shared>> -> memref<128x128xf32, #tpu.memory_space<vmem_shared>>
      tpu.enqueue_dma source(%arg8 : memref<128x128xf32, #tpu.memory_space<vmem>>) target(%dma_start3A_74 : memref<128x128xf32, #tpu.memory_space<vmem_shared>>) target_semaphore(%run_scoped3A_70 : memref<!tpu.dma_semaphore, #tpu.memory_space<semaphore_mem>>)
      %dma_wait3A = arith.constant 0 : i32
      %dma_wait3A_75 = tpu.memref_slice %arg9[%add3A_18, %dma_wait3A] : memref<10240x128xf32, #tpu.memory_space<vmem_shared>> -> memref<128x128xf32, #tpu.memory_space<vmem_shared>>
      %dma_wait3A_76 = arith.constant 0 : i32
      %dma_wait3A_77 = tpu.memref_slice %arg9[%add3A_18, %dma_wait3A_76] : memref<10240x128xf32, #tpu.memory_space<vmem_shared>> -> memref<128x128xf32, #tpu.memory_space<vmem_shared>>
      tpu.wait_dma2 semaphore(%run_scoped3A_70 : memref<!tpu.dma_semaphore, #tpu.memory_space<semaphore_mem>>) src(%arg8 : memref<128x128xf32, #tpu.memory_space<vmem>>) dst(%dma_wait3A_77 : memref<128x128xf32, #tpu.memory_space<vmem_shared>>)
      tpu.yield
    }) : () -> ()
    %barrier3A = arith.constant 0 : index
    tpu.barrier barrier_id(%barrier3A)
    %run_scoped3A = arith.constant 0 : i32
    "tpu.region"() ({
      %run_scoped3A_70 = tpu.sem_alloc : memref<!tpu.dma_semaphore, #tpu.memory_space<semaphore_mem>>
      %dma_start3A_71 = arith.constant 0 : i32
      %dma_start3A_72 = arith.constant 0 : i32
      %dma_start3A_73 = tpu.memref_slice %arg6[%run_scoped3A, %dma_start3A_71, %dma_start3A_72] : memref<2x4x32xi32, #tpu.memory_space<vmem>> -> memref<1x4x32xi32, #tpu.memory_space<vmem>>
      %dma_start3A_74 = tpu.memref_squeeze %dma_start3A_73 : memref<1x4x32xi32, #tpu.memory_space<vmem>> -> memref<4x32xi32, #tpu.memory_space<vmem>>
      %dma_start3A_75 = arith.constant 0 : i32
      %dma_start3A_76 = arith.constant 0 : i32
      %dma_start3A_77 = tpu.memref_slice %arg3[%add3A, %dma_start3A_75, %dma_start3A_76] : memref<32x320x32xi32, #tpu.memory_space<hbm>> -> memref<1x4x32xi32, #tpu.memory_space<hbm>>
      %dma_start3A_78 = tpu.memref_squeeze %dma_start3A_77 : memref<1x4x32xi32, #tpu.memory_space<hbm>> -> memref<4x32xi32, #tpu.memory_space<hbm>>
      %dma_start3A_79 = arith.constant 0 : i32
      %dma_start3A_80 = arith.constant 0 : i32
      %dma_start3A_81 = tpu.memref_slice %arg6[%run_scoped3A, %dma_start3A_79, %dma_start3A_80] : memref<2x4x32xi32, #tpu.memory_space<vmem>> -> memref<1x4x32xi32, #tpu.memory_space<vmem>>
      %dma_start3A_82 = tpu.memref_squeeze %dma_start3A_81 : memref<1x4x32xi32, #tpu.memory_space<vmem>> -> memref<4x32xi32, #tpu.memory_space<vmem>>
      %dma_start3A_83 = arith.constant 0 : i32
      %dma_start3A_84 = arith.constant 0 : i32
      %dma_start3A_85 = tpu.memref_slice %arg3[%add3A, %dma_start3A_83, %dma_start3A_84] : memref<32x320x32xi32, #tpu.memory_space<hbm>> -> memref<1x4x32xi32, #tpu.memory_space<hbm>>
      %dma_start3A_86 = tpu.memref_squeeze %dma_start3A_85 : memref<1x4x32xi32, #tpu.memory_space<hbm>> -> memref<4x32xi32, #tpu.memory_space<hbm>>
      tpu.enqueue_dma source(%dma_start3A_86 : memref<4x32xi32, #tpu.memory_space<hbm>>) target(%dma_start3A_82 : memref<4x32xi32, #tpu.memory_space<vmem>>) target_semaphore(%run_scoped3A_70 : memref<!tpu.dma_semaphore, #tpu.memory_space<semaphore_mem>>)
      %dma_wait3A = arith.constant 0 : i32
      %dma_wait3A_87 = arith.constant 0 : i32
      %dma_wait3A_88 = tpu.memref_slice %arg6[%run_scoped3A, %dma_wait3A, %dma_wait3A_87] : memref<2x4x32xi32, #tpu.memory_space<vmem>> -> memref<1x4x32xi32, #tpu.memory_space<vmem>>
      %dma_wait3A_89 = tpu.memref_squeeze %dma_wait3A_88 : memref<1x4x32xi32, #tpu.memory_space<vmem>> -> memref<4x32xi32, #tpu.memory_space<vmem>>
      %dma_wait3A_90 = arith.constant 0 : i32
      %dma_wait3A_91 = arith.constant 0 : i32
      %dma_wait3A_92 = tpu.memref_slice %arg3[%add3A, %dma_wait3A_90, %dma_wait3A_91] : memref<32x320x32xi32, #tpu.memory_space<hbm>> -> memref<1x4x32xi32, #tpu.memory_space<hbm>>
      %dma_wait3A_93 = tpu.memref_squeeze %dma_wait3A_92 : memref<1x4x32xi32, #tpu.memory_space<hbm>> -> memref<4x32xi32, #tpu.memory_space<hbm>>
      %dma_wait3A_94 = arith.constant 0 : i32
      %dma_wait3A_95 = arith.constant 0 : i32
      %dma_wait3A_96 = tpu.memref_slice %arg6[%run_scoped3A, %dma_wait3A_94, %dma_wait3A_95] : memref<2x4x32xi32, #tpu.memory_space<vmem>> -> memref<1x4x32xi32, #tpu.memory_space<vmem>>
      %dma_wait3A_97 = tpu.memref_squeeze %dma_wait3A_96 : memref<1x4x32xi32, #tpu.memory_space<vmem>> -> memref<4x32xi32, #tpu.memory_space<vmem>>
      %dma_wait3A_98 = arith.constant 0 : i32
      %dma_wait3A_99 = arith.constant 0 : i32
      %dma_wait3A_100 = tpu.memref_slice %arg3[%add3A, %dma_wait3A_98, %dma_wait3A_99] : memref<32x320x32xi32, #tpu.memory_space<hbm>> -> memref<1x4x32xi32, #tpu.memory_space<hbm>>
      %dma_wait3A_101 = tpu.memref_squeeze %dma_wait3A_100 : memref<1x4x32xi32, #tpu.memory_space<hbm>> -> memref<4x32xi32, #tpu.memory_space<hbm>>
      tpu.wait_dma2 semaphore(%run_scoped3A_70 : memref<!tpu.dma_semaphore, #tpu.memory_space<semaphore_mem>>) src(%dma_wait3A_101 : memref<4x32xi32, #tpu.memory_space<hbm>>) dst(%dma_wait3A_97 : memref<4x32xi32, #tpu.memory_space<vmem>>)
      tpu.yield
    }) : () -> ()
    %run_scoped3A_19 = arith.constant 0 : i32
    "tpu.region"() ({
      %run_scoped3A_70 = tpu.sem_alloc : memref<!tpu.dma_semaphore, #tpu.memory_space<semaphore_mem>>
      %dma_start3A_71 = arith.constant 0 : i32
      %dma_start3A_72 = arith.constant 0 : i32
      %dma_start3A_73 = tpu.memref_slice %arg7[%run_scoped3A_19, %dma_start3A_71, %dma_start3A_72] : memref<2x4x32xi32, #tpu.memory_space<vmem>> -> memref<1x4x32xi32, #tpu.memory_space<vmem>>
      %dma_start3A_74 = tpu.memref_squeeze %dma_start3A_73 : memref<1x4x32xi32, #tpu.memory_space<vmem>> -> memref<4x32xi32, #tpu.memory_space<vmem>>
      %dma_start3A_75 = arith.constant 0 : i32
      %dma_start3A_76 = arith.constant 0 : i32
      %dma_start3A_77 = tpu.memref_slice %arg4[%add3A, %dma_start3A_75, %dma_start3A_76] : memref<32x320x32xi32, #tpu.memory_space<hbm>> -> memref<1x4x32xi32, #tpu.memory_space<hbm>>
      %dma_start3A_78 = tpu.memref_squeeze %dma_start3A_77 : memref<1x4x32xi32, #tpu.memory_space<hbm>> -> memref<4x32xi32, #tpu.memory_space<hbm>>
      %dma_start3A_79 = arith.constant 0 : i32
      %dma_start3A_80 = arith.constant 0 : i32
      %dma_start3A_81 = tpu.memref_slice %arg7[%run_scoped3A_19, %dma_start3A_79, %dma_start3A_80] : memref<2x4x32xi32, #tpu.memory_space<vmem>> -> memref<1x4x32xi32, #tpu.memory_space<vmem>>
      %dma_start3A_82 = tpu.memref_squeeze %dma_start3A_81 : memref<1x4x32xi32, #tpu.memory_space<vmem>> -> memref<4x32xi32, #tpu.memory_space<vmem>>
      %dma_start3A_83 = arith.constant 0 : i32
      %dma_start3A_84 = arith.constant 0 : i32
      %dma_start3A_85 = tpu.memref_slice %arg4[%add3A, %dma_start3A_83, %dma_start3A_84] : memref<32x320x32xi32, #tpu.memory_space<hbm>> -> memref<1x4x32xi32, #tpu.memory_space<hbm>>
      %dma_start3A_86 = tpu.memref_squeeze %dma_start3A_85 : memref<1x4x32xi32, #tpu.memory_space<hbm>> -> memref<4x32xi32, #tpu.memory_space<hbm>>
      tpu.enqueue_dma source(%dma_start3A_86 : memref<4x32xi32, #tpu.memory_space<hbm>>) target(%dma_start3A_82 : memref<4x32xi32, #tpu.memory_space<vmem>>) target_semaphore(%run_scoped3A_70 : memref<!tpu.dma_semaphore, #tpu.memory_space<semaphore_mem>>)
      %dma_wait3A = arith.constant 0 : i32
      %dma_wait3A_87 = arith.constant 0 : i32
      %dma_wait3A_88 = tpu.memref_slice %arg7[%run_scoped3A_19, %dma_wait3A, %dma_wait3A_87] : memref<2x4x32xi32, #tpu.memory_space<vmem>> -> memref<1x4x32xi32, #tpu.memory_space<vmem>>
      %dma_wait3A_89 = tpu.memref_squeeze %dma_wait3A_88 : memref<1x4x32xi32, #tpu.memory_space<vmem>> -> memref<4x32xi32, #tpu.memory_space<vmem>>
      %dma_wait3A_90 = arith.constant 0 : i32
      %dma_wait3A_91 = arith.constant 0 : i32
      %dma_wait3A_92 = tpu.memref_slice %arg4[%add3A, %dma_wait3A_90, %dma_wait3A_91] : memref<32x320x32xi32, #tpu.memory_space<hbm>> -> memref<1x4x32xi32, #tpu.memory_space<hbm>>
      %dma_wait3A_93 = tpu.memref_squeeze %dma_wait3A_92 : memref<1x4x32xi32, #tpu.memory_space<hbm>> -> memref<4x32xi32, #tpu.memory_space<hbm>>
      %dma_wait3A_94 = arith.constant 0 : i32
      %dma_wait3A_95 = arith.constant 0 : i32
      %dma_wait3A_96 = tpu.memref_slice %arg7[%run_scoped3A_19, %dma_wait3A_94, %dma_wait3A_95] : memref<2x4x32xi32, #tpu.memory_space<vmem>> -> memref<1x4x32xi32, #tpu.memory_space<vmem>>
      %dma_wait3A_97 = tpu.memref_squeeze %dma_wait3A_96 : memref<1x4x32xi32, #tpu.memory_space<vmem>> -> memref<4x32xi32, #tpu.memory_space<vmem>>
      %dma_wait3A_98 = arith.constant 0 : i32
      %dma_wait3A_99 = arith.constant 0 : i32
      %dma_wait3A_100 = tpu.memref_slice %arg4[%add3A, %dma_wait3A_98, %dma_wait3A_99] : memref<32x320x32xi32, #tpu.memory_space<hbm>> -> memref<1x4x32xi32, #tpu.memory_space<hbm>>
      %dma_wait3A_101 = tpu.memref_squeeze %dma_wait3A_100 : memref<1x4x32xi32, #tpu.memory_space<hbm>> -> memref<4x32xi32, #tpu.memory_space<hbm>>
      tpu.wait_dma2 semaphore(%run_scoped3A_70 : memref<!tpu.dma_semaphore, #tpu.memory_space<semaphore_mem>>) src(%dma_wait3A_101 : memref<4x32xi32, #tpu.memory_space<hbm>>) dst(%dma_wait3A_97 : memref<4x32xi32, #tpu.memory_space<vmem>>)
      tpu.yield
    }) : () -> ()
    %dma_start3A = arith.constant 0 : i32
    %dma_start3A_20 = arith.constant 0 : i32
    %dma_start3A_21 = arith.constant 0 : i32
    %dma_start3A_22 = arith.constant 0 : i32
    %dma_start3A_23 = tpu.memref_slice %arg8[%dma_start3A_21, %dma_start3A_22] : memref<128x128xf32, #tpu.memory_space<vmem>> -> memref<32x128xf32, #tpu.memory_space<vmem>>
    %dma_start3A_24 = arith.constant 0 : i32
    %dma_start3A_25 = tpu.memref_slice %arg6[%dma_start3A, %dma_start3A_20, %dma_start3A_24] : memref<2x4x32xi32, #tpu.memory_space<vmem>> -> memref<1x1x32xi32, #tpu.memory_space<vmem>>
    %dma_start3A_26 = tpu.memref_squeeze %dma_start3A_25 : memref<1x1x32xi32, #tpu.memory_space<vmem>> -> memref<32xi32, #tpu.memory_space<vmem>>
    %dma_start3A_27 = arith.constant 0 : i32
    %dma_start3A_28 = arith.constant 0 : i32
    %dma_start3A_29 = tpu.memref_slice %arg2[%dma_start3A_27, %dma_start3A_28] : memref<10240x128xf32, #tpu.memory_space<hbm>> -> memref<10240x128xf32, #tpu.memory_space<hbm>>
    tpu.enqueue_indirect_dma source(%dma_start3A_29 : memref<10240x128xf32, #tpu.memory_space<hbm>>) target(%dma_start3A_23 : memref<32x128xf32, #tpu.memory_space<vmem>>) offsets(%dma_start3A_26 : memref<32xi32, #tpu.memory_space<vmem>>) semaphore(%arg10 : memref<!tpu.dma_semaphore, #tpu.memory_space<semaphore_mem>>)
    %dma_start3A_30 = arith.constant 0 : i32
    %dma_start3A_31 = arith.constant 1 : i32
    %dma_start3A_32 = arith.constant 32 : i32
    %dma_start3A_33 = arith.constant 0 : i32
    %dma_start3A_34 = tpu.memref_slice %arg8[%dma_start3A_32, %dma_start3A_33] : memref<128x128xf32, #tpu.memory_space<vmem>> -> memref<32x128xf32, #tpu.memory_space<vmem>>
    %dma_start3A_35 = arith.constant 0 : i32
    %dma_start3A_36 = tpu.memref_slice %arg6[%dma_start3A_30, %dma_start3A_31, %dma_start3A_35] : memref<2x4x32xi32, #tpu.memory_space<vmem>> -> memref<1x1x32xi32, #tpu.memory_space<vmem>>
    %dma_start3A_37 = tpu.memref_squeeze %dma_start3A_36 : memref<1x1x32xi32, #tpu.memory_space<vmem>> -> memref<32xi32, #tpu.memory_space<vmem>>
    %dma_start3A_38 = arith.constant 0 : i32
    %dma_start3A_39 = arith.constant 0 : i32
    %dma_start3A_40 = tpu.memref_slice %arg2[%dma_start3A_38, %dma_start3A_39] : memref<10240x128xf32, #tpu.memory_space<hbm>> -> memref<10240x128xf32, #tpu.memory_space<hbm>>
    tpu.enqueue_indirect_dma source(%dma_start3A_40 : memref<10240x128xf32, #tpu.memory_space<hbm>>) target(%dma_start3A_34 : memref<32x128xf32, #tpu.memory_space<vmem>>) offsets(%dma_start3A_37 : memref<32xi32, #tpu.memory_space<vmem>>) semaphore(%arg11 : memref<!tpu.dma_semaphore, #tpu.memory_space<semaphore_mem>>)
    %dma_start3A_41 = arith.constant 0 : i32
    %dma_start3A_42 = arith.constant 2 : i32
    %dma_start3A_43 = arith.constant 64 : i32
    %dma_start3A_44 = arith.constant 0 : i32
    %dma_start3A_45 = tpu.memref_slice %arg8[%dma_start3A_43, %dma_start3A_44] : memref<128x128xf32, #tpu.memory_space<vmem>> -> memref<32x128xf32, #tpu.memory_space<vmem>>
    %dma_start3A_46 = arith.constant 0 : i32
    %dma_start3A_47 = tpu.memref_slice %arg6[%dma_start3A_41, %dma_start3A_42, %dma_start3A_46] : memref<2x4x32xi32, #tpu.memory_space<vmem>> -> memref<1x1x32xi32, #tpu.memory_space<vmem>>
    %dma_start3A_48 = tpu.memref_squeeze %dma_start3A_47 : memref<1x1x32xi32, #tpu.memory_space<vmem>> -> memref<32xi32, #tpu.memory_space<vmem>>
    %dma_start3A_49 = arith.constant 0 : i32
    %dma_start3A_50 = arith.constant 0 : i32
    %dma_start3A_51 = tpu.memref_slice %arg2[%dma_start3A_49, %dma_start3A_50] : memref<10240x128xf32, #tpu.memory_space<hbm>> -> memref<10240x128xf32, #tpu.memory_space<hbm>>
    tpu.enqueue_indirect_dma source(%dma_start3A_51 : memref<10240x128xf32, #tpu.memory_space<hbm>>) target(%dma_start3A_45 : memref<32x128xf32, #tpu.memory_space<vmem>>) offsets(%dma_start3A_48 : memref<32xi32, #tpu.memory_space<vmem>>) semaphore(%arg12 : memref<!tpu.dma_semaphore, #tpu.memory_space<semaphore_mem>>)
    %dma_start3A_52 = arith.constant 0 : i32
    %dma_start3A_53 = arith.constant 3 : i32
    %dma_start3A_54 = arith.constant 96 : i32
    %dma_start3A_55 = arith.constant 0 : i32
    %dma_start3A_56 = tpu.memref_slice %arg8[%dma_start3A_54, %dma_start3A_55] : memref<128x128xf32, #tpu.memory_space<vmem>> -> memref<32x128xf32, #tpu.memory_space<vmem>>
    %dma_start3A_57 = arith.constant 0 : i32
    %dma_start3A_58 = tpu.memref_slice %arg6[%dma_start3A_52, %dma_start3A_53, %dma_start3A_57] : memref<2x4x32xi32, #tpu.memory_space<vmem>> -> memref<1x1x32xi32, #tpu.memory_space<vmem>>
    %dma_start3A_59 = tpu.memref_squeeze %dma_start3A_58 : memref<1x1x32xi32, #tpu.memory_space<vmem>> -> memref<32xi32, #tpu.memory_space<vmem>>
    %dma_start3A_60 = arith.constant 0 : i32
    %dma_start3A_61 = arith.constant 0 : i32
    %dma_start3A_62 = tpu.memref_slice %arg2[%dma_start3A_60, %dma_start3A_61] : memref<10240x128xf32, #tpu.memory_space<hbm>> -> memref<10240x128xf32, #tpu.memory_space<hbm>>
    tpu.enqueue_indirect_dma source(%dma_start3A_62 : memref<10240x128xf32, #tpu.memory_space<hbm>>) target(%dma_start3A_56 : memref<32x128xf32, #tpu.memory_space<vmem>>) offsets(%dma_start3A_59 : memref<32xi32, #tpu.memory_space<vmem>>) semaphore(%arg13 : memref<!tpu.dma_semaphore, #tpu.memory_space<semaphore_mem>>)
    %scan3A_63 = arith.constant 0 : i32
    %scan3A_64 = arith.constant 0 : i32
    %scan3A_65 = arith.constant 80 : i32
    %scan3A_66 = arith.addi %scan3A_64, %scan3A_65 : i32
    %scan3A_67 = arith.constant 1 : i32
    scf.for %scan3A_70 = %scan3A_64 to %scan3A_66 step %scan3A_67  : i32 {
      %rem3A = arith.constant 2 : i32
      %rem3A_71 = arith.remsi %scan3A_70, %rem3A : i32
      %sub3A = arith.constant 1 : i32
      %sub3A_72 = arith.subi %sub3A, %rem3A_71 : i32
      %add3A_73 = arith.constant 1 : i32
      %add3A_74 = arith.addi %scan3A_70, %add3A_73 : i32
      %lt3A = arith.constant 80 : i32
      %lt3A_75 = arith.cmpi slt, %add3A_74, %lt3A : i32
      %convert_element_type3A = arith.extui %lt3A_75 : i1 to i32
      %cond3A = arith.constant 0 : i32
      %cond3A_76 = arith.cmpi ne, %convert_element_type3A, %cond3A : i32
      scf.if %cond3A_76 {
        %add3A_139 = arith.constant 1 : i32
        %add3A_140 = arith.addi %scan3A_70, %add3A_139 : i32
        %mul3A_141 = arith.constant 4 : i32
        %mul3A_142 = arith.muli %add3A_140, %mul3A_141 : i32
        %dma_start3A_143 = arith.constant 0 : i32
        %dma_start3A_144 = arith.constant 0 : i32
        %dma_start3A_145 = tpu.memref_slice %arg6[%sub3A_72, %dma_start3A_143, %dma_start3A_144] : memref<2x4x32xi32, #tpu.memory_space<vmem>> -> memref<1x4x32xi32, #tpu.memory_space<vmem>>
        %dma_start3A_146 = tpu.memref_squeeze %dma_start3A_145 : memref<1x4x32xi32, #tpu.memory_space<vmem>> -> memref<4x32xi32, #tpu.memory_space<vmem>>
        %dma_start3A_147 = arith.constant 0 : i32
        %dma_start3A_148 = tpu.memref_slice %arg3[%add3A, %mul3A_142, %dma_start3A_147] : memref<32x320x32xi32, #tpu.memory_space<hbm>> -> memref<1x4x32xi32, #tpu.memory_space<hbm>>
        %dma_start3A_149 = tpu.memref_squeeze %dma_start3A_148 : memref<1x4x32xi32, #tpu.memory_space<hbm>> -> memref<4x32xi32, #tpu.memory_space<hbm>>
        %dma_start3A_150 = arith.constant 0 : i32
        %dma_start3A_151 = arith.constant 0 : i32
        %dma_start3A_152 = tpu.memref_slice %arg6[%sub3A_72, %dma_start3A_150, %dma_start3A_151] : memref<2x4x32xi32, #tpu.memory_space<vmem>> -> memref<1x4x32xi32, #tpu.memory_space<vmem>>
        %dma_start3A_153 = tpu.memref_squeeze %dma_start3A_152 : memref<1x4x32xi32, #tpu.memory_space<vmem>> -> memref<4x32xi32, #tpu.memory_space<vmem>>
        %dma_start3A_154 = arith.constant 0 : i32
        %dma_start3A_155 = tpu.memref_slice %arg3[%add3A, %mul3A_142, %dma_start3A_154] : memref<32x320x32xi32, #tpu.memory_space<hbm>> -> memref<1x4x32xi32, #tpu.memory_space<hbm>>
        %dma_start3A_156 = tpu.memref_squeeze %dma_start3A_155 : memref<1x4x32xi32, #tpu.memory_space<hbm>> -> memref<4x32xi32, #tpu.memory_space<hbm>>
        tpu.enqueue_dma source(%dma_start3A_156 : memref<4x32xi32, #tpu.memory_space<hbm>>) target(%dma_start3A_153 : memref<4x32xi32, #tpu.memory_space<vmem>>) target_semaphore(%arg14 : memref<!tpu.dma_semaphore, #tpu.memory_space<semaphore_mem>>)
        %add3A_157 = arith.constant 1 : i32
        %add3A_158 = arith.addi %scan3A_70, %add3A_157 : i32
        %mul3A_159 = arith.constant 4 : i32
        %mul3A_160 = arith.muli %add3A_158, %mul3A_159 : i32
        %dma_start3A_161 = arith.constant 0 : i32
        %dma_start3A_162 = arith.constant 0 : i32
        %dma_start3A_163 = tpu.memref_slice %arg7[%sub3A_72, %dma_start3A_161, %dma_start3A_162] : memref<2x4x32xi32, #tpu.memory_space<vmem>> -> memref<1x4x32xi32, #tpu.memory_space<vmem>>
        %dma_start3A_164 = tpu.memref_squeeze %dma_start3A_163 : memref<1x4x32xi32, #tpu.memory_space<vmem>> -> memref<4x32xi32, #tpu.memory_space<vmem>>
        %dma_start3A_165 = arith.constant 0 : i32
        %dma_start3A_166 = tpu.memref_slice %arg4[%add3A, %mul3A_160, %dma_start3A_165] : memref<32x320x32xi32, #tpu.memory_space<hbm>> -> memref<1x4x32xi32, #tpu.memory_space<hbm>>
        %dma_start3A_167 = tpu.memref_squeeze %dma_start3A_166 : memref<1x4x32xi32, #tpu.memory_space<hbm>> -> memref<4x32xi32, #tpu.memory_space<hbm>>
        %dma_start3A_168 = arith.constant 0 : i32
        %dma_start3A_169 = arith.constant 0 : i32
        %dma_start3A_170 = tpu.memref_slice %arg7[%sub3A_72, %dma_start3A_168, %dma_start3A_169] : memref<2x4x32xi32, #tpu.memory_space<vmem>> -> memref<1x4x32xi32, #tpu.memory_space<vmem>>
        %dma_start3A_171 = tpu.memref_squeeze %dma_start3A_170 : memref<1x4x32xi32, #tpu.memory_space<vmem>> -> memref<4x32xi32, #tpu.memory_space<vmem>>
        %dma_start3A_172 = arith.constant 0 : i32
        %dma_start3A_173 = tpu.memref_slice %arg4[%add3A, %mul3A_160, %dma_start3A_172] : memref<32x320x32xi32, #tpu.memory_space<hbm>> -> memref<1x4x32xi32, #tpu.memory_space<hbm>>
        %dma_start3A_174 = tpu.memref_squeeze %dma_start3A_173 : memref<1x4x32xi32, #tpu.memory_space<hbm>> -> memref<4x32xi32, #tpu.memory_space<hbm>>
        tpu.enqueue_dma source(%dma_start3A_174 : memref<4x32xi32, #tpu.memory_space<hbm>>) target(%dma_start3A_171 : memref<4x32xi32, #tpu.memory_space<vmem>>) target_semaphore(%arg15 : memref<!tpu.dma_semaphore, #tpu.memory_space<semaphore_mem>>)
      } else {
      }
      %dma_wait3A = arith.constant 0 : i32
      %dma_wait3A_77 = arith.constant 0 : i32
      %dma_wait3A_78 = arith.constant 0 : i32
      %dma_wait3A_79 = arith.constant 0 : i32
      %dma_wait3A_80 = tpu.memref_slice %arg8[%dma_wait3A_78, %dma_wait3A_79] : memref<128x128xf32, #tpu.memory_space<vmem>> -> memref<32x128xf32, #tpu.memory_space<vmem>>
      %dma_wait3A_81 = arith.constant 0 : i32
      %dma_wait3A_82 = tpu.memref_slice %arg6[%dma_wait3A, %dma_wait3A_77, %dma_wait3A_81] : memref<2x4x32xi32, #tpu.memory_space<vmem>> -> memref<1x1x32xi32, #tpu.memory_space<vmem>>
      %dma_wait3A_83 = tpu.memref_squeeze %dma_wait3A_82 : memref<1x1x32xi32, #tpu.memory_space<vmem>> -> memref<32xi32, #tpu.memory_space<vmem>>
      %dma_wait3A_84 = arith.constant 0 : i32
      %dma_wait3A_85 = arith.constant 0 : i32
      %dma_wait3A_86 = tpu.memref_slice %arg2[%dma_wait3A_84, %dma_wait3A_85] : memref<10240x128xf32, #tpu.memory_space<hbm>> -> memref<10240x128xf32, #tpu.memory_space<hbm>>
      tpu.wait_indirect_dma semaphore(%arg10 : memref<!tpu.dma_semaphore, #tpu.memory_space<semaphore_mem>>) src(%dma_wait3A_86 : memref<10240x128xf32, #tpu.memory_space<hbm>>) dst(%dma_wait3A_80 : memref<32x128xf32, #tpu.memory_space<vmem>>)
      %run_scoped3A_87 = arith.constant 0 : i32
      "tpu.region"() ({
        %run_scoped3A_139 = tpu.sem_alloc : memref<!tpu.dma_semaphore, #tpu.memory_space<semaphore_mem>>
        %dma_start3A_140 = arith.constant 0 : i32
        %dma_start3A_141 = arith.constant 0 : i32
        %dma_start3A_142 = tpu.memref_slice %arg8[%dma_start3A_140, %dma_start3A_141] : memref<128x128xf32, #tpu.memory_space<vmem>> -> memref<32x128xf32, #tpu.memory_space<vmem>>
        %dma_start3A_143 = arith.constant 0 : i32
        %dma_start3A_144 = tpu.memref_slice %arg7[%rem3A_71, %run_scoped3A_87, %dma_start3A_143] : memref<2x4x32xi32, #tpu.memory_space<vmem>> -> memref<1x1x32xi32, #tpu.memory_space<vmem>>
        %dma_start3A_145 = tpu.memref_squeeze %dma_start3A_144 : memref<1x1x32xi32, #tpu.memory_space<vmem>> -> memref<32xi32, #tpu.memory_space<vmem>>
        %dma_start3A_146 = arith.constant 0 : i32
        %dma_start3A_147 = arith.constant 0 : i32
        %dma_start3A_148 = tpu.memref_slice %arg9[%dma_start3A_146, %dma_start3A_147] : memref<10240x128xf32, #tpu.memory_space<vmem_shared>> -> memref<10240x128xf32, #tpu.memory_space<vmem_shared>>
        tpu.enqueue_indirect_dma source(%dma_start3A_142 : memref<32x128xf32, #tpu.memory_space<vmem>>) target(%dma_start3A_148 : memref<10240x128xf32, #tpu.memory_space<vmem_shared>>) offsets(%dma_start3A_145 : memref<32xi32, #tpu.memory_space<vmem>>) semaphore(%run_scoped3A_139 : memref<!tpu.dma_semaphore, #tpu.memory_space<semaphore_mem>>) {add = true}
        %dma_wait3A_149 = arith.constant 0 : i32
        %dma_wait3A_150 = arith.constant 0 : i32
        %dma_wait3A_151 = tpu.memref_slice %arg8[%dma_wait3A_149, %dma_wait3A_150] : memref<128x128xf32, #tpu.memory_space<vmem>> -> memref<32x128xf32, #tpu.memory_space<vmem>>
        %dma_wait3A_152 = arith.constant 0 : i32
        %dma_wait3A_153 = tpu.memref_slice %arg7[%rem3A_71, %run_scoped3A_87, %dma_wait3A_152] : memref<2x4x32xi32, #tpu.memory_space<vmem>> -> memref<1x1x32xi32, #tpu.memory_space<vmem>>
        %dma_wait3A_154 = tpu.memref_squeeze %dma_wait3A_153 : memref<1x1x32xi32, #tpu.memory_space<vmem>> -> memref<32xi32, #tpu.memory_space<vmem>>
        %dma_wait3A_155 = arith.constant 0 : i32
        %dma_wait3A_156 = arith.constant 0 : i32
        %dma_wait3A_157 = tpu.memref_slice %arg9[%dma_wait3A_155, %dma_wait3A_156] : memref<10240x128xf32, #tpu.memory_space<vmem_shared>> -> memref<10240x128xf32, #tpu.memory_space<vmem_shared>>
        tpu.wait_indirect_dma semaphore(%run_scoped3A_139 : memref<!tpu.dma_semaphore, #tpu.memory_space<semaphore_mem>>) src(%dma_wait3A_151 : memref<32x128xf32, #tpu.memory_space<vmem>>) dst(%dma_wait3A_157 : memref<10240x128xf32, #tpu.memory_space<vmem_shared>>)
        tpu.yield
      }) : () -> ()
      %convert_element_type3A_88 = arith.extui %lt3A_75 : i1 to i32
      %cond3A_89 = arith.constant 0 : i32
      %cond3A_90 = arith.cmpi ne, %convert_element_type3A_88, %cond3A_89 : i32
      scf.if %cond3A_90 {
        %dma_wait3A_139 = arith.constant 0 : i32
        %dma_wait3A_140 = arith.constant 0 : i32
        %dma_wait3A_141 = arith.constant 0 : i32
        %dma_wait3A_142 = tpu.memref_slice %arg6[%dma_wait3A_139, %dma_wait3A_140, %dma_wait3A_141] : memref<2x4x32xi32, #tpu.memory_space<vmem>> -> memref<1x4x32xi32, #tpu.memory_space<vmem>>
        %dma_wait3A_143 = tpu.memref_squeeze %dma_wait3A_142 : memref<1x4x32xi32, #tpu.memory_space<vmem>> -> memref<4x32xi32, #tpu.memory_space<vmem>>
        %dma_wait3A_144 = arith.constant 0 : i32
        %dma_wait3A_145 = arith.constant 0 : i32
        %dma_wait3A_146 = tpu.memref_slice %arg3[%add3A, %dma_wait3A_144, %dma_wait3A_145] : memref<32x320x32xi32, #tpu.memory_space<hbm>> -> memref<1x4x32xi32, #tpu.memory_space<hbm>>
        %dma_wait3A_147 = tpu.memref_squeeze %dma_wait3A_146 : memref<1x4x32xi32, #tpu.memory_space<hbm>> -> memref<4x32xi32, #tpu.memory_space<hbm>>
        %dma_wait3A_148 = arith.constant 0 : i32
        %dma_wait3A_149 = arith.constant 0 : i32
        %dma_wait3A_150 = tpu.memref_slice %arg6[%dma_wait3A_139, %dma_wait3A_148, %dma_wait3A_149] : memref<2x4x32xi32, #tpu.memory_space<vmem>> -> memref<1x4x32xi32, #tpu.memory_space<vmem>>
        %dma_wait3A_151 = tpu.memref_squeeze %dma_wait3A_150 : memref<1x4x32xi32, #tpu.memory_space<vmem>> -> memref<4x32xi32, #tpu.memory_space<vmem>>
        %dma_wait3A_152 = arith.constant 0 : i32
        %dma_wait3A_153 = arith.constant 0 : i32
        %dma_wait3A_154 = tpu.memref_slice %arg3[%add3A, %dma_wait3A_152, %dma_wait3A_153] : memref<32x320x32xi32, #tpu.memory_space<hbm>> -> memref<1x4x32xi32, #tpu.memory_space<hbm>>
        %dma_wait3A_155 = tpu.memref_squeeze %dma_wait3A_154 : memref<1x4x32xi32, #tpu.memory_space<hbm>> -> memref<4x32xi32, #tpu.memory_space<hbm>>
        tpu.wait_dma2 semaphore(%arg14 : memref<!tpu.dma_semaphore, #tpu.memory_space<semaphore_mem>>) src(%dma_wait3A_155 : memref<4x32xi32, #tpu.memory_space<hbm>>) dst(%dma_wait3A_151 : memref<4x32xi32, #tpu.memory_space<vmem>>)
        %dma_wait3A_156 = arith.constant 0 : i32
        %dma_wait3A_157 = arith.constant 0 : i32
        %dma_wait3A_158 = arith.constant 0 : i32
        %dma_wait3A_159 = tpu.memref_slice %arg7[%dma_wait3A_156, %dma_wait3A_157, %dma_wait3A_158] : memref<2x4x32xi32, #tpu.memory_space<vmem>> -> memref<1x4x32xi32, #tpu.memory_space<vmem>>
        %dma_wait3A_160 = tpu.memref_squeeze %dma_wait3A_159 : memref<1x4x32xi32, #tpu.memory_space<vmem>> -> memref<4x32xi32, #tpu.memory_space<vmem>>
        %dma_wait3A_161 = arith.constant 0 : i32
        %dma_wait3A_162 = arith.constant 0 : i32
        %dma_wait3A_163 = tpu.memref_slice %arg4[%add3A, %dma_wait3A_161, %dma_wait3A_162] : memref<32x320x32xi32, #tpu.memory_space<hbm>> -> memref<1x4x32xi32, #tpu.memory_space<hbm>>
        %dma_wait3A_164 = tpu.memref_squeeze %dma_wait3A_163 : memref<1x4x32xi32, #tpu.memory_space<hbm>> -> memref<4x32xi32, #tpu.memory_space<hbm>>
        %dma_wait3A_165 = arith.constant 0 : i32
        %dma_wait3A_166 = arith.constant 0 : i32
        %dma_wait3A_167 = tpu.memref_slice %arg7[%dma_wait3A_156, %dma_wait3A_165, %dma_wait3A_166] : memref<2x4x32xi32, #tpu.memory_space<vmem>> -> memref<1x4x32xi32, #tpu.memory_space<vmem>>
        %dma_wait3A_168 = tpu.memref_squeeze %dma_wait3A_167 : memref<1x4x32xi32, #tpu.memory_space<vmem>> -> memref<4x32xi32, #tpu.memory_space<vmem>>
        %dma_wait3A_169 = arith.constant 0 : i32
        %dma_wait3A_170 = arith.constant 0 : i32
        %dma_wait3A_171 = tpu.memref_slice %arg4[%add3A, %dma_wait3A_169, %dma_wait3A_170] : memref<32x320x32xi32, #tpu.memory_space<hbm>> -> memref<1x4x32xi32, #tpu.memory_space<hbm>>
        %dma_wait3A_172 = tpu.memref_squeeze %dma_wait3A_171 : memref<1x4x32xi32, #tpu.memory_space<hbm>> -> memref<4x32xi32, #tpu.memory_space<hbm>>
        tpu.wait_dma2 semaphore(%arg15 : memref<!tpu.dma_semaphore, #tpu.memory_space<semaphore_mem>>) src(%dma_wait3A_172 : memref<4x32xi32, #tpu.memory_space<hbm>>) dst(%dma_wait3A_168 : memref<4x32xi32, #tpu.memory_space<vmem>>)
      } else {
      }
      %convert_element_type3A_91 = arith.extui %lt3A_75 : i1 to i32
      %cond3A_92 = arith.constant 0 : i32
      %cond3A_93 = arith.cmpi ne, %convert_element_type3A_91, %cond3A_92 : i32
      scf.if %cond3A_93 {
        %dma_start3A_139 = arith.constant 0 : i32
        %dma_start3A_140 = arith.constant 0 : i32
        %dma_start3A_141 = arith.constant 0 : i32
        %dma_start3A_142 = tpu.memref_slice %arg8[%dma_start3A_140, %dma_start3A_141] : memref<128x128xf32, #tpu.memory_space<vmem>> -> memref<32x128xf32, #tpu.memory_space<vmem>>
        %dma_start3A_143 = arith.constant 0 : i32
        %dma_start3A_144 = tpu.memref_slice %arg6[%sub3A_72, %dma_start3A_139, %dma_start3A_143] : memref<2x4x32xi32, #tpu.memory_space<vmem>> -> memref<1x1x32xi32, #tpu.memory_space<vmem>>
        %dma_start3A_145 = tpu.memref_squeeze %dma_start3A_144 : memref<1x1x32xi32, #tpu.memory_space<vmem>> -> memref<32xi32, #tpu.memory_space<vmem>>
        %dma_start3A_146 = arith.constant 0 : i32
        %dma_start3A_147 = arith.constant 0 : i32
        %dma_start3A_148 = tpu.memref_slice %arg2[%dma_start3A_146, %dma_start3A_147] : memref<10240x128xf32, #tpu.memory_space<hbm>> -> memref<10240x128xf32, #tpu.memory_space<hbm>>
        tpu.enqueue_indirect_dma source(%dma_start3A_148 : memref<10240x128xf32, #tpu.memory_space<hbm>>) target(%dma_start3A_142 : memref<32x128xf32, #tpu.memory_space<vmem>>) offsets(%dma_start3A_145 : memref<32xi32, #tpu.memory_space<vmem>>) semaphore(%arg10 : memref<!tpu.dma_semaphore, #tpu.memory_space<semaphore_mem>>)
      } else {
      }
      %dma_wait3A_94 = arith.constant 0 : i32
      %dma_wait3A_95 = arith.constant 1 : i32
      %dma_wait3A_96 = arith.constant 32 : i32
      %dma_wait3A_97 = arith.constant 0 : i32
      %dma_wait3A_98 = tpu.memref_slice %arg8[%dma_wait3A_96, %dma_wait3A_97] : memref<128x128xf32, #tpu.memory_space<vmem>> -> memref<32x128xf32, #tpu.memory_space<vmem>>
      %dma_wait3A_99 = arith.constant 0 : i32
      %dma_wait3A_100 = tpu.memref_slice %arg6[%dma_wait3A_94, %dma_wait3A_95, %dma_wait3A_99] : memref<2x4x32xi32, #tpu.memory_space<vmem>> -> memref<1x1x32xi32, #tpu.memory_space<vmem>>
      %dma_wait3A_101 = tpu.memref_squeeze %dma_wait3A_100 : memref<1x1x32xi32, #tpu.memory_space<vmem>> -> memref<32xi32, #tpu.memory_space<vmem>>
      %dma_wait3A_102 = arith.constant 0 : i32
      %dma_wait3A_103 = arith.constant 0 : i32
      %dma_wait3A_104 = tpu.memref_slice %arg2[%dma_wait3A_102, %dma_wait3A_103] : memref<10240x128xf32, #tpu.memory_space<hbm>> -> memref<10240x128xf32, #tpu.memory_space<hbm>>
      tpu.wait_indirect_dma semaphore(%arg11 : memref<!tpu.dma_semaphore, #tpu.memory_space<semaphore_mem>>) src(%dma_wait3A_104 : memref<10240x128xf32, #tpu.memory_space<hbm>>) dst(%dma_wait3A_98 : memref<32x128xf32, #tpu.memory_space<vmem>>)
      %run_scoped3A_105 = arith.constant 1 : i32
      "tpu.region"() ({
        %run_scoped3A_139 = tpu.sem_alloc : memref<!tpu.dma_semaphore, #tpu.memory_space<semaphore_mem>>
        %dma_start3A_140 = arith.constant 32 : i32
        %dma_start3A_141 = arith.constant 0 : i32
        %dma_start3A_142 = tpu.memref_slice %arg8[%dma_start3A_140, %dma_start3A_141] : memref<128x128xf32, #tpu.memory_space<vmem>> -> memref<32x128xf32, #tpu.memory_space<vmem>>
        %dma_start3A_143 = arith.constant 0 : i32
        %dma_start3A_144 = tpu.memref_slice %arg7[%rem3A_71, %run_scoped3A_105, %dma_start3A_143] : memref<2x4x32xi32, #tpu.memory_space<vmem>> -> memref<1x1x32xi32, #tpu.memory_space<vmem>>
        %dma_start3A_145 = tpu.memref_squeeze %dma_start3A_144 : memref<1x1x32xi32, #tpu.memory_space<vmem>> -> memref<32xi32, #tpu.memory_space<vmem>>
        %dma_start3A_146 = arith.constant 0 : i32
        %dma_start3A_147 = arith.constant 0 : i32
        %dma_start3A_148 = tpu.memref_slice %arg9[%dma_start3A_146, %dma_start3A_147] : memref<10240x128xf32, #tpu.memory_space<vmem_shared>> -> memref<10240x128xf32, #tpu.memory_space<vmem_shared>>
        tpu.enqueue_indirect_dma source(%dma_start3A_142 : memref<32x128xf32, #tpu.memory_space<vmem>>) target(%dma_start3A_148 : memref<10240x128xf32, #tpu.memory_space<vmem_shared>>) offsets(%dma_start3A_145 : memref<32xi32, #tpu.memory_space<vmem>>) semaphore(%run_scoped3A_139 : memref<!tpu.dma_semaphore, #tpu.memory_space<semaphore_mem>>) {add = true}
        %dma_wait3A_149 = arith.constant 32 : i32
        %dma_wait3A_150 = arith.constant 0 : i32
        %dma_wait3A_151 = tpu.memref_slice %arg8[%dma_wait3A_149, %dma_wait3A_150] : memref<128x128xf32, #tpu.memory_space<vmem>> -> memref<32x128xf32, #tpu.memory_space<vmem>>
        %dma_wait3A_152 = arith.constant 0 : i32
        %dma_wait3A_153 = tpu.memref_slice %arg7[%rem3A_71, %run_scoped3A_105, %dma_wait3A_152] : memref<2x4x32xi32, #tpu.memory_space<vmem>> -> memref<1x1x32xi32, #tpu.memory_space<vmem>>
        %dma_wait3A_154 = tpu.memref_squeeze %dma_wait3A_153 : memref<1x1x32xi32, #tpu.memory_space<vmem>> -> memref<32xi32, #tpu.memory_space<vmem>>
        %dma_wait3A_155 = arith.constant 0 : i32
        %dma_wait3A_156 = arith.constant 0 : i32
        %dma_wait3A_157 = tpu.memref_slice %arg9[%dma_wait3A_155, %dma_wait3A_156] : memref<10240x128xf32, #tpu.memory_space<vmem_shared>> -> memref<10240x128xf32, #tpu.memory_space<vmem_shared>>
        tpu.wait_indirect_dma semaphore(%run_scoped3A_139 : memref<!tpu.dma_semaphore, #tpu.memory_space<semaphore_mem>>) src(%dma_wait3A_151 : memref<32x128xf32, #tpu.memory_space<vmem>>) dst(%dma_wait3A_157 : memref<10240x128xf32, #tpu.memory_space<vmem_shared>>)
        tpu.yield
      }) : () -> ()
      %convert_element_type3A_106 = arith.extui %lt3A_75 : i1 to i32
      %cond3A_107 = arith.constant 0 : i32
      %cond3A_108 = arith.cmpi ne, %convert_element_type3A_106, %cond3A_107 : i32
      scf.if %cond3A_108 {
        %dma_start3A_139 = arith.constant 1 : i32
        %dma_start3A_140 = arith.constant 32 : i32
        %dma_start3A_141 = arith.constant 0 : i32
        %dma_start3A_142 = tpu.memref_slice %arg8[%dma_start3A_140, %dma_start3A_141] : memref<128x128xf32, #tpu.memory_space<vmem>> -> memref<32x128xf32, #tpu.memory_space<vmem>>
        %dma_start3A_143 = arith.constant 0 : i32
        %dma_start3A_144 = tpu.memref_slice %arg6[%sub3A_72, %dma_start3A_139, %dma_start3A_143] : memref<2x4x32xi32, #tpu.memory_space<vmem>> -> memref<1x1x32xi32, #tpu.memory_space<vmem>>
        %dma_start3A_145 = tpu.memref_squeeze %dma_start3A_144 : memref<1x1x32xi32, #tpu.memory_space<vmem>> -> memref<32xi32, #tpu.memory_space<vmem>>
        %dma_start3A_146 = arith.constant 0 : i32
        %dma_start3A_147 = arith.constant 0 : i32
        %dma_start3A_148 = tpu.memref_slice %arg2[%dma_start3A_146, %dma_start3A_147] : memref<10240x128xf32, #tpu.memory_space<hbm>> -> memref<10240x128xf32, #tpu.memory_space<hbm>>
        tpu.enqueue_indirect_dma source(%dma_start3A_148 : memref<10240x128xf32, #tpu.memory_space<hbm>>) target(%dma_start3A_142 : memref<32x128xf32, #tpu.memory_space<vmem>>) offsets(%dma_start3A_145 : memref<32xi32, #tpu.memory_space<vmem>>) semaphore(%arg11 : memref<!tpu.dma_semaphore, #tpu.memory_space<semaphore_mem>>)
      } else {
      }
      %dma_wait3A_109 = arith.constant 0 : i32
      %dma_wait3A_110 = arith.constant 2 : i32
      %dma_wait3A_111 = arith.constant 64 : i32
      %dma_wait3A_112 = arith.constant 0 : i32
      %dma_wait3A_113 = tpu.memref_slice %arg8[%dma_wait3A_111, %dma_wait3A_112] : memref<128x128xf32, #tpu.memory_space<vmem>> -> memref<32x128xf32, #tpu.memory_space<vmem>>
      %dma_wait3A_114 = arith.constant 0 : i32
      %dma_wait3A_115 = tpu.memref_slice %arg6[%dma_wait3A_109, %dma_wait3A_110, %dma_wait3A_114] : memref<2x4x32xi32, #tpu.memory_space<vmem>> -> memref<1x1x32xi32, #tpu.memory_space<vmem>>
      %dma_wait3A_116 = tpu.memref_squeeze %dma_wait3A_115 : memref<1x1x32xi32, #tpu.memory_space<vmem>> -> memref<32xi32, #tpu.memory_space<vmem>>
      %dma_wait3A_117 = arith.constant 0 : i32
      %dma_wait3A_118 = arith.constant 0 : i32
      %dma_wait3A_119 = tpu.memref_slice %arg2[%dma_wait3A_117, %dma_wait3A_118] : memref<10240x128xf32, #tpu.memory_space<hbm>> -> memref<10240x128xf32, #tpu.memory_space<hbm>>
      tpu.wait_indirect_dma semaphore(%arg12 : memref<!tpu.dma_semaphore, #tpu.memory_space<semaphore_mem>>) src(%dma_wait3A_119 : memref<10240x128xf32, #tpu.memory_space<hbm>>) dst(%dma_wait3A_113 : memref<32x128xf32, #tpu.memory_space<vmem>>)
      %run_scoped3A_120 = arith.constant 2 : i32
      "tpu.region"() ({
        %run_scoped3A_139 = tpu.sem_alloc : memref<!tpu.dma_semaphore, #tpu.memory_space<semaphore_mem>>
        %dma_start3A_140 = arith.constant 64 : i32
        %dma_start3A_141 = arith.constant 0 : i32
        %dma_start3A_142 = tpu.memref_slice %arg8[%dma_start3A_140, %dma_start3A_141] : memref<128x128xf32, #tpu.memory_space<vmem>> -> memref<32x128xf32, #tpu.memory_space<vmem>>
        %dma_start3A_143 = arith.constant 0 : i32
        %dma_start3A_144 = tpu.memref_slice %arg7[%rem3A_71, %run_scoped3A_120, %dma_start3A_143] : memref<2x4x32xi32, #tpu.memory_space<vmem>> -> memref<1x1x32xi32, #tpu.memory_space<vmem>>
        %dma_start3A_145 = tpu.memref_squeeze %dma_start3A_144 : memref<1x1x32xi32, #tpu.memory_space<vmem>> -> memref<32xi32, #tpu.memory_space<vmem>>
        %dma_start3A_146 = arith.constant 0 : i32
        %dma_start3A_147 = arith.constant 0 : i32
        %dma_start3A_148 = tpu.memref_slice %arg9[%dma_start3A_146, %dma_start3A_147] : memref<10240x128xf32, #tpu.memory_space<vmem_shared>> -> memref<10240x128xf32, #tpu.memory_space<vmem_shared>>
        tpu.enqueue_indirect_dma source(%dma_start3A_142 : memref<32x128xf32, #tpu.memory_space<vmem>>) target(%dma_start3A_148 : memref<10240x128xf32, #tpu.memory_space<vmem_shared>>) offsets(%dma_start3A_145 : memref<32xi32, #tpu.memory_space<vmem>>) semaphore(%run_scoped3A_139 : memref<!tpu.dma_semaphore, #tpu.memory_space<semaphore_mem>>) {add = true}
        %dma_wait3A_149 = arith.constant 64 : i32
        %dma_wait3A_150 = arith.constant 0 : i32
        %dma_wait3A_151 = tpu.memref_slice %arg8[%dma_wait3A_149, %dma_wait3A_150] : memref<128x128xf32, #tpu.memory_space<vmem>> -> memref<32x128xf32, #tpu.memory_space<vmem>>
        %dma_wait3A_152 = arith.constant 0 : i32
        %dma_wait3A_153 = tpu.memref_slice %arg7[%rem3A_71, %run_scoped3A_120, %dma_wait3A_152] : memref<2x4x32xi32, #tpu.memory_space<vmem>> -> memref<1x1x32xi32, #tpu.memory_space<vmem>>
        %dma_wait3A_154 = tpu.memref_squeeze %dma_wait3A_153 : memref<1x1x32xi32, #tpu.memory_space<vmem>> -> memref<32xi32, #tpu.memory_space<vmem>>
        %dma_wait3A_155 = arith.constant 0 : i32
        %dma_wait3A_156 = arith.constant 0 : i32
        %dma_wait3A_157 = tpu.memref_slice %arg9[%dma_wait3A_155, %dma_wait3A_156] : memref<10240x128xf32, #tpu.memory_space<vmem_shared>> -> memref<10240x128xf32, #tpu.memory_space<vmem_shared>>
        tpu.wait_indirect_dma semaphore(%run_scoped3A_139 : memref<!tpu.dma_semaphore, #tpu.memory_space<semaphore_mem>>) src(%dma_wait3A_151 : memref<32x128xf32, #tpu.memory_space<vmem>>) dst(%dma_wait3A_157 : memref<10240x128xf32, #tpu.memory_space<vmem_shared>>)
        tpu.yield
      }) : () -> ()
      %convert_element_type3A_121 = arith.extui %lt3A_75 : i1 to i32
      %cond3A_122 = arith.constant 0 : i32
      %cond3A_123 = arith.cmpi ne, %convert_element_type3A_121, %cond3A_122 : i32
      scf.if %cond3A_123 {
        %dma_start3A_139 = arith.constant 2 : i32
        %dma_start3A_140 = arith.constant 64 : i32
        %dma_start3A_141 = arith.constant 0 : i32
        %dma_start3A_142 = tpu.memref_slice %arg8[%dma_start3A_140, %dma_start3A_141] : memref<128x128xf32, #tpu.memory_space<vmem>> -> memref<32x128xf32, #tpu.memory_space<vmem>>
        %dma_start3A_143 = arith.constant 0 : i32
        %dma_start3A_144 = tpu.memref_slice %arg6[%sub3A_72, %dma_start3A_139, %dma_start3A_143] : memref<2x4x32xi32, #tpu.memory_space<vmem>> -> memref<1x1x32xi32, #tpu.memory_space<vmem>>
        %dma_start3A_145 = tpu.memref_squeeze %dma_start3A_144 : memref<1x1x32xi32, #tpu.memory_space<vmem>> -> memref<32xi32, #tpu.memory_space<vmem>>
        %dma_start3A_146 = arith.constant 0 : i32
        %dma_start3A_147 = arith.constant 0 : i32
        %dma_start3A_148 = tpu.memref_slice %arg2[%dma_start3A_146, %dma_start3A_147] : memref<10240x128xf32, #tpu.memory_space<hbm>> -> memref<10240x128xf32, #tpu.memory_space<hbm>>
        tpu.enqueue_indirect_dma source(%dma_start3A_148 : memref<10240x128xf32, #tpu.memory_space<hbm>>) target(%dma_start3A_142 : memref<32x128xf32, #tpu.memory_space<vmem>>) offsets(%dma_start3A_145 : memref<32xi32, #tpu.memory_space<vmem>>) semaphore(%arg12 : memref<!tpu.dma_semaphore, #tpu.memory_space<semaphore_mem>>)
      } else {
      }
      %dma_wait3A_124 = arith.constant 0 : i32
      %dma_wait3A_125 = arith.constant 3 : i32
      %dma_wait3A_126 = arith.constant 96 : i32
      %dma_wait3A_127 = arith.constant 0 : i32
      %dma_wait3A_128 = tpu.memref_slice %arg8[%dma_wait3A_126, %dma_wait3A_127] : memref<128x128xf32, #tpu.memory_space<vmem>> -> memref<32x128xf32, #tpu.memory_space<vmem>>
      %dma_wait3A_129 = arith.constant 0 : i32
      %dma_wait3A_130 = tpu.memref_slice %arg6[%dma_wait3A_124, %dma_wait3A_125, %dma_wait3A_129] : memref<2x4x32xi32, #tpu.memory_space<vmem>> -> memref<1x1x32xi32, #tpu.memory_space<vmem>>
      %dma_wait3A_131 = tpu.memref_squeeze %dma_wait3A_130 : memref<1x1x32xi32, #tpu.memory_space<vmem>> -> memref<32xi32, #tpu.memory_space<vmem>>
      %dma_wait3A_132 = arith.constant 0 : i32
      %dma_wait3A_133 = arith.constant 0 : i32
      %dma_wait3A_134 = tpu.memref_slice %arg2[%dma_wait3A_132, %dma_wait3A_133] : memref<10240x128xf32, #tpu.memory_space<hbm>> -> memref<10240x128xf32, #tpu.memory_space<hbm>>
      tpu.wait_indirect_dma semaphore(%arg13 : memref<!tpu.dma_semaphore, #tpu.memory_space<semaphore_mem>>) src(%dma_wait3A_134 : memref<10240x128xf32, #tpu.memory_space<hbm>>) dst(%dma_wait3A_128 : memref<32x128xf32, #tpu.memory_space<vmem>>)
      %run_scoped3A_135 = arith.constant 3 : i32
      "tpu.region"() ({
        %run_scoped3A_139 = tpu.sem_alloc : memref<!tpu.dma_semaphore, #tpu.memory_space<semaphore_mem>>
        %dma_start3A_140 = arith.constant 96 : i32
        %dma_start3A_141 = arith.constant 0 : i32
        %dma_start3A_142 = tpu.memref_slice %arg8[%dma_start3A_140, %dma_start3A_141] : memref<128x128xf32, #tpu.memory_space<vmem>> -> memref<32x128xf32, #tpu.memory_space<vmem>>
        %dma_start3A_143 = arith.constant 0 : i32
        %dma_start3A_144 = tpu.memref_slice %arg7[%rem3A_71, %run_scoped3A_135, %dma_start3A_143] : memref<2x4x32xi32, #tpu.memory_space<vmem>> -> memref<1x1x32xi32, #tpu.memory_space<vmem>>
        %dma_start3A_145 = tpu.memref_squeeze %dma_start3A_144 : memref<1x1x32xi32, #tpu.memory_space<vmem>> -> memref<32xi32, #tpu.memory_space<vmem>>
        %dma_start3A_146 = arith.constant 0 : i32
        %dma_start3A_147 = arith.constant 0 : i32
        %dma_start3A_148 = tpu.memref_slice %arg9[%dma_start3A_146, %dma_start3A_147] : memref<10240x128xf32, #tpu.memory_space<vmem_shared>> -> memref<10240x128xf32, #tpu.memory_space<vmem_shared>>
        tpu.enqueue_indirect_dma source(%dma_start3A_142 : memref<32x128xf32, #tpu.memory_space<vmem>>) target(%dma_start3A_148 : memref<10240x128xf32, #tpu.memory_space<vmem_shared>>) offsets(%dma_start3A_145 : memref<32xi32, #tpu.memory_space<vmem>>) semaphore(%run_scoped3A_139 : memref<!tpu.dma_semaphore, #tpu.memory_space<semaphore_mem>>) {add = true}
        %dma_wait3A_149 = arith.constant 96 : i32
        %dma_wait3A_150 = arith.constant 0 : i32
        %dma_wait3A_151 = tpu.memref_slice %arg8[%dma_wait3A_149, %dma_wait3A_150] : memref<128x128xf32, #tpu.memory_space<vmem>> -> memref<32x128xf32, #tpu.memory_space<vmem>>
        %dma_wait3A_152 = arith.constant 0 : i32
        %dma_wait3A_153 = tpu.memref_slice %arg7[%rem3A_71, %run_scoped3A_135, %dma_wait3A_152] : memref<2x4x32xi32, #tpu.memory_space<vmem>> -> memref<1x1x32xi32, #tpu.memory_space<vmem>>
        %dma_wait3A_154 = tpu.memref_squeeze %dma_wait3A_153 : memref<1x1x32xi32, #tpu.memory_space<vmem>> -> memref<32xi32, #tpu.memory_space<vmem>>
        %dma_wait3A_155 = arith.constant 0 : i32
        %dma_wait3A_156 = arith.constant 0 : i32
        %dma_wait3A_157 = tpu.memref_slice %arg9[%dma_wait3A_155, %dma_wait3A_156] : memref<10240x128xf32, #tpu.memory_space<vmem_shared>> -> memref<10240x128xf32, #tpu.memory_space<vmem_shared>>
        tpu.wait_indirect_dma semaphore(%run_scoped3A_139 : memref<!tpu.dma_semaphore, #tpu.memory_space<semaphore_mem>>) src(%dma_wait3A_151 : memref<32x128xf32, #tpu.memory_space<vmem>>) dst(%dma_wait3A_157 : memref<10240x128xf32, #tpu.memory_space<vmem_shared>>)
        tpu.yield
      }) : () -> ()
      %convert_element_type3A_136 = arith.extui %lt3A_75 : i1 to i32
      %cond3A_137 = arith.constant 0 : i32
      %cond3A_138 = arith.cmpi ne, %convert_element_type3A_136, %cond3A_137 : i32
      scf.if %cond3A_138 {
        %dma_start3A_139 = arith.constant 3 : i32
        %dma_start3A_140 = arith.constant 96 : i32
        %dma_start3A_141 = arith.constant 0 : i32
        %dma_start3A_142 = tpu.memref_slice %arg8[%dma_start3A_140, %dma_start3A_141] : memref<128x128xf32, #tpu.memory_space<vmem>> -> memref<32x128xf32, #tpu.memory_space<vmem>>
        %dma_start3A_143 = arith.constant 0 : i32
        %dma_start3A_144 = tpu.memref_slice %arg6[%sub3A_72, %dma_start3A_139, %dma_start3A_143] : memref<2x4x32xi32, #tpu.memory_space<vmem>> -> memref<1x1x32xi32, #tpu.memory_space<vmem>>
        %dma_start3A_145 = tpu.memref_squeeze %dma_start3A_144 : memref<1x1x32xi32, #tpu.memory_space<vmem>> -> memref<32xi32, #tpu.memory_space<vmem>>
        %dma_start3A_146 = arith.constant 0 : i32
        %dma_start3A_147 = arith.constant 0 : i32
        %dma_start3A_148 = tpu.memref_slice %arg2[%dma_start3A_146, %dma_start3A_147] : memref<10240x128xf32, #tpu.memory_space<hbm>> -> memref<10240x128xf32, #tpu.memory_space<hbm>>
        tpu.enqueue_indirect_dma source(%dma_start3A_148 : memref<10240x128xf32, #tpu.memory_space<hbm>>) target(%dma_start3A_142 : memref<32x128xf32, #tpu.memory_space<vmem>>) offsets(%dma_start3A_145 : memref<32xi32, #tpu.memory_space<vmem>>) semaphore(%arg13 : memref<!tpu.dma_semaphore, #tpu.memory_space<semaphore_mem>>)
      } else {
      }
    }
    %scan3A_68 = arith.constant 80 : i32
    %barrier3A_69 = arith.constant 0 : index
    tpu.barrier barrier_id(%barrier3A_69)
    "tpu.region"() ({
      %run_scoped3A_70 = tpu.sem_alloc : memref<!tpu.dma_semaphore, #tpu.memory_space<semaphore_mem>>
      %dma_start3A_71 = arith.constant 0 : i32
      %dma_start3A_72 = tpu.memref_slice %arg5[%arg0, %mul3A_8, %dma_start3A_71] : memref<2x10240x128xf32, #tpu.memory_space<hbm>> -> memref<1x640x128xf32, #tpu.memory_space<hbm>>
      %dma_start3A_73 = tpu.memref_squeeze %dma_start3A_72 : memref<1x640x128xf32, #tpu.memory_space<hbm>> -> memref<640x128xf32, #tpu.memory_space<hbm>>
      %dma_start3A_74 = arith.constant 0 : i32
      %dma_start3A_75 = tpu.memref_slice %arg9[%mul3A_8, %dma_start3A_74] : memref<10240x128xf32, #tpu.memory_space<vmem_shared>> -> memref<640x128xf32, #tpu.memory_space<vmem_shared>>
      tpu.enqueue_dma source(%dma_start3A_75 : memref<640x128xf32, #tpu.memory_space<vmem_shared>>) target(%dma_start3A_73 : memref<640x128xf32, #tpu.memory_space<hbm>>) target_semaphore(%run_scoped3A_70 : memref<!tpu.dma_semaphore, #tpu.memory_space<semaphore_mem>>)
      %dma_wait3A = arith.constant 0 : i32
      %dma_wait3A_76 = tpu.memref_slice %arg5[%arg0, %mul3A_8, %dma_wait3A] : memref<2x10240x128xf32, #tpu.memory_space<hbm>> -> memref<1x640x128xf32, #tpu.memory_space<hbm>>
      %dma_wait3A_77 = tpu.memref_squeeze %dma_wait3A_76 : memref<1x640x128xf32, #tpu.memory_space<hbm>> -> memref<640x128xf32, #tpu.memory_space<hbm>>
      %dma_wait3A_78 = arith.constant 0 : i32
      %dma_wait3A_79 = tpu.memref_slice %arg9[%mul3A_8, %dma_wait3A_78] : memref<10240x128xf32, #tpu.memory_space<vmem_shared>> -> memref<640x128xf32, #tpu.memory_space<vmem_shared>>
      tpu.wait_dma2 semaphore(%run_scoped3A_70 : memref<!tpu.dma_semaphore, #tpu.memory_space<semaphore_mem>>) src(%dma_wait3A_79 : memref<640x128xf32, #tpu.memory_space<vmem_shared>>) dst(%dma_wait3A_77 : memref<640x128xf32, #tpu.memory_space<hbm>>)
      tpu.yield
    }) : () -> ()
    return
  }
}

module attributes {stable_mosaic.version = 14 : i64} {
  func.func @_h_body(%arg0: i32, %arg1: memref<512x128xf32, #tpu.memory_space<vmem>>, %arg2: memref<128x128xf32, #tpu.memory_space<vmem>>, %arg3: memref<1x128xf32, #tpu.memory_space<vmem>>, %arg4: memref<32x512xf32, #tpu.memory_space<vmem>>, %arg5: memref<512x128xf32, #tpu.memory_space<vmem>>) attributes {dimension_semantics = [#tpu.dimension_semantics<arbitrary>], iteration_bounds = array<i64: 20>, scalar_prefetch = 0 : i64, scratch_operands = 0 : i64, tpu.core_type = #tpu.core_type<tc>, window_params = [{transform_indices = @transform_0, window_bounds = array<i64: 512, 128>}, {pipeline_mode = #tpu.pipeline_mode<synchronous>, transform_indices = @transform_1, window_bounds = array<i64: 128, 128>}, {pipeline_mode = #tpu.pipeline_mode<synchronous>, transform_indices = @transform_2, window_bounds = array<i64: 1, 128>}, {transform_indices = @transform_3, window_bounds = array<i64: 32, 512>}, {transform_indices = @transform_4, window_bounds = array<i64: 512, 128>}]} {
    %get3A = arith.constant 0 : index
    %get3A_0 = arith.constant 0 : index
    %get3A_1 = vector.load %arg1[%get3A, %get3A_0] : memref<512x128xf32, #tpu.memory_space<vmem>>, vector<512x128xf32>
    %get3A_2 = arith.constant 0 : index
    %get3A_3 = arith.constant 0 : index
    %get3A_4 = vector.load %arg2[%get3A_2, %get3A_3] : memref<128x128xf32, #tpu.memory_space<vmem>>, vector<128x128xf32>
    %dot_general3A = arith.constant dense<0.000000e+00> : vector<512x128xf32>
    %dot_general3A_5 = tpu.matmul %get3A_1, %get3A_4, %dot_general3A {dimension_numbers = #tpu.dot_dimension_numbers<[1], [0], [0], [1], [0, 0, 1, 1], [], []>, transpose_lhs_hint = false} : vector<512x128xf32>, vector<128x128xf32>, vector<512x128xf32> -> vector<512x128xf32>
    %get3A_6 = arith.constant 0 : index
    %get3A_7 = arith.constant 0 : index
    %get3A_8 = vector.load %arg3[%get3A_6, %get3A_7] : memref<1x128xf32, #tpu.memory_space<vmem>>, vector<1x128xf32>
    %add3A = vector.broadcast %get3A_8 : vector<1x128xf32> to vector<512x128xf32>
    %add3A_9 = arith.addf %dot_general3A_5, %add3A : vector<512x128xf32>
    %mul3A = arith.mulf %add3A_9, %add3A_9 : vector<512x128xf32>
    %reduce_sum3A = arith.constant dense<0.000000e+00> : vector<512xf32>
    %reduce_sum3A_10 = vector.multi_reduction <add>, %mul3A, %reduce_sum3A [1] : vector<512x128xf32> to vector<512xf32>
    %broadcast_in_dim3A = vector.shape_cast %reduce_sum3A_10 : vector<512xf32> to vector<512x1xf32>
    %max3A = arith.constant 1.000000e-24 : f32
    %max3A_11 = vector.broadcast %max3A : f32 to vector<512x1xf32>
    %max3A_12 = arith.maximumf %broadcast_in_dim3A, %max3A_11 : vector<512x1xf32>
    %rsqrt3A = math.rsqrt %max3A_12 : vector<512x1xf32>
    %mul3A_13 = arith.constant 1.800000e+00 : f32
    %mul3A_14 = vector.broadcast %mul3A_13 : f32 to vector<512x1xf32>
    %mul3A_15 = arith.mulf %mul3A_14, %rsqrt3A : vector<512x1xf32>
    %mul3A_16 = vector.broadcast %mul3A_15 : vector<512x1xf32> to vector<512x128xf32>
    %mul3A_17 = arith.mulf %add3A_9, %mul3A_16 : vector<512x128xf32>
    %broadcast_in_dim3A_18 = arith.constant 1.000000e+00 : f32
    %broadcast_in_dim3A_19 = vector.broadcast %broadcast_in_dim3A_18 : f32 to vector<32x1xf32>
    %get3A_20 = arith.constant 0 : index
    %get3A_21 = arith.constant 0 : index
    %get3A_22 = vector.load %arg4[%get3A_20, %get3A_21] : memref<32x512xf32, #tpu.memory_space<vmem>>, vector<32x512xf32>
    %dot_general3A_23 = arith.constant dense<0.000000e+00> : vector<512x1xf32>
    %dot_general3A_24 = tpu.matmul %get3A_22, %broadcast_in_dim3A_19, %dot_general3A_23 {dimension_numbers = #tpu.dot_dimension_numbers<[0], [0], [1], [1], [0, 1, 1, 1], [], []>, transpose_lhs_hint = false} : vector<32x512xf32>, vector<32x1xf32>, vector<512x1xf32> -> vector<512x1xf32>
    %max3A_25 = arith.constant 1.000000e+00 : f32
    %max3A_26 = vector.broadcast %max3A_25 : f32 to vector<512x1xf32>
    %max3A_27 = arith.maximumf %dot_general3A_24, %max3A_26 : vector<512x1xf32>
    %rsqrt3A_28 = math.rsqrt %max3A_27 : vector<512x1xf32>
    %mul3A_29 = vector.broadcast %rsqrt3A_28 : vector<512x1xf32> to vector<512x128xf32>
    %mul3A_30 = arith.mulf %mul3A_17, %mul3A_29 : vector<512x128xf32>
    %swap3A = arith.constant 0 : index
    %swap3A_31 = arith.constant 0 : index
    %swap3A_32 = vector.load %arg5[%swap3A, %swap3A_31] : memref<512x128xf32, #tpu.memory_space<vmem>>, vector<512x128xf32>
    tpu.vector_store %arg5[%swap3A, %swap3A_31], %mul3A_30 {strides = array<i32>} : memref<512x128xf32, #tpu.memory_space<vmem>>, vector<512x128xf32>,
    return
  }
  func.func @transform_0(%arg0: i32) -> (i32, i32) {
    %c0_i32 = arith.constant 0 : i32
    %c0_i32_0 = arith.constant 0 : i32
    return %arg0, %c0_i32 : i32, i32
  }
  func.func @transform_1(%arg0: i32) -> (i32, i32) {
    %c0_i32 = arith.constant 0 : i32
    %c0_i32_0 = arith.constant 0 : i32
    %c0_i32_1 = arith.constant 0 : i32
    return %c0_i32, %c0_i32_0 : i32, i32
  }
  func.func @transform_2(%arg0: i32) -> (i32, i32) {
    %c0_i32 = arith.constant 0 : i32
    %c0_i32_0 = arith.constant 0 : i32
    %c0_i32_1 = arith.constant 0 : i32
    return %c0_i32, %c0_i32_0 : i32, i32
  }
  func.func @transform_3(%arg0: i32) -> (i32, i32) {
    %c0_i32 = arith.constant 0 : i32
    %c0_i32_0 = arith.constant 0 : i32
    return %c0_i32, %arg0 : i32, i32
  }
  func.func @transform_4(%arg0: i32) -> (i32, i32) {
    %c0_i32 = arith.constant 0 : i32
    %c0_i32_0 = arith.constant 0 : i32
    return %arg0, %c0_i32 : i32, i32
  }
}

module attributes {stable_mosaic.version = 14 : i64} {
  func.func @_out_body(%arg0: i32, %arg1: memref<2x512x128xf32, #tpu.memory_space<vmem>>, %arg2: memref<32x512xf32, #tpu.memory_space<vmem>>, %arg3: memref<512x128xf32, #tpu.memory_space<vmem>>) attributes {dimension_semantics = [#tpu.dimension_semantics<arbitrary>], iteration_bounds = array<i64: 20>, scalar_prefetch = 0 : i64, scratch_operands = 0 : i64, tpu.core_type = #tpu.core_type<tc>, window_params = [{transform_indices = @transform_0, window_bounds = array<i64: 2, 512, 128>}, {transform_indices = @transform_1, window_bounds = array<i64: 32, 512>}, {transform_indices = @transform_2, window_bounds = array<i64: 512, 128>}]} {
    %broadcast_in_dim3A = arith.constant 1.000000e+00 : f32
    %broadcast_in_dim3A_0 = vector.broadcast %broadcast_in_dim3A : f32 to vector<32x1xf32>
    %get3A = arith.constant 0 : index
    %get3A_1 = arith.constant 0 : index
    %get3A_2 = vector.load %arg2[%get3A, %get3A_1] : memref<32x512xf32, #tpu.memory_space<vmem>>, vector<32x512xf32>
    %dot_general3A = arith.constant dense<0.000000e+00> : vector<512x1xf32>
    %dot_general3A_3 = tpu.matmul %get3A_2, %broadcast_in_dim3A_0, %dot_general3A {dimension_numbers = #tpu.dot_dimension_numbers<[0], [0], [1], [1], [0, 1, 1, 1], [], []>, transpose_lhs_hint = false} : vector<32x512xf32>, vector<32x1xf32>, vector<512x1xf32> -> vector<512x1xf32>
    %max3A = arith.constant 1.000000e+00 : f32
    %max3A_4 = vector.broadcast %max3A : f32 to vector<512x1xf32>
    %max3A_5 = arith.maximumf %dot_general3A_3, %max3A_4 : vector<512x1xf32>
    %rsqrt3A = math.rsqrt %max3A_5 : vector<512x1xf32>
    %get3A_6 = arith.constant 0 : index
    %get3A_7 = arith.constant 0 : index
    %get3A_8 = arith.constant 0 : index
    %get3A_9 = vector.load %arg1[%get3A_6, %get3A_7, %get3A_8] : memref<2x512x128xf32, #tpu.memory_space<vmem>>, vector<1x512x128xf32>
    %get3A_10 = vector.shape_cast %get3A_9 : vector<1x512x128xf32> to vector<512x128xf32>
    %get3A_11 = arith.constant 1 : index
    %get3A_12 = arith.constant 0 : index
    %get3A_13 = arith.constant 0 : index
    %get3A_14 = vector.load %arg1[%get3A_11, %get3A_12, %get3A_13] : memref<2x512x128xf32, #tpu.memory_space<vmem>>, vector<1x512x128xf32>
    %get3A_15 = vector.shape_cast %get3A_14 : vector<1x512x128xf32> to vector<512x128xf32>
    %add3A = arith.addf %get3A_10, %get3A_15 : vector<512x128xf32>
    %mul3A = vector.broadcast %rsqrt3A : vector<512x1xf32> to vector<512x128xf32>
    %mul3A_16 = arith.mulf %add3A, %mul3A : vector<512x128xf32>
    %swap3A = arith.constant 0 : index
    %swap3A_17 = arith.constant 0 : index
    %swap3A_18 = vector.load %arg3[%swap3A, %swap3A_17] : memref<512x128xf32, #tpu.memory_space<vmem>>, vector<512x128xf32>
    tpu.vector_store %arg3[%swap3A, %swap3A_17], %mul3A_16 {strides = array<i32>} : memref<512x128xf32, #tpu.memory_space<vmem>>, vector<512x128xf32>,
    return
  }
  func.func @transform_0(%arg0: i32) -> (i32, i32, i32) {
    %c0_i32 = arith.constant 0 : i32
    %c0_i32_0 = arith.constant 0 : i32
    %c0_i32_1 = arith.constant 0 : i32
    return %c0_i32, %arg0, %c0_i32_0 : i32, i32, i32
  }
  func.func @transform_1(%arg0: i32) -> (i32, i32) {
    %c0_i32 = arith.constant 0 : i32
    %c0_i32_0 = arith.constant 0 : i32
    return %c0_i32, %arg0 : i32, i32
  }
  func.func @transform_2(%arg0: i32) -> (i32, i32) {
    %c0_i32 = arith.constant 0 : i32
    %c0_i32_0 = arith.constant 0 : i32
    return %arg0, %c0_i32 : i32, i32
  }
}

</mosaic_0001>

<sc_bundles>
// kernel: kernel.6.cloned.1.call-start
scs
__scs_entry_jumppad:
0x0: {  	(pc) =	sbr.rel $0x88, $3  }
0x1: {  	(tag) =	ssettag $0x0;
	lr =	simm.s32 $0x1  }
0x2: {  	[smem:$0x3F9D] =	sst lr;
	_ =	strace $0xD0000000  }
0x3: {  	_ = 	snop  }
0x4: {  	_ = 	snop  }
0x5: {  	_ = 	snop  }
0x6: {  	_ = 	snop  }
0x7: {  	_ = 	snop  }
__scs_overlays_trampoline_lowered:
0x8: {  	[smem:$0x3FAC] =	sst s0  }
0x9: {  	[smem:$0x3FAD] =	sst s1  }
0xa: {  	[smem:$0x3FAE] =	sst s2  }
0xb: {  	[smem:$0x3FAF] =	sst s3  }
0xc: {  	[smem:$0x3FB0] =	sst s4  }
0xd: {  	[smem:$0x3FB1] =	sst s5  }
0xe: {  	[smem:$0x3FB2] =	sst s6  }
0xf: {  	[smem:$0x3FB3] =	sst s7  }
0x10: {  	[smem:$0x3FB4] =	sst s8  }
0x11: {  	[smem:$0x3FB5] =	sst s9;
	s0 =	simm.s32 @!p0 $0x0  }
0x12: {  	s1 =	sld [smem:$0x3F9B];
	s0 =	simm.s32 @p0 $0x1  }
0x13: {  	[smem:$0x3FB6] =	sst s0;
	s0 =	simm.s32 @!p1 $0x0  }
0x14: {  	s2 =	sld [smem:$0x3F9A];
	s0 =	simm.s32 @p1 $0x1  }
0x15: {  	[smem:$0x3FB7] =	sst s0;
	s0 =	simm.s32 @!p2 $0x0  }
0x16: {  	s3 =	sld [smem:$0x3FDB];
	s0 =	simm.s32 @p2 $0x1  }
0x17: {  	s4 =	simm.s32 $0x1BF5;
	[smem:$0x3FB9] =	sst s0  }
0x18: {  	s0 =	sld [smem:$0x3F9C];
	_ =	swait.ge [sflag:s4], $0x0  }
0x19: {  	s7 =	sld [smem:$0x3F9D]  }
0x1a: {  	s8 =	sadd.s32 $0xFFFFE003, lr  }
0x1b: {  	s9 =	sadd.s32 $0xFFFFFEF7, lr;
	s5 =	simm.s32 $0xFFFFFFFF;
	p2 =	slt.u32 s8, $0xFFFFF086  }
0x1c: {  	p1 =	slt.u32 s9, $0xF7A;
	s5 =	simm.s32 @!p2 $0x0  }
0x1d: {  	s5 =	simm.s32 @p1 $0x1;
	p0 =	seq.s32 s7, s2  }
0x1e: {  	s7 =	smul.u32 @!p0 $0xF7A, s2;
	p2 =	seq.s32 @!p0 s5, $0x0  }
0x1f: {  	s9 =	smul.u32 $0xF7A, s1;
	s8 =	simm.s32 @!p0 $0x1BF5;
	p2 =	por !p2, p0  }
0x20: {  	[sflag:s8] =	ssyncset.s32 @!p0 $0xFFFFF086;
	s6 =	sadd.s32 @!p0 s3, s7;
	s7 =	simm.s32 @!p0 $0x108  }
0x21: {  	s3 =	sadd.s32 s3, s9;
	s6 =	sadd.s32 @!p0 $0x88, s6;
	s7 =	simm.s32 @p2 $0x1082  }
0x22: {  	[simem:s7], [sflag:s8] =	dma.local @!p0 [hbm:s6], $0xF7A  }
0x23: {  	s9 =	sor.u32 $0xD0000000, s2;
	s6 =	simm.s32 $0x108;
	_ =	swait.ge @!p0 [sflag:s8], $0x0  }
0x24: {  	s3 =	sadd.s32 $0x88, s3;
	s6 =	simm.s32 @!p1 $0x1082;
	[sflag:s4] =	ssyncset.s32 $0xFFFFF086  }
0x25: {  	[simem:s6], [sflag:s4] =	dma.local [hbm:s3], $0xF7A  }
0x26: {  	[smem:$0x3F9D] =	sst s1;
	(tag) =	ssettag s2;
	_ =	strace s9  }
0x27: {  	s1 =	sld [smem:$0x3FAD]  }
0x28: {  	s2 =	sld [smem:$0x3FAE]  }
0x29: {  	s4 =	sld [smem:$0x3FB0]  }
0x2a: {  	p0 =	seq.s32 s5, $0x0;
	s5 =	sld [smem:$0x3FB1]  }
0x2b: {  	s6 =	sld [smem:$0x3FB2]  }
0x2c: {  	s7 =	sld [smem:$0x3FB3]  }
0x2d: {  	s3 =	simm.s32 $0x108;
	s8 =	sld [smem:$0x3FB4]  }
0x2e: {  	s3 =	simm.s32 @!p0 $0x1082;
	s9 =	sld [smem:$0x3FB5]  }
0x2f: {  	lr =	sadd.s32 s0, s3;
	s0 =	sld [smem:$0x3FAC]  }
0x30: {  	s3 =	sld [smem:$0x3FAF]  }
0x31: {  	[smem:$0x3FB8] =	sst s10  }
0x32: {  	s10 =	sld [smem:$0x3FB6];
	_ =	sdelay $0x3  }
0x33: {  	p0 =	seq.s32 s10, $0x1;
	s10 =	sld [smem:$0x3FB8];
	_ =	sdelay $0x3  }
0x34: {  	[smem:$0x3FB8] =	sst s10  }
0x35: {  	s10 =	sld [smem:$0x3FB7];
	_ =	sdelay $0x3  }
0x36: {  	p1 =	seq.s32 s10, $0x1;
	s10 =	sld [smem:$0x3FB8];
	_ =	sdelay $0x3  }
0x37: {  	[smem:$0x3FB8] =	sst s10  }
0x38: {  	s10 =	sld [smem:$0x3FB9]  }
0x39: {  	_ = 	snop;
	(pc) =	sbr.ind lr, $3  }
0x3a: {  	_ = 	snop  }
0x3b: {  	_ = 	snop  }
0x3c: {  	p2 =	seq.s32 s10, $0x1;
	s10 =	sld [smem:$0x3FB8]  }
0x3d: {  	_ =	shalt  }
0x3e: {  	_ =	shalt  }
0x3f: {  	_ =	shalt  }
0x40: {  	_ =	shalt  }
0x41: {  	_ =	shalt  }
0x42: {  	_ =	shalt  }
0x43: {  	_ =	shalt  }
0x44: {  	_ =	shalt  }
0x45: {  	_ =	shalt  }
0x46: {  	_ =	shalt  }
0x47: {  	_ =	shalt  }
0x48: {  	_ =	shalt  }
0x49: {  	_ =	shalt  }
0x4a: {  	_ =	shalt  }
0x4b: {  	_ =	shalt  }
0x4c: {  	_ =	shalt  }
0x4d: {  	_ =	shalt  }
0x4e: {  	_ =	shalt  }
0x4f: {  	_ =	shalt  }
0x50: {  	_ =	shalt  }
0x51: {  	_ =	shalt  }
0x52: {  	_ =	shalt  }
0x53: {  	_ =	shalt  }
0x54: {  	_ =	shalt  }
0x55: {  	_ =	shalt  }
0x56: {  	_ =	shalt  }
0x57: {  	_ =	shalt  }
0x58: {  	_ =	shalt  }
0x59: {  	_ =	shalt  }
0x5a: {  	_ =	shalt  }
0x5b: {  	_ =	shalt  }
0x5c: {  	_ =	shalt  }
0x5d: {  	_ =	shalt  }
0x5e: {  	_ =	shalt  }
0x5f: {  	_ =	shalt  }
0x60: {  	_ =	shalt  }
0x61: {  	_ =	shalt  }
0x62: {  	_ =	shalt  }
0x63: {  	_ =	shalt  }
0x64: {  	_ =	shalt  }
0x65: {  	_ =	shalt  }
0x66: {  	_ =	shalt  }
0x67: {  	_ =	shalt  }
0x68: {  	_ =	shalt  }
0x69: {  	_ =	shalt  }
0x6a: {  	_ =	shalt  }
0x6b: {  	_ =	shalt  }
0x6c: {  	_ =	shalt  }
0x6d: {  	_ =	shalt  }
0x6e: {  	_ =	shalt  }
0x6f: {  	_ =	shalt  }
0x70: {  	_ =	shalt  }
0x71: {  	_ =	shalt  }
0x72: {  	_ =	shalt  }
0x73: {  	_ =	shalt  }
0x74: {  	_ =	shalt  }
0x75: {  	_ =	shalt  }
0x76: {  	_ =	shalt  }
0x77: {  	_ =	shalt  }
0x78: {  	_ =	shalt  }
0x79: {  	_ =	shalt  }
0x7a: {  	_ =	shalt  }
0x7b: {  	_ =	shalt  }
0x7c: {  	_ =	shalt  }
0x7d: {  	_ =	shalt  }
0x7e: {  	_ =	shalt  }
0x7f: {  	_ =	shalt  }
0x80: {  	_ =	shalt  }
0x81: {  	_ =	shalt  }
0x82: {  	_ =	shalt  }
0x83: {  	_ =	shalt  }
0x84: {  	_ =	shalt  }
0x85: {  	_ =	shalt  }
0x86: {  	_ =	shalt  }
0x87: {  	_ =	shalt  }
.Lfunc_end0:
.L_simem_size_0:
called_computation_lowered:
.L_overlay_start_0:
0x88: {  	s2 =	sld [smem:$0x3FD9]  }
0x89: {  	s3 =	sld [smem:$0x3FFE];
	_ =	sdelay $0x1  }
0x8a: {  	s1 =	srdreg.scid  }
0x8b: {  	s0 =	sand.u32 $0x1, s1  }
0x8c: {  	s17 =	sshll.u32 s0, $0xA;
	s2 =	sadd.s32 s3, s2  }
0x8d: {  	s2 =	sadd.s32 s2, s17  }
0x8e: {  	[smem:$0x3FC4] =	sst s2  }
0x8f: {  	_ = 	snop  }
0x90: {  	s2 =	sld [smem:$0x3FD0];
	(tm) =	ssettm $0x1  }
0x91: {  	s18 =	sld [smem:$0x3FFB];
	_ =	sdelay $0x3  }
0x92: {  	_ =	strace s18  }
0x93: {  	s3 =	sld [smem:$0x3FFC];
	_ =	sdelay $0x3  }
0x94: {  	_ =	strace s3  }
0x95: {  	s3 =	sld [smem:$0x3FFD];
	_ =	sdelay $0x3  }
0x96: {  	_ =	strace s3  }
0x97: {  	_ =	strace $0x8FFFFFFF  }
0x98: {  	s19 =	sld [smem:$0x3FDB];
	_ =	sdelay $0x1  }
0x99: {  	s4 =	simm.s32 $_scs_section_size  }
0x9a: {  	s5 =	simm.s32 $_size__tile_overlayer_lowered;
	s6 =	simm.s32 $_tile_overlayer_lowered  }
0x9b: {  	s22 =	simm.s32 $0x1BFF;
	s21 =	sshll.u32 s6, $0x1;
	s3 =	sadd.s32 s4, s19  }
0x9c: {  	s7 =	simm.s32 $0x0;
	s20 =	sshll.u32 s5, $0x1;
	s5 =	sadd.s32 s21, s3  }
0x9d: {  	[timem:s7], [sflag:s22] =	dma.local [hbm:s5], s20  }
0x9e: {  	_ =	swait.ge [sflag:s22], s20  }
0x9f: {  	s4 =	ssub.s32 $0x0, s20;
	[sflag:s22] =	ssyncset.done $0x0  }
0xa0: {  	[sflag:s22] =	ssyncadd.s32 s4;
	_ =	sdelay $0x1  }
0xa1: {  	s23 =	simm.s32 $0x1B8B  }
0xa2: {  	_ =	swait.ge [sflag:s23], $0x1  }
0xa3: {  	[sflag:s23] =	ssyncset.done $0x0  }
0xa4: {  	s25 =	simm.s32 $0x1B8E;
	s24 =	sld [smem:$0x3FFE];
	[sflag:s23] =	ssyncadd.s32 $0xFFFFFFFF  }
0xa5: {  	s26 =	simm.s32 $execute0_lowered;
	[smem:$0x3FD2] =	sst s25  }
0xa6: {  	s5 =	sshll.u32 s26, $0x1;
	_ =	strace $0x80000046;
	[dreg:$0x1] =	wrdreg $0xFFFFFFFF  }
0xa7: {  	s28 =	simm.s32 $_size_execute0_lowered;
	s3 =	sadd.s32 s3, s5;
	[dreg:$0x0] =	wrdreg $0x0  }
0xa8: {  	s5 =	sshll.u32 s28, $0x1;
	[dreg:$0x2] =	wrdreg s3  }
0xa9: {  	[dreg:$0x3] =	wrdreg s5  }
0xaa: {  	[dreg:$0x4] =	wrdreg $0xC0  }
0xab: {  	_ =	task [dreg:s7], $0x5FFFF  }
0xac: {  	[dreg:$0x1] =	wrdreg $0xFFFFFFFF  }
0xad: {  	[dreg:$0x0] =	wrdreg $0x60  }
0xae: {  	[dreg:$0x2] =	wrdreg s2  }
0xaf: {  	[dreg:$0x3] =	wrdreg s24  }
0xb0: {  	[dreg:$0x4] =	wrdreg $0x9  }
0xb1: {  	_ =	task.clear_ibuf [dreg:s7], $0x5FFFF;
	_ =	strace $0x90000046  }
0xb2: {  	s29 =	simm.s32 $0x9;
	_ =	strace $0x80000048  }
0xb3: {  	_ =	swait.ge [sflag:s29], $0x1  }
0xb4: {  	[sflag:s29] =	ssyncadd.s32 $0xFFFFFFFF  }
0xb5: {  	_ =	strace $0x90000048  }
0xb6: {  	_ =	sfence  }
0xb7: {  	s30 =	sld [smem:$0x0];
	_ =	sdelay $0x2  }
0xb8: {  	s31 =	sshll.u32 s1, $0xD;
	s1 =	sshrl.u32 s1, $0x2  }
0xb9: {  	s3 =	sand.u32 $0x4000, s31;
	s1 =	sadd.s32 s1, s30  }
0xba: {  	s0 =	sor.u32 s3, s0;
	s1 =	sshll.u32 s1, $0x11  }
0xbb: {  	s0 =	sor.u32 s1, s0  }
0xbc: {  	s0 =	sadd.s32 $0x8F2B, s0  }
0xbd: {  	[sflag:s0] =	ssyncadd.remote.s32 $0x1  }
0xbe: {  	_ =	sfence.sel $0xFFFF  }
0xbf: {  	[dreg:$0x0] =	wrdreg $0xFFFFFFFF;
	(pc) =	sbr.abs _section_cstart, $3  }
0xc0: {  	[dreg:$0x1] =	wrdreg $0xFFFFFFFF  }
0xc1: {  	_ =	task.clear_ibuf [dreg:s7], $0x2FFFF;
	_ =	strace $0x9FFFFFFF  }
0xc2: {  	(tm) =	ssettm $0x7FFFFFFF  }
0xc3: {  	_ =	shalt  }
tec
execute0_lowered:
.L_overlay_start_1:
0x0: {  	(tag) =	ssettag $0x1  }
0x1: {  	s0 =	srdreg.scid;
	s2 =	rddreg [dreg:$0x0]  }
0x2: {  	s3 =	stileid.u32;
	s5 =	rddreg [dreg:$0x1];
	s0 =	sand.u32 $0x1, s0  }
0x3: {  	s30 =	simm.s32 $0x400;
	s29 =	simm.s32 $0x3;
	s1 =	sshll.u32 s0, $0x4  }
0x4: {  	s28 =	simm.s32 $0x0;
	s0 =	ssub.s32 $0x2, s0;
	s1 =	sor.u32 s3, s1  }
0x5: {  	s4 =	sshll.u32 s3, $0x7;
	s7 =	sshrl.u32 s0, $0x1;
	s1 =	sshrl.u32 s1, $0x3  }
0x6: {  	s3 =	simm.s32 $0x0;
	s0 =	ssub.s32 s0, s7;
	s1 =	smul.u32 $0x14000, s1  }
0x7: {  	s4 =	sand.u32 $0x380, s4;
	[smem:$0x7FF] =	sst s3;
	s0 =	smax.u32 s0, $0x1  }
0x8: {  	_ =	strace $0x80000047;
	[dreg:$0x5] =	wrdreg s0;
	s1 =	sor.u32 s4, s1  }
0x9: {  	s0 =	simm.s32 $0x4800;
	s4 =	sadd.s32 $0x1800, s5;
	s6 =	sshrl.u32 s1, $0x3  }
0xa: {  	s7 =	sadd.s32 $0x4000, s1;
	s1 =	simm.s32 $0x2000;
	s8 =	sadd.s32 s6, s5  }
0xb: {  	s5 =	sadd.s32 s2, s6;
	s6 =	sadd.s32 s4, s6;
	s22 =	sadd.s32 $0xB800, s8  }
0xc: {  	s23 =	sadd.s32 $0x15800, s8;
	s24 =	sadd.s32 $0x80, s5;
	s25 =	sadd.s32 $0x100, s5  }
0xd: {  	s26 =	sadd.s32 $0x180, s5;
	s31 =	sadd.s32 $0x200, s5;
	[dreg:$0x3] =	wrdreg s22  }
0xe: {  	s14 =	sadd.s32 $0x280, s5;
	s15 =	sadd.s32 $0x300, s5;
	[dreg:$0x4] =	wrdreg s23  }
.Ltmp0:
0xf: {  	s16 =	sadd.s32 $0x380, s5;
	[dreg:$0x6] =	wrdreg s24;
	(pc) =	sbr.rel .LBB2_1-.Ltmp0, $4  }
0x10: {  	s17 =	sadd.s32 $0x400, s5;
	s18 =	sadd.s32 $0x480, s5;
	[dreg:$0x7] =	wrdreg s25  }
0x11: {  	s19 =	sadd.s32 $0x500, s5;
	s20 =	sadd.s32 $0x580, s5;
	[dreg:$0x8] =	wrdreg s26  }
0x12: {  	s21 =	sadd.s32 $0x600, s5;
	[dreg:$0x9] =	wrdreg s31;
	s22 =	sadd.s32 $0x680, s5  }
0x13: {  	v0 =	vimm.f32 $0.0e+00;
	v1 =	vimm.f32 $1.000000000e+00;
	s23 =	sadd.s32 $0x700, s5;
	s24 =	sadd.s32 $0x780, s5;
	s26 =	simm.s32 $0x80  }
.LBB2_7:
0x14: {  	s8 =	rddreg [dreg:$0x3]  }
0x15: {  	[hbm4b:s8+s26] =	stream.strided.scatter [tilespmem:s1], [sflag:$0x3], $0x2800, s30, s26, $0x38;
	[tilespmem:$0x7000] =	vst v63  }
0x16: {  	_ =	swait.ge [sflag:s29], $0x2800  }
0x17: {  	[sflag:s29] =	ssyncset.done $0x0  }
0x18: {  	s25 =	rddreg [dreg:$0x4];
	[sflag:s29] =	ssyncadd.s32 $0xFFFFD800  }
0x19: {  	[hbm4b:s25+s26] =	stream.strided.scatter [tilespmem:s0], [sflag:$0x3], $0x2800, s30, s26, $0x38;
	[tilespmem:$0x7000] =	vst v63  }
0x1a: {  	_ =	swait.ge [sflag:s29], $0x2800  }
0x1b: {  	s28 =	sadd.s32 $0x1, s28;
	s31 =	rddreg [dreg:$0x5]  }
0x1c: {  	p0 =	sne.s32 s28, s31  }
.Ltmp1:
0x1d: {  	_ = 	snop;
	(pc) =	sbr.rel @!p0 .LBB2_8-.Ltmp1, $3  }
0x1e: {  	_ =	sdelay $0x1  }
0x1f: {  	[sflag:s29] =	ssyncset.done $0x0  }
0x20: {  	[sflag:s29] =	ssyncadd.s32 $0xFFFFD800  }
.LBB2_1:
0x21: {  	s8 =	simm.s32 $0x40;
	s9 =	simm.s32 $0x0  }
.LBB2_2:
0x22: {  	p0 =	sne.s32 s8, $0x9FC0;
	[tilespmem:s9+$0x2000] =	vst v0;
	s25 =	smov.u32 s8;
	s8 =	sadd.s32 $0x40, s8  }
.Ltmp2:
0x23: {  	[tilespmem:s9+$0x4800] =	vst v0;
	(pc) =	sbr.rel @p0 .LBB2_2-.Ltmp2, $2  }
0x24: {  	_ =	sdelay $0x2  }
0x25: {  	s9 =	sshra.s32 s25, $0x2  }
0x26: {  	[tilespmem:s9+$0x2000] =	vst v0  }
0x27: {  	[tilespmem:s9+$0x4800] =	vst v0;
	s9 =	simm.s32 $0x0  }
0x28: {  	[tilespmem:s9], [sflag:$0x3] =	stream.linear.gather [hbm4b:s5+s9], $0x80, $0x38;
	[tilespmem:$0x7000] =	vst v63  }
0x29: {  	s8 =	rddreg [dreg:$0x6];
	s10 =	simm.s32 $0x100  }
0x2a: {  	[tilespmem:s10], [sflag:$0x3] =	stream.linear.gather [hbm4b:s8+s9], $0x80, $0x38;
	[tilespmem:$0x7000] =	vst v63  }
0x2b: {  	s11 =	rddreg [dreg:$0x7];
	s12 =	simm.s32 $0x200  }
0x2c: {  	[tilespmem:s12], [sflag:$0x3] =	stream.linear.gather [hbm4b:s11+s9], $0x80, $0x38;
	[tilespmem:$0x7000] =	vst v63  }
0x2d: {  	s13 =	rddreg [dreg:$0x8];
	s25 =	simm.s32 $0x300  }
0x2e: {  	[tilespmem:s25], [sflag:$0x3] =	stream.linear.gather [hbm4b:s13+s9], $0x80, $0x38;
	[tilespmem:$0x7000] =	vst v63  }
0x2f: {  	s31 =	rddreg [dreg:$0x9]  }
0x30: {  	[tilespmem:s30], [sflag:$0x3] =	stream.linear.gather [hbm4b:s31+s9], $0x80, $0x38;
	[tilespmem:$0x7000] =	vst v63  }
0x31: {  	s10 =	simm.s32 $0x500  }
0x32: {  	[tilespmem:s10], [sflag:$0x3] =	stream.linear.gather [hbm4b:s14+s9], $0x80, $0x38;
	[tilespmem:$0x7000] =	vst v63  }
0x33: {  	s11 =	simm.s32 $0x600  }
0x34: {  	[tilespmem:s11], [sflag:$0x3] =	stream.linear.gather [hbm4b:s15+s9], $0x80, $0x38;
	[tilespmem:$0x7000] =	vst v63  }
0x35: {  	s12 =	simm.s32 $0x700  }
0x36: {  	[tilespmem:s12], [sflag:$0x3] =	stream.linear.gather [hbm4b:s16+s9], $0x80, $0x38;
	[tilespmem:$0x7000] =	vst v63  }
0x37: {  	s13 =	simm.s32 $0x800  }
0x38: {  	[tilespmem:s13], [sflag:$0x3] =	stream.linear.gather [hbm4b:s17+s9], $0x80, $0x38;
	[tilespmem:$0x7000] =	vst v63  }
0x39: {  	s25 =	simm.s32 $0x900  }
0x3a: {  	[tilespmem:s25], [sflag:$0x3] =	stream.linear.gather [hbm4b:s18+s9], $0x80, $0x38;
	[tilespmem:$0x7000] =	vst v63  }
0x3b: {  	s31 =	simm.s32 $0xA00  }
0x3c: {  	[tilespmem:s31], [sflag:$0x3] =	stream.linear.gather [hbm4b:s19+s9], $0x80, $0x38;
	[tilespmem:$0x7000] =	vst v63  }
0x3d: {  	s10 =	simm.s32 $0xB00  }
0x3e: {  	[tilespmem:s10], [sflag:$0x3] =	stream.linear.gather [hbm4b:s20+s9], $0x80, $0x38;
	[tilespmem:$0x7000] =	vst v63  }
0x3f: {  	s11 =	simm.s32 $0xC00  }
0x40: {  	[tilespmem:s11], [sflag:$0x3] =	stream.linear.gather [hbm4b:s21+s9], $0x80, $0x38;
	[tilespmem:$0x7000] =	vst v63  }
0x41: {  	s12 =	simm.s32 $0xD00  }
0x42: {  	[tilespmem:s12], [sflag:$0x3] =	stream.linear.gather [hbm4b:s22+s9], $0x80, $0x38;
	[tilespmem:$0x7000] =	vst v63  }
0x43: {  	s13 =	simm.s32 $0xE00  }
0x44: {  	[tilespmem:s13], [sflag:$0x3] =	stream.linear.gather [hbm4b:s23+s9], $0x80, $0x38;
	[tilespmem:$0x7000] =	vst v63  }
0x45: {  	s25 =	simm.s32 $0xF00  }
0x46: {  	[tilespmem:s25], [sflag:$0x3] =	stream.linear.gather [hbm4b:s24+s9], $0x80, $0x38;
	[tilespmem:$0x7000] =	vst v63  }
0x47: {  	_ =	swait.ge [sflag:s29], $0x800  }
0x48: {  	[sflag:s29] =	ssyncset.done $0x0  }
0x49: {  	s31 =	simm.s32 $0x1000;
	[sflag:s29] =	ssyncadd.s32 $0xFFFFF800  }
0x4a: {  	[tilespmem:s31], [sflag:$0x3] =	stream.linear.gather [hbm4b:s6+s9], $0x80, $0x38;
	[tilespmem:$0x7000] =	vst v63  }
0x4b: {  	s10 =	sadd.s32 $0x80, s6;
	s11 =	simm.s32 $0x1100  }
0x4c: {  	[tilespmem:s11], [sflag:$0x3] =	stream.linear.gather [hbm4b:s10+s9], $0x80, $0x38;
	[tilespmem:$0x7000] =	vst v63  }
0x4d: {  	s12 =	sadd.s32 $0x100, s6;
	s13 =	simm.s32 $0x1200  }
0x4e: {  	[tilespmem:s13], [sflag:$0x3] =	stream.linear.gather [hbm4b:s12+s9], $0x80, $0x38;
	[tilespmem:$0x7000] =	vst v63  }
0x4f: {  	s25 =	sadd.s32 $0x180, s6;
	s31 =	simm.s32 $0x1300  }
0x50: {  	[tilespmem:s31], [sflag:$0x3] =	stream.linear.gather [hbm4b:s25+s9], $0x80, $0x38;
	[tilespmem:$0x7000] =	vst v63  }
0x51: {  	s10 =	sadd.s32 $0x200, s6;
	s11 =	simm.s32 $0x1400  }
0x52: {  	[tilespmem:s11], [sflag:$0x3] =	stream.linear.gather [hbm4b:s10+s9], $0x80, $0x38;
	[tilespmem:$0x7000] =	vst v63  }
0x53: {  	s12 =	sadd.s32 $0x280, s6;
	s13 =	simm.s32 $0x1500  }
0x54: {  	[tilespmem:s13], [sflag:$0x3] =	stream.linear.gather [hbm4b:s12+s9], $0x80, $0x38;
	[tilespmem:$0x7000] =	vst v63  }
0x55: {  	s25 =	sadd.s32 $0x300, s6;
	s31 =	simm.s32 $0x1600  }
0x56: {  	[tilespmem:s31], [sflag:$0x3] =	stream.linear.gather [hbm4b:s25+s9], $0x80, $0x38;
	[tilespmem:$0x7000] =	vst v63  }
0x57: {  	s10 =	sadd.s32 $0x380, s6;
	s11 =	simm.s32 $0x1700  }
0x58: {  	[tilespmem:s11], [sflag:$0x3] =	stream.linear.gather [hbm4b:s10+s9], $0x80, $0x38;
	[tilespmem:$0x7000] =	vst v63  }
0x59: {  	s12 =	sadd.s32 $0x400, s6;
	s13 =	simm.s32 $0x1800  }
0x5a: {  	[tilespmem:s13], [sflag:$0x3] =	stream.linear.gather [hbm4b:s12+s9], $0x80, $0x38;
	[tilespmem:$0x7000] =	vst v63  }
0x5b: {  	s25 =	sadd.s32 $0x480, s6;
	s31 =	simm.s32 $0x1900  }
0x5c: {  	[tilespmem:s31], [sflag:$0x3] =	stream.linear.gather [hbm4b:s25+s9], $0x80, $0x38;
	[tilespmem:$0x7000] =	vst v63  }
0x5d: {  	s10 =	sadd.s32 $0x500, s6;
	s11 =	simm.s32 $0x1A00  }
0x5e: {  	[tilespmem:s11], [sflag:$0x3] =	stream.linear.gather [hbm4b:s10+s9], $0x80, $0x38;
	[tilespmem:$0x7000] =	vst v63  }
0x5f: {  	s12 =	sadd.s32 $0x580, s6;
	s13 =	simm.s32 $0x1B00  }
0x60: {  	[tilespmem:s13], [sflag:$0x3] =	stream.linear.gather [hbm4b:s12+s9], $0x80, $0x38;
	[tilespmem:$0x7000] =	vst v63  }
0x61: {  	s25 =	sadd.s32 $0x600, s6;
	s31 =	simm.s32 $0x1C00  }
0x62: {  	[tilespmem:s31], [sflag:$0x3] =	stream.linear.gather [hbm4b:s25+s9], $0x80, $0x38;
	[tilespmem:$0x7000] =	vst v63  }
0x63: {  	s10 =	sadd.s32 $0x680, s6;
	s11 =	simm.s32 $0x1D00  }
0x64: {  	[tilespmem:s11], [sflag:$0x3] =	stream.linear.gather [hbm4b:s10+s9], $0x80, $0x38;
	[tilespmem:$0x7000] =	vst v63  }
0x65: {  	s12 =	sadd.s32 $0x700, s6;
	s13 =	simm.s32 $0x1E00  }
0x66: {  	[tilespmem:s13], [sflag:$0x3] =	stream.linear.gather [hbm4b:s12+s9], $0x80, $0x38;
	[tilespmem:$0x7000] =	vst v63  }
.Ltmp3:
0x67: {  	s25 =	sadd.s32 $0x780, s6;
	s31 =	simm.s32 $0x1F00;
	(pc) =	sbr.rel .LBB2_4-.Ltmp3, $4  }
0x68: {  	[tilespmem:s31], [sflag:$0x3] =	stream.linear.gather [hbm4b:s25+s9], $0x80, $0x38;
	[tilespmem:$0x7000] =	vst v63  }
0x69: {  	_ =	swait.ge [sflag:s29], $0x800  }
0x6a: {  	[sflag:s29] =	ssyncset.done $0x0  }
0x6b: {  	s25 =	smov.u32 s7;
	[sflag:s29] =	ssyncadd.s32 $0xFFFFF800  }
.LBB2_6:
0x6c: {  	v2 =	vld [tilespmem:s8+$0x0];
	_ =	sdelay $0x7  }
0x6d: {  	[tilespmem:v2+s1+$0x0] =	vst.idx.add.f32.msk $0xffff, v1  }
0x6e: {  	v2 =	vld [tilespmem:s8+$0x1000];
	_ =	sdelay $0x7  }
0x6f: {  	s10 =	sor.u32 $0x10, s8;
	[tilespmem:v2+s0+$0x0] =	vst.idx.add.f32.msk $0xffff, v1  }
0x70: {  	v2 =	vld [tilespmem:s10+$0x0];
	_ =	sdelay $0x7  }
0x71: {  	s13 =	sor.u32 $0x1010, s8;
	[tilespmem:v2+s1+$0x0] =	vst.idx.add.f32.msk $0xffff, v1  }
0x72: {  	v2 =	vld [tilespmem:s13+$0x0];
	_ =	sdelay $0x7  }
0x73: {  	s11 =	sor.u32 $0x20, s8;
	[tilespmem:v2+s0+$0x0] =	vst.idx.add.f32.msk $0xffff, v1  }
0x74: {  	v2 =	vld [tilespmem:s11+$0x0];
	_ =	sdelay $0x7  }
0x75: {  	s12 =	sor.u32 $0x1020, s8;
	[tilespmem:v2+s1+$0x0] =	vst.idx.add.f32.msk $0xffff, v1  }
0x76: {  	v2 =	vld [tilespmem:s12+$0x0];
	_ =	sdelay $0x7  }
0x77: {  	s13 =	sor.u32 $0x30, s8;
	[tilespmem:v2+s0+$0x0] =	vst.idx.add.f32.msk $0xffff, v1  }
0x78: {  	v2 =	vld [tilespmem:s13+$0x0];
	_ =	sdelay $0x7  }
0x79: {  	s11 =	sor.u32 $0x1030, s8;
	[tilespmem:v2+s1+$0x0] =	vst.idx.add.f32.msk $0xffff, v1  }
0x7a: {  	v2 =	vld [tilespmem:s11+$0x0];
	_ =	sdelay $0x7  }
0x7b: {  	s12 =	sor.u32 $0x40, s8;
	[tilespmem:v2+s0+$0x0] =	vst.idx.add.f32.msk $0xffff, v1  }
0x7c: {  	v2 =	vld [tilespmem:s12+$0x0];
	_ =	sdelay $0x7  }
0x7d: {  	s13 =	sor.u32 $0x1040, s8;
	[tilespmem:v2+s1+$0x0] =	vst.idx.add.f32.msk $0xffff, v1  }
0x7e: {  	v2 =	vld [tilespmem:s13+$0x0];
	_ =	sdelay $0x7  }
0x7f: {  	s11 =	sor.u32 $0x50, s8;
	[tilespmem:v2+s0+$0x0] =	vst.idx.add.f32.msk $0xffff, v1  }
0x80: {  	v2 =	vld [tilespmem:s11+$0x0];
	_ =	sdelay $0x7  }
0x81: {  	s12 =	sor.u32 $0x1050, s8;
	[tilespmem:v2+s1+$0x0] =	vst.idx.add.f32.msk $0xffff, v1  }
0x82: {  	v2 =	vld [tilespmem:s12+$0x0];
	_ =	sdelay $0x7  }
0x83: {  	s13 =	sor.u32 $0x60, s8;
	[tilespmem:v2+s0+$0x0] =	vst.idx.add.f32.msk $0xffff, v1  }
0x84: {  	v2 =	vld [tilespmem:s13+$0x0];
	_ =	sdelay $0x7  }
0x85: {  	s11 =	sor.u32 $0x1060, s8;
	[tilespmem:v2+s1+$0x0] =	vst.idx.add.f32.msk $0xffff, v1  }
0x86: {  	v2 =	vld [tilespmem:s11+$0x0];
	_ =	sdelay $0x7  }
0x87: {  	s12 =	sor.u32 $0x70, s8;
	[tilespmem:v2+s0+$0x0] =	vst.idx.add.f32.msk $0xffff, v1  }
0x88: {  	v2 =	vld [tilespmem:s12+$0x0];
	_ =	sdelay $0x7  }
0x89: {  	s13 =	sor.u32 $0x1070, s8;
	[tilespmem:v2+s1+$0x0] =	vst.idx.add.f32.msk $0xffff, v1  }
0x8a: {  	v2 =	vld [tilespmem:s13+$0x0];
	_ =	sdelay $0x7  }
0x8b: {  	[tilespmem:v2+s0+$0x0] =	vst.idx.add.f32.msk $0xffff, v1  }
0x8c: {  	v2 =	vld [tilespmem:s8+$0x100];
	_ =	sdelay $0x7  }
0x8d: {  	[tilespmem:v2+s1+$0x0] =	vst.idx.add.f32.msk $0xffff, v1  }
0x8e: {  	v2 =	vld [tilespmem:s8+$0x1100];
	_ =	sdelay $0x7  }
0x8f: {  	s11 =	sor.u32 $0x110, s8;
	[tilespmem:v2+s0+$0x0] =	vst.idx.add.f32.msk $0xffff, v1  }
0x90: {  	v2 =	vld [tilespmem:s11+$0x0];
	_ =	sdelay $0x7  }
0x91: {  	s12 =	sor.u32 $0x1110, s8;
	[tilespmem:v2+s1+$0x0] =	vst.idx.add.f32.msk $0xffff, v1  }
0x92: {  	v2 =	vld [tilespmem:s12+$0x0];
	_ =	sdelay $0x7  }
0x93: {  	s13 =	sor.u32 $0x120, s8;
	[tilespmem:v2+s0+$0x0] =	vst.idx.add.f32.msk $0xffff, v1  }
0x94: {  	v2 =	vld [tilespmem:s13+$0x0];
	_ =	sdelay $0x7  }
0x95: {  	s11 =	sor.u32 $0x1120, s8;
	[tilespmem:v2+s1+$0x0] =	vst.idx.add.f32.msk $0xffff, v1  }
0x96: {  	v2 =	vld [tilespmem:s11+$0x0];
	_ =	sdelay $0x7  }
0x97: {  	s12 =	sor.u32 $0x130, s8;
	[tilespmem:v2+s0+$0x0] =	vst.idx.add.f32.msk $0xffff, v1  }
0x98: {  	v2 =	vld [tilespmem:s12+$0x0];
	_ =	sdelay $0x7  }
0x99: {  	s13 =	sor.u32 $0x1130, s8;
	[tilespmem:v2+s1+$0x0] =	vst.idx.add.f32.msk $0xffff, v1  }
0x9a: {  	v2 =	vld [tilespmem:s13+$0x0];
	_ =	sdelay $0x7  }
0x9b: {  	s11 =	sor.u32 $0x140, s8;
	[tilespmem:v2+s0+$0x0] =	vst.idx.add.f32.msk $0xffff, v1  }
0x9c: {  	v2 =	vld [tilespmem:s11+$0x0];
	_ =	sdelay $0x7  }
0x9d: {  	s12 =	sor.u32 $0x1140, s8;
	[tilespmem:v2+s1+$0x0] =	vst.idx.add.f32.msk $0xffff, v1  }
0x9e: {  	v2 =	vld [tilespmem:s12+$0x0];
	_ =	sdelay $0x7  }
0x9f: {  	s13 =	sor.u32 $0x150, s8;
	[tilespmem:v2+s0+$0x0] =	vst.idx.add.f32.msk $0xffff, v1  }
0xa0: {  	v2 =	vld [tilespmem:s13+$0x0];
	_ =	sdelay $0x7  }
0xa1: {  	s11 =	sor.u32 $0x1150, s8;
	[tilespmem:v2+s1+$0x0] =	vst.idx.add.f32.msk $0xffff, v1  }
0xa2: {  	v2 =	vld [tilespmem:s11+$0x0];
	_ =	sdelay $0x7  }
0xa3: {  	s12 =	sor.u32 $0x160, s8;
	[tilespmem:v2+s0+$0x0] =	vst.idx.add.f32.msk $0xffff, v1  }
0xa4: {  	v2 =	vld [tilespmem:s12+$0x0];
	_ =	sdelay $0x7  }
0xa5: {  	s13 =	sor.u32 $0x1160, s8;
	[tilespmem:v2+s1+$0x0] =	vst.idx.add.f32.msk $0xffff, v1  }
0xa6: {  	v2 =	vld [tilespmem:s13+$0x0];
	_ =	sdelay $0x7  }
0xa7: {  	s11 =	sor.u32 $0x170, s8;
	[tilespmem:v2+s0+$0x0] =	vst.idx.add.f32.msk $0xffff, v1  }
0xa8: {  	v2 =	vld [tilespmem:s11+$0x0];
	_ =	sdelay $0x7  }
0xa9: {  	s12 =	sor.u32 $0x1170, s8;
	[tilespmem:v2+s1+$0x0] =	vst.idx.add.f32.msk $0xffff, v1  }
0xaa: {  	v2 =	vld [tilespmem:s12+$0x0];
	_ =	sdelay $0x7  }
0xab: {  	[tilespmem:v2+s0+$0x0] =	vst.idx.add.f32.msk $0xffff, v1  }
0xac: {  	v2 =	vld [tilespmem:s8+$0x200];
	_ =	sdelay $0x7  }
0xad: {  	[tilespmem:v2+s1+$0x0] =	vst.idx.add.f32.msk $0xffff, v1  }
0xae: {  	v2 =	vld [tilespmem:s8+$0x1200];
	_ =	sdelay $0x7  }
0xaf: {  	s13 =	sor.u32 $0x210, s8;
	[tilespmem:v2+s0+$0x0] =	vst.idx.add.f32.msk $0xffff, v1  }
0xb0: {  	v2 =	vld [tilespmem:s13+$0x0];
	_ =	sdelay $0x7  }
0xb1: {  	s11 =	sor.u32 $0x1210, s8;
	[tilespmem:v2+s1+$0x0] =	vst.idx.add.f32.msk $0xffff, v1  }
0xb2: {  	v2 =	vld [tilespmem:s11+$0x0];
	_ =	sdelay $0x7  }
0xb3: {  	s12 =	sor.u32 $0x220, s8;
	[tilespmem:v2+s0+$0x0] =	vst.idx.add.f32.msk $0xffff, v1  }
0xb4: {  	v2 =	vld [tilespmem:s12+$0x0];
	_ =	sdelay $0x7  }
0xb5: {  	s13 =	sor.u32 $0x1220, s8;
	[tilespmem:v2+s1+$0x0] =	vst.idx.add.f32.msk $0xffff, v1  }
0xb6: {  	v2 =	vld [tilespmem:s13+$0x0];
	_ =	sdelay $0x7  }
0xb7: {  	s11 =	sor.u32 $0x230, s8;
	[tilespmem:v2+s0+$0x0] =	vst.idx.add.f32.msk $0xffff, v1  }
0xb8: {  	v2 =	vld [tilespmem:s11+$0x0];
	_ =	sdelay $0x7  }
0xb9: {  	s12 =	sor.u32 $0x1230, s8;
	[tilespmem:v2+s1+$0x0] =	vst.idx.add.f32.msk $0xffff, v1  }
0xba: {  	v2 =	vld [tilespmem:s12+$0x0];
	_ =	sdelay $0x7  }
0xbb: {  	s13 =	sor.u32 $0x240, s8;
	[tilespmem:v2+s0+$0x0] =	vst.idx.add.f32.msk $0xffff, v1  }
0xbc: {  	v2 =	vld [tilespmem:s13+$0x0];
	_ =	sdelay $0x7  }
0xbd: {  	s11 =	sor.u32 $0x1240, s8;
	[tilespmem:v2+s1+$0x0] =	vst.idx.add.f32.msk $0xffff, v1  }
0xbe: {  	v2 =	vld [tilespmem:s11+$0x0];
	_ =	sdelay $0x7  }
0xbf: {  	s12 =	sor.u32 $0x250, s8;
	[tilespmem:v2+s0+$0x0] =	vst.idx.add.f32.msk $0xffff, v1  }
0xc0: {  	v2 =	vld [tilespmem:s12+$0x0];
	_ =	sdelay $0x7  }
0xc1: {  	s13 =	sor.u32 $0x1250, s8;
	[tilespmem:v2+s1+$0x0] =	vst.idx.add.f32.msk $0xffff, v1  }
0xc2: {  	v2 =	vld [tilespmem:s13+$0x0];
	_ =	sdelay $0x7  }
0xc3: {  	s11 =	sor.u32 $0x260, s8;
	[tilespmem:v2+s0+$0x0] =	vst.idx.add.f32.msk $0xffff, v1  }
0xc4: {  	v2 =	vld [tilespmem:s11+$0x0];
	_ =	sdelay $0x7  }
0xc5: {  	s12 =	sor.u32 $0x1260, s8;
	[tilespmem:v2+s1+$0x0] =	vst.idx.add.f32.msk $0xffff, v1  }
0xc6: {  	v2 =	vld [tilespmem:s12+$0x0];
	_ =	sdelay $0x7  }
0xc7: {  	s13 =	sor.u32 $0x270, s8;
	[tilespmem:v2+s0+$0x0] =	vst.idx.add.f32.msk $0xffff, v1  }
0xc8: {  	v2 =	vld [tilespmem:s13+$0x0];
	_ =	sdelay $0x7  }
0xc9: {  	s11 =	sor.u32 $0x1270, s8;
	[tilespmem:v2+s1+$0x0] =	vst.idx.add.f32.msk $0xffff, v1  }
0xca: {  	v2 =	vld [tilespmem:s11+$0x0];
	_ =	sdelay $0x7  }
0xcb: {  	s12 =	sor.u32 $0x300, s31;
	[tilespmem:v2+s0+$0x0] =	vst.idx.add.f32.msk $0xffff, v1  }
0xcc: {  	v2 =	vld [tilespmem:s12+$0x0];
	_ =	sdelay $0x7  }
0xcd: {  	[tilespmem:v2+s1+$0x0] =	vst.idx.add.f32.msk $0xffff, v1  }
0xce: {  	v2 =	vld [tilespmem:s12+$0x1000];
	_ =	sdelay $0x7  }
0xcf: {  	s13 =	sor.u32 $0x310, s31;
	[tilespmem:v2+s0+$0x0] =	vst.idx.add.f32.msk $0xffff, v1  }
0xd0: {  	v2 =	vld [tilespmem:s13+$0x0];
	_ =	sdelay $0x7  }
0xd1: {  	[tilespmem:v2+s1+$0x0] =	vst.idx.add.f32.msk $0xffff, v1  }
0xd2: {  	v2 =	vld [tilespmem:s13+$0x1000];
	_ =	sdelay $0x7  }
0xd3: {  	s11 =	sor.u32 $0x320, s31;
	[tilespmem:v2+s0+$0x0] =	vst.idx.add.f32.msk $0xffff, v1  }
0xd4: {  	v2 =	vld [tilespmem:s11+$0x0];
	_ =	sdelay $0x7  }
0xd5: {  	[tilespmem:v2+s1+$0x0] =	vst.idx.add.f32.msk $0xffff, v1  }
0xd6: {  	v2 =	vld [tilespmem:s11+$0x1000];
	_ =	sdelay $0x7  }
0xd7: {  	s12 =	sor.u32 $0x330, s31;
	[tilespmem:v2+s0+$0x0] =	vst.idx.add.f32.msk $0xffff, v1  }
0xd8: {  	v2 =	vld [tilespmem:s12+$0x0];
	_ =	sdelay $0x7  }
0xd9: {  	[tilespmem:v2+s1+$0x0] =	vst.idx.add.f32.msk $0xffff, v1  }
0xda: {  	v2 =	vld [tilespmem:s12+$0x1000];
	_ =	sdelay $0x7  }
0xdb: {  	s13 =	sor.u32 $0x340, s31;
	[tilespmem:v2+s0+$0x0] =	vst.idx.add.f32.msk $0xffff, v1  }
0xdc: {  	v2 =	vld [tilespmem:s13+$0x0];
	_ =	sdelay $0x7  }
0xdd: {  	[tilespmem:v2+s1+$0x0] =	vst.idx.add.f32.msk $0xffff, v1  }
0xde: {  	v2 =	vld [tilespmem:s13+$0x1000];
	_ =	sdelay $0x7  }
0xdf: {  	s11 =	sor.u32 $0x350, s31;
	[tilespmem:v2+s0+$0x0] =	vst.idx.add.f32.msk $0xffff, v1  }
0xe0: {  	v2 =	vld [tilespmem:s11+$0x0];
	_ =	sdelay $0x7  }
0xe1: {  	[tilespmem:v2+s1+$0x0] =	vst.idx.add.f32.msk $0xffff, v1  }
0xe2: {  	v2 =	vld [tilespmem:s11+$0x1000];
	_ =	sdelay $0x7  }
0xe3: {  	s12 =	sor.u32 $0x360, s31;
	[tilespmem:v2+s0+$0x0] =	vst.idx.add.f32.msk $0xffff, v1  }
0xe4: {  	v2 =	vld [tilespmem:s12+$0x0];
	_ =	sdelay $0x7  }
0xe5: {  	[tilespmem:v2+s1+$0x0] =	vst.idx.add.f32.msk $0xffff, v1  }
0xe6: {  	v2 =	vld [tilespmem:s12+$0x1000];
	_ =	sdelay $0x7  }
0xe7: {  	s13 =	sor.u32 $0x370, s31;
	[tilespmem:v2+s0+$0x0] =	vst.idx.add.f32.msk $0xffff, v1  }
0xe8: {  	v2 =	vld [tilespmem:s13+$0x0];
	_ =	sdelay $0x7  }
0xe9: {  	[tilespmem:v2+s1+$0x0] =	vst.idx.add.f32.msk $0xffff, v1  }
0xea: {  	v2 =	vld [tilespmem:s13+$0x1000];
	_ =	sdelay $0x7  }
0xeb: {  	[tilespmem:v2+s0+$0x0] =	vst.idx.add.f32.msk $0xffff, v1  }
0xec: {  	v2 =	vld [tilespmem:s8+$0x400];
	_ =	sdelay $0x7  }
0xed: {  	[tilespmem:v2+s1+$0x0] =	vst.idx.add.f32.msk $0xffff, v1  }
0xee: {  	v2 =	vld [tilespmem:s8+$0x1400];
	_ =	sdelay $0x7  }
0xef: {  	s11 =	sor.u32 $0x410, s8;
	[tilespmem:v2+s0+$0x0] =	vst.idx.add.f32.msk $0xffff, v1  }
0xf0: {  	v2 =	vld [tilespmem:s11+$0x0];
	_ =	sdelay $0x7  }
0xf1: {  	s12 =	sor.u32 $0x1410, s8;
	[tilespmem:v2+s1+$0x0] =	vst.idx.add.f32.msk $0xffff, v1  }
0xf2: {  	v2 =	vld [tilespmem:s12+$0x0];
	_ =	sdelay $0x7  }
0xf3: {  	s13 =	sor.u32 $0x420, s8;
	[tilespmem:v2+s0+$0x0] =	vst.idx.add.f32.msk $0xffff, v1  }
0xf4: {  	v2 =	vld [tilespmem:s13+$0x0];
	_ =	sdelay $0x7  }
0xf5: {  	s11 =	sor.u32 $0x1420, s8;
	[tilespmem:v2+s1+$0x0] =	vst.idx.add.f32.msk $0xffff, v1  }
0xf6: {  	v2 =	vld [tilespmem:s11+$0x0];
	_ =	sdelay $0x7  }
0xf7: {  	s12 =	sor.u32 $0x430, s8;
	[tilespmem:v2+s0+$0x0] =	vst.idx.add.f32.msk $0xffff, v1  }
0xf8: {  	v2 =	vld [tilespmem:s12+$0x0];
	_ =	sdelay $0x7  }
0xf9: {  	s13 =	sor.u32 $0x1430, s8;
	[tilespmem:v2+s1+$0x0] =	vst.idx.add.f32.msk $0xffff, v1  }
0xfa: {  	v2 =	vld [tilespmem:s13+$0x0];
	_ =	sdelay $0x7  }
0xfb: {  	s11 =	sor.u32 $0x440, s8;
	[tilespmem:v2+s0+$0x0] =	vst.idx.add.f32.msk $0xffff, v1  }
0xfc: {  	v2 =	vld [tilespmem:s11+$0x0];
	_ =	sdelay $0x7  }
0xfd: {  	s12 =	sor.u32 $0x1440, s8;
	[tilespmem:v2+s1+$0x0] =	vst.idx.add.f32.msk $0xffff, v1  }
0xfe: {  	v2 =	vld [tilespmem:s12+$0x0];
	_ =	sdelay $0x7  }
0xff: {  	s13 =	sor.u32 $0x450, s8;
	[tilespmem:v2+s0+$0x0] =	vst.idx.add.f32.msk $0xffff, v1  }
0x100: {  	v2 =	vld [tilespmem:s13+$0x0];
	_ =	sdelay $0x7  }
0x101: {  	s11 =	sor.u32 $0x1450, s8;
	[tilespmem:v2+s1+$0x0] =	vst.idx.add.f32.msk $0xffff, v1  }
0x102: {  	v2 =	vld [tilespmem:s11+$0x0];
	_ =	sdelay $0x7  }
0x103: {  	s12 =	sor.u32 $0x460, s8;
	[tilespmem:v2+s0+$0x0] =	vst.idx.add.f32.msk $0xffff, v1  }
0x104: {  	v2 =	vld [tilespmem:s12+$0x0];
	_ =	sdelay $0x7  }
0x105: {  	s13 =	sor.u32 $0x1460, s8;
	[tilespmem:v2+s1+$0x0] =	vst.idx.add.f32.msk $0xffff, v1  }
0x106: {  	v2 =	vld [tilespmem:s13+$0x0];
	_ =	sdelay $0x7  }
0x107: {  	s11 =	sor.u32 $0x470, s8;
	[tilespmem:v2+s0+$0x0] =	vst.idx.add.f32.msk $0xffff, v1  }
0x108: {  	v2 =	vld [tilespmem:s11+$0x0];
	_ =	sdelay $0x7  }
0x109: {  	s12 =	sor.u32 $0x1470, s8;
	[tilespmem:v2+s1+$0x0] =	vst.idx.add.f32.msk $0xffff, v1  }
0x10a: {  	v2 =	vld [tilespmem:s12+$0x0];
	_ =	sdelay $0x7  }
0x10b: {  	[tilespmem:v2+s0+$0x0] =	vst.idx.add.f32.msk $0xffff, v1  }
0x10c: {  	v2 =	vld [tilespmem:s8+$0x500];
	_ =	sdelay $0x7  }
0x10d: {  	[tilespmem:v2+s1+$0x0] =	vst.idx.add.f32.msk $0xffff, v1  }
0x10e: {  	v2 =	vld [tilespmem:s8+$0x1500];
	_ =	sdelay $0x7  }
0x10f: {  	s13 =	sor.u32 $0x510, s8;
	[tilespmem:v2+s0+$0x0] =	vst.idx.add.f32.msk $0xffff, v1  }
0x110: {  	v2 =	vld [tilespmem:s13+$0x0];
	_ =	sdelay $0x7  }
0x111: {  	s11 =	sor.u32 $0x1510, s8;
	[tilespmem:v2+s1+$0x0] =	vst.idx.add.f32.msk $0xffff, v1  }
0x112: {  	v2 =	vld [tilespmem:s11+$0x0];
	_ =	sdelay $0x7  }
0x113: {  	s12 =	sor.u32 $0x520, s8;
	[tilespmem:v2+s0+$0x0] =	vst.idx.add.f32.msk $0xffff, v1  }
0x114: {  	v2 =	vld [tilespmem:s12+$0x0];
	_ =	sdelay $0x7  }
0x115: {  	s13 =	sor.u32 $0x1520, s8;
	[tilespmem:v2+s1+$0x0] =	vst.idx.add.f32.msk $0xffff, v1  }
0x116: {  	v2 =	vld [tilespmem:s13+$0x0];
	_ =	sdelay $0x7  }
0x117: {  	s11 =	sor.u32 $0x530, s8;
	[tilespmem:v2+s0+$0x0] =	vst.idx.add.f32.msk $0xffff, v1  }
0x118: {  	v2 =	vld [tilespmem:s11+$0x0];
	_ =	sdelay $0x7  }
0x119: {  	s12 =	sor.u32 $0x1530, s8;
	[tilespmem:v2+s1+$0x0] =	vst.idx.add.f32.msk $0xffff, v1  }
0x11a: {  	v2 =	vld [tilespmem:s12+$0x0];
	_ =	sdelay $0x7  }
0x11b: {  	s13 =	sor.u32 $0x540, s8;
	[tilespmem:v2+s0+$0x0] =	vst.idx.add.f32.msk $0xffff, v1  }
0x11c: {  	v2 =	vld [tilespmem:s13+$0x0];
	_ =	sdelay $0x7  }
0x11d: {  	s11 =	sor.u32 $0x1540, s8;
	[tilespmem:v2+s1+$0x0] =	vst.idx.add.f32.msk $0xffff, v1  }
0x11e: {  	v2 =	vld [tilespmem:s11+$0x0];
	_ =	sdelay $0x7  }
0x11f: {  	s12 =	sor.u32 $0x550, s8;
	[tilespmem:v2+s0+$0x0] =	vst.idx.add.f32.msk $0xffff, v1  }
0x120: {  	v2 =	vld [tilespmem:s12+$0x0];
	_ =	sdelay $0x7  }
0x121: {  	s13 =	sor.u32 $0x1550, s8;
	[tilespmem:v2+s1+$0x0] =	vst.idx.add.f32.msk $0xffff, v1  }
0x122: {  	v2 =	vld [tilespmem:s13+$0x0];
	_ =	sdelay $0x7  }
0x123: {  	s11 =	sor.u32 $0x560, s8;
	[tilespmem:v2+s0+$0x0] =	vst.idx.add.f32.msk $0xffff, v1  }
0x124: {  	v2 =	vld [tilespmem:s11+$0x0];
	_ =	sdelay $0x7  }
0x125: {  	s12 =	sor.u32 $0x1560, s8;
	[tilespmem:v2+s1+$0x0] =	vst.idx.add.f32.msk $0xffff, v1  }
0x126: {  	v2 =	vld [tilespmem:s12+$0x0];
	_ =	sdelay $0x7  }
0x127: {  	s13 =	sor.u32 $0x570, s8;
	[tilespmem:v2+s0+$0x0] =	vst.idx.add.f32.msk $0xffff, v1  }
0x128: {  	v2 =	vld [tilespmem:s13+$0x0];
	_ =	sdelay $0x7  }
0x129: {  	s11 =	sor.u32 $0x1570, s8;
	[tilespmem:v2+s1+$0x0] =	vst.idx.add.f32.msk $0xffff, v1  }
0x12a: {  	v2 =	vld [tilespmem:s11+$0x0];
	_ =	sdelay $0x7  }
0x12b: {  	[tilespmem:v2+s0+$0x0] =	vst.idx.add.f32.msk $0xffff, v1  }
0x12c: {  	v2 =	vld [tilespmem:s8+$0x600];
	_ =	sdelay $0x7  }
0x12d: {  	[tilespmem:v2+s1+$0x0] =	vst.idx.add.f32.msk $0xffff, v1  }
0x12e: {  	v2 =	vld [tilespmem:s8+$0x1600];
	_ =	sdelay $0x7  }
0x12f: {  	s12 =	sor.u32 $0x610, s8;
	[tilespmem:v2+s0+$0x0] =	vst.idx.add.f32.msk $0xffff, v1  }
0x130: {  	v2 =	vld [tilespmem:s12+$0x0];
	_ =	sdelay $0x7  }
0x131: {  	s13 =	sor.u32 $0x1610, s8;
	[tilespmem:v2+s1+$0x0] =	vst.idx.add.f32.msk $0xffff, v1  }
0x132: {  	v2 =	vld [tilespmem:s13+$0x0];
	_ =	sdelay $0x7  }
0x133: {  	s11 =	sor.u32 $0x620, s8;
	[tilespmem:v2+s0+$0x0] =	vst.idx.add.f32.msk $0xffff, v1  }
0x134: {  	v2 =	vld [tilespmem:s11+$0x0];
	_ =	sdelay $0x7  }
0x135: {  	s12 =	sor.u32 $0x1620, s8;
	[tilespmem:v2+s1+$0x0] =	vst.idx.add.f32.msk $0xffff, v1  }
0x136: {  	v2 =	vld [tilespmem:s12+$0x0];
	_ =	sdelay $0x7  }
0x137: {  	s13 =	sor.u32 $0x630, s8;
	[tilespmem:v2+s0+$0x0] =	vst.idx.add.f32.msk $0xffff, v1  }
0x138: {  	v2 =	vld [tilespmem:s13+$0x0];
	_ =	sdelay $0x7  }
0x139: {  	s11 =	sor.u32 $0x1630, s8;
	[tilespmem:v2+s1+$0x0] =	vst.idx.add.f32.msk $0xffff, v1  }
0x13a: {  	v2 =	vld [tilespmem:s11+$0x0];
	_ =	sdelay $0x7  }
0x13b: {  	s12 =	sor.u32 $0x640, s8;
	[tilespmem:v2+s0+$0x0] =	vst.idx.add.f32.msk $0xffff, v1  }
0x13c: {  	v2 =	vld [tilespmem:s12+$0x0];
	_ =	sdelay $0x7  }
0x13d: {  	s13 =	sor.u32 $0x1640, s8;
	[tilespmem:v2+s1+$0x0] =	vst.idx.add.f32.msk $0xffff, v1  }
0x13e: {  	v2 =	vld [tilespmem:s13+$0x0];
	_ =	sdelay $0x7  }
0x13f: {  	s11 =	sor.u32 $0x650, s8;
	[tilespmem:v2+s0+$0x0] =	vst.idx.add.f32.msk $0xffff, v1  }
0x140: {  	v2 =	vld [tilespmem:s11+$0x0];
	_ =	sdelay $0x7  }
0x141: {  	s12 =	sor.u32 $0x1650, s8;
	[tilespmem:v2+s1+$0x0] =	vst.idx.add.f32.msk $0xffff, v1  }
0x142: {  	v2 =	vld [tilespmem:s12+$0x0];
	_ =	sdelay $0x7  }
0x143: {  	s13 =	sor.u32 $0x660, s8;
	[tilespmem:v2+s0+$0x0] =	vst.idx.add.f32.msk $0xffff, v1  }
0x144: {  	v2 =	vld [tilespmem:s13+$0x0];
	_ =	sdelay $0x7  }
0x145: {  	s11 =	sor.u32 $0x1660, s8;
	[tilespmem:v2+s1+$0x0] =	vst.idx.add.f32.msk $0xffff, v1  }
0x146: {  	v2 =	vld [tilespmem:s11+$0x0];
	_ =	sdelay $0x7  }
0x147: {  	s12 =	sor.u32 $0x670, s8;
	[tilespmem:v2+s0+$0x0] =	vst.idx.add.f32.msk $0xffff, v1  }
0x148: {  	v2 =	vld [tilespmem:s12+$0x0];
	_ =	sdelay $0x7  }
0x149: {  	s13 =	sor.u32 $0x1670, s8;
	[tilespmem:v2+s1+$0x0] =	vst.idx.add.f32.msk $0xffff, v1  }
0x14a: {  	v2 =	vld [tilespmem:s13+$0x0];
	_ =	sdelay $0x7  }
0x14b: {  	s11 =	sor.u32 $0x700, s31;
	[tilespmem:v2+s0+$0x0] =	vst.idx.add.f32.msk $0xffff, v1  }
0x14c: {  	v2 =	vld [tilespmem:s11+$0x0];
	_ =	sdelay $0x7  }
0x14d: {  	[tilespmem:v2+s1+$0x0] =	vst.idx.add.f32.msk $0xffff, v1  }
0x14e: {  	v2 =	vld [tilespmem:s11+$0x1000];
	_ =	sdelay $0x7  }
0x14f: {  	s12 =	sor.u32 $0x710, s31;
	[tilespmem:v2+s0+$0x0] =	vst.idx.add.f32.msk $0xffff, v1  }
0x150: {  	v2 =	vld [tilespmem:s12+$0x0];
	_ =	sdelay $0x7  }
0x151: {  	[tilespmem:v2+s1+$0x0] =	vst.idx.add.f32.msk $0xffff, v1  }
0x152: {  	v2 =	vld [tilespmem:s12+$0x1000];
	_ =	sdelay $0x7  }
0x153: {  	s13 =	sor.u32 $0x720, s31;
	[tilespmem:v2+s0+$0x0] =	vst.idx.add.f32.msk $0xffff, v1  }
0x154: {  	v2 =	vld [tilespmem:s13+$0x0];
	_ =	sdelay $0x7  }
0x155: {  	[tilespmem:v2+s1+$0x0] =	vst.idx.add.f32.msk $0xffff, v1  }
0x156: {  	v2 =	vld [tilespmem:s13+$0x1000];
	_ =	sdelay $0x7  }
0x157: {  	s11 =	sor.u32 $0x730, s31;
	[tilespmem:v2+s0+$0x0] =	vst.idx.add.f32.msk $0xffff, v1  }
0x158: {  	v2 =	vld [tilespmem:s11+$0x0];
	_ =	sdelay $0x7  }
0x159: {  	[tilespmem:v2+s1+$0x0] =	vst.idx.add.f32.msk $0xffff, v1  }
0x15a: {  	v2 =	vld [tilespmem:s11+$0x1000];
	_ =	sdelay $0x7  }
0x15b: {  	s12 =	sor.u32 $0x740, s31;
	[tilespmem:v2+s0+$0x0] =	vst.idx.add.f32.msk $0xffff, v1  }
0x15c: {  	v2 =	vld [tilespmem:s12+$0x0];
	_ =	sdelay $0x7  }
0x15d: {  	[tilespmem:v2+s1+$0x0] =	vst.idx.add.f32.msk $0xffff, v1  }
0x15e: {  	v2 =	vld [tilespmem:s12+$0x1000];
	_ =	sdelay $0x7  }
0x15f: {  	s13 =	sor.u32 $0x750, s31;
	[tilespmem:v2+s0+$0x0] =	vst.idx.add.f32.msk $0xffff, v1  }
0x160: {  	v2 =	vld [tilespmem:s13+$0x0];
	_ =	sdelay $0x7  }
0x161: {  	[tilespmem:v2+s1+$0x0] =	vst.idx.add.f32.msk $0xffff, v1  }
0x162: {  	v2 =	vld [tilespmem:s13+$0x1000];
	_ =	sdelay $0x7  }
0x163: {  	s11 =	sor.u32 $0x760, s31;
	[tilespmem:v2+s0+$0x0] =	vst.idx.add.f32.msk $0xffff, v1  }
0x164: {  	v2 =	vld [tilespmem:s11+$0x0];
	_ =	sdelay $0x7  }
0x165: {  	[tilespmem:v2+s1+$0x0] =	vst.idx.add.f32.msk $0xffff, v1  }
0x166: {  	v2 =	vld [tilespmem:s11+$0x1000];
	_ =	sdelay $0x7  }
0x167: {  	s12 =	sor.u32 $0x770, s31;
	[tilespmem:v2+s0+$0x0] =	vst.idx.add.f32.msk $0xffff, v1  }
0x168: {  	v2 =	vld [tilespmem:s12+$0x0];
	_ =	sdelay $0x7  }
0x169: {  	[tilespmem:v2+s1+$0x0] =	vst.idx.add.f32.msk $0xffff, v1  }
0x16a: {  	v2 =	vld [tilespmem:s12+$0x1000];
	_ =	sdelay $0x7  }
0x16b: {  	[tilespmem:v2+s0+$0x0] =	vst.idx.add.f32.msk $0xffff, v1  }
0x16c: {  	v2 =	vld [tilespmem:s8+$0x800];
	_ =	sdelay $0x7  }
0x16d: {  	[tilespmem:v2+s1+$0x0] =	vst.idx.add.f32.msk $0xffff, v1  }
0x16e: {  	v2 =	vld [tilespmem:s8+$0x1800];
	_ =	sdelay $0x7  }
0x16f: {  	s13 =	sor.u32 $0x810, s8;
	[tilespmem:v2+s0+$0x0] =	vst.idx.add.f32.msk $0xffff, v1  }
0x170: {  	v2 =	vld [tilespmem:s13+$0x0];
	_ =	sdelay $0x7  }
0x171: {  	s11 =	sor.u32 $0x1810, s8;
	[tilespmem:v2+s1+$0x0] =	vst.idx.add.f32.msk $0xffff, v1  }
0x172: {  	v2 =	vld [tilespmem:s11+$0x0];
	_ =	sdelay $0x7  }
0x173: {  	s12 =	sor.u32 $0x820, s8;
	[tilespmem:v2+s0+$0x0] =	vst.idx.add.f32.msk $0xffff, v1  }
0x174: {  	v2 =	vld [tilespmem:s12+$0x0];
	_ =	sdelay $0x7  }
0x175: {  	s13 =	sor.u32 $0x1820, s8;
	[tilespmem:v2+s1+$0x0] =	vst.idx.add.f32.msk $0xffff, v1  }
0x176: {  	v2 =	vld [tilespmem:s13+$0x0];
	_ =	sdelay $0x7  }
0x177: {  	s11 =	sor.u32 $0x830, s8;
	[tilespmem:v2+s0+$0x0] =	vst.idx.add.f32.msk $0xffff, v1  }
0x178: {  	v2 =	vld [tilespmem:s11+$0x0];
	_ =	sdelay $0x7  }
0x179: {  	s12 =	sor.u32 $0x1830, s8;
	[tilespmem:v2+s1+$0x0] =	vst.idx.add.f32.msk $0xffff, v1  }
0x17a: {  	v2 =	vld [tilespmem:s12+$0x0];
	_ =	sdelay $0x7  }
0x17b: {  	s13 =	sor.u32 $0x840, s8;
	[tilespmem:v2+s0+$0x0] =	vst.idx.add.f32.msk $0xffff, v1  }
0x17c: {  	v2 =	vld [tilespmem:s13+$0x0];
	_ =	sdelay $0x7  }
0x17d: {  	s11 =	sor.u32 $0x1840, s8;
	[tilespmem:v2+s1+$0x0] =	vst.idx.add.f32.msk $0xffff, v1  }
0x17e: {  	v2 =	vld [tilespmem:s11+$0x0];
	_ =	sdelay $0x7  }
0x17f: {  	s12 =	sor.u32 $0x850, s8;
	[tilespmem:v2+s0+$0x0] =	vst.idx.add.f32.msk $0xffff, v1  }
0x180: {  	v2 =	vld [tilespmem:s12+$0x0];
	_ =	sdelay $0x7  }
0x181: {  	s13 =	sor.u32 $0x1850, s8;
	[tilespmem:v2+s1+$0x0] =	vst.idx.add.f32.msk $0xffff, v1  }
0x182: {  	v2 =	vld [tilespmem:s13+$0x0];
	_ =	sdelay $0x7  }
0x183: {  	s11 =	sor.u32 $0x860, s8;
	[tilespmem:v2+s0+$0x0] =	vst.idx.add.f32.msk $0xffff, v1  }
0x184: {  	v2 =	vld [tilespmem:s11+$0x0];
	_ =	sdelay $0x7  }
0x185: {  	s12 =	sor.u32 $0x1860, s8;
	[tilespmem:v2+s1+$0x0] =	vst.idx.add.f32.msk $0xffff, v1  }
0x186: {  	v2 =	vld [tilespmem:s12+$0x0];
	_ =	sdelay $0x7  }
0x187: {  	s13 =	sor.u32 $0x870, s8;
	[tilespmem:v2+s0+$0x0] =	vst.idx.add.f32.msk $0xffff, v1  }
0x188: {  	v2 =	vld [tilespmem:s13+$0x0];
	_ =	sdelay $0x7  }
0x189: {  	s11 =	sor.u32 $0x1870, s8;
	[tilespmem:v2+s1+$0x0] =	vst.idx.add.f32.msk $0xffff, v1  }
0x18a: {  	v2 =	vld [tilespmem:s11+$0x0];
	_ =	sdelay $0x7  }
0x18b: {  	[tilespmem:v2+s0+$0x0] =	vst.idx.add.f32.msk $0xffff, v1  }
0x18c: {  	v2 =	vld [tilespmem:s8+$0x900];
	_ =	sdelay $0x7  }
0x18d: {  	[tilespmem:v2+s1+$0x0] =	vst.idx.add.f32.msk $0xffff, v1  }
0x18e: {  	v2 =	vld [tilespmem:s8+$0x1900];
	_ =	sdelay $0x7  }
0x18f: {  	s12 =	sor.u32 $0x910, s8;
	[tilespmem:v2+s0+$0x0] =	vst.idx.add.f32.msk $0xffff, v1  }
0x190: {  	v2 =	vld [tilespmem:s12+$0x0];
	_ =	sdelay $0x7  }
0x191: {  	s13 =	sor.u32 $0x1910, s8;
	[tilespmem:v2+s1+$0x0] =	vst.idx.add.f32.msk $0xffff, v1  }
0x192: {  	v2 =	vld [tilespmem:s13+$0x0];
	_ =	sdelay $0x7  }
0x193: {  	s11 =	sor.u32 $0x920, s8;
	[tilespmem:v2+s0+$0x0] =	vst.idx.add.f32.msk $0xffff, v1  }
0x194: {  	v2 =	vld [tilespmem:s11+$0x0];
	_ =	sdelay $0x7  }
0x195: {  	s12 =	sor.u32 $0x1920, s8;
	[tilespmem:v2+s1+$0x0] =	vst.idx.add.f32.msk $0xffff, v1  }
0x196: {  	v2 =	vld [tilespmem:s12+$0x0];
	_ =	sdelay $0x7  }
0x197: {  	s13 =	sor.u32 $0x930, s8;
	[tilespmem:v2+s0+$0x0] =	vst.idx.add.f32.msk $0xffff, v1  }
0x198: {  	v2 =	vld [tilespmem:s13+$0x0];
	_ =	sdelay $0x7  }
0x199: {  	s11 =	sor.u32 $0x1930, s8;
	[tilespmem:v2+s1+$0x0] =	vst.idx.add.f32.msk $0xffff, v1  }
0x19a: {  	v2 =	vld [tilespmem:s11+$0x0];
	_ =	sdelay $0x7  }
0x19b: {  	s12 =	sor.u32 $0x940, s8;
	[tilespmem:v2+s0+$0x0] =	vst.idx.add.f32.msk $0xffff, v1  }
0x19c: {  	v2 =	vld [tilespmem:s12+$0x0];
	_ =	sdelay $0x7  }
0x19d: {  	s13 =	sor.u32 $0x1940, s8;
	[tilespmem:v2+s1+$0x0] =	vst.idx.add.f32.msk $0xffff, v1  }
0x19e: {  	v2 =	vld [tilespmem:s13+$0x0];
	_ =	sdelay $0x7  }
0x19f: {  	s11 =	sor.u32 $0x950, s8;
	[tilespmem:v2+s0+$0x0] =	vst.idx.add.f32.msk $0xffff, v1  }
0x1a0: {  	v2 =	vld [tilespmem:s11+$0x0];
	_ =	sdelay $0x7  }
0x1a1: {  	s12 =	sor.u32 $0x1950, s8;
	[tilespmem:v2+s1+$0x0] =	vst.idx.add.f32.msk $0xffff, v1  }
0x1a2: {  	v2 =	vld [tilespmem:s12+$0x0];
	_ =	sdelay $0x7  }
0x1a3: {  	s13 =	sor.u32 $0x960, s8;
	[tilespmem:v2+s0+$0x0] =	vst.idx.add.f32.msk $0xffff, v1  }
0x1a4: {  	v2 =	vld [tilespmem:s13+$0x0];
	_ =	sdelay $0x7  }
0x1a5: {  	s11 =	sor.u32 $0x1960, s8;
	[tilespmem:v2+s1+$0x0] =	vst.idx.add.f32.msk $0xffff, v1  }
0x1a6: {  	v2 =	vld [tilespmem:s11+$0x0];
	_ =	sdelay $0x7  }
0x1a7: {  	s12 =	sor.u32 $0x970, s8;
	[tilespmem:v2+s0+$0x0] =	vst.idx.add.f32.msk $0xffff, v1  }
0x1a8: {  	v2 =	vld [tilespmem:s12+$0x0];
	_ =	sdelay $0x7  }
0x1a9: {  	s13 =	sor.u32 $0x1970, s8;
	[tilespmem:v2+s1+$0x0] =	vst.idx.add.f32.msk $0xffff, v1  }
0x1aa: {  	v2 =	vld [tilespmem:s13+$0x0];
	_ =	sdelay $0x7  }
0x1ab: {  	[tilespmem:v2+s0+$0x0] =	vst.idx.add.f32.msk $0xffff, v1  }
0x1ac: {  	v2 =	vld [tilespmem:s8+$0xA00];
	_ =	sdelay $0x7  }
0x1ad: {  	[tilespmem:v2+s1+$0x0] =	vst.idx.add.f32.msk $0xffff, v1  }
0x1ae: {  	v2 =	vld [tilespmem:s8+$0x1A00];
	_ =	sdelay $0x7  }
0x1af: {  	s11 =	sor.u32 $0xA10, s8;
	[tilespmem:v2+s0+$0x0] =	vst.idx.add.f32.msk $0xffff, v1  }
0x1b0: {  	v2 =	vld [tilespmem:s11+$0x0];
	_ =	sdelay $0x7  }
0x1b1: {  	s12 =	sor.u32 $0x1A10, s8;
	[tilespmem:v2+s1+$0x0] =	vst.idx.add.f32.msk $0xffff, v1  }
0x1b2: {  	v2 =	vld [tilespmem:s12+$0x0];
	_ =	sdelay $0x7  }
0x1b3: {  	s13 =	sor.u32 $0xA20, s8;
	[tilespmem:v2+s0+$0x0] =	vst.idx.add.f32.msk $0xffff, v1  }
0x1b4: {  	v2 =	vld [tilespmem:s13+$0x0];
	_ =	sdelay $0x7  }
0x1b5: {  	s11 =	sor.u32 $0x1A20, s8;
	[tilespmem:v2+s1+$0x0] =	vst.idx.add.f32.msk $0xffff, v1  }
0x1b6: {  	v2 =	vld [tilespmem:s11+$0x0];
	_ =	sdelay $0x7  }
0x1b7: {  	s12 =	sor.u32 $0xA30, s8;
	[tilespmem:v2+s0+$0x0] =	vst.idx.add.f32.msk $0xffff, v1  }
0x1b8: {  	v2 =	vld [tilespmem:s12+$0x0];
	_ =	sdelay $0x7  }
0x1b9: {  	s13 =	sor.u32 $0x1A30, s8;
	[tilespmem:v2+s1+$0x0] =	vst.idx.add.f32.msk $0xffff, v1  }
0x1ba: {  	v2 =	vld [tilespmem:s13+$0x0];
	_ =	sdelay $0x7  }
0x1bb: {  	s11 =	sor.u32 $0xA40, s8;
	[tilespmem:v2+s0+$0x0] =	vst.idx.add.f32.msk $0xffff, v1  }
0x1bc: {  	v2 =	vld [tilespmem:s11+$0x0];
	_ =	sdelay $0x7  }
0x1bd: {  	s12 =	sor.u32 $0x1A40, s8;
	[tilespmem:v2+s1+$0x0] =	vst.idx.add.f32.msk $0xffff, v1  }
0x1be: {  	v2 =	vld [tilespmem:s12+$0x0];
	_ =	sdelay $0x7  }
0x1bf: {  	s13 =	sor.u32 $0xA50, s8;
	[tilespmem:v2+s0+$0x0] =	vst.idx.add.f32.msk $0xffff, v1  }
0x1c0: {  	v2 =	vld [tilespmem:s13+$0x0];
	_ =	sdelay $0x7  }
0x1c1: {  	s11 =	sor.u32 $0x1A50, s8;
	[tilespmem:v2+s1+$0x0] =	vst.idx.add.f32.msk $0xffff, v1  }
0x1c2: {  	v2 =	vld [tilespmem:s11+$0x0];
	_ =	sdelay $0x7  }
0x1c3: {  	s12 =	sor.u32 $0xA60, s8;
	[tilespmem:v2+s0+$0x0] =	vst.idx.add.f32.msk $0xffff, v1  }
0x1c4: {  	v2 =	vld [tilespmem:s12+$0x0];
	_ =	sdelay $0x7  }
0x1c5: {  	s13 =	sor.u32 $0x1A60, s8;
	[tilespmem:v2+s1+$0x0] =	vst.idx.add.f32.msk $0xffff, v1  }
0x1c6: {  	v2 =	vld [tilespmem:s13+$0x0];
	_ =	sdelay $0x7  }
0x1c7: {  	s11 =	sor.u32 $0xA70, s8;
	[tilespmem:v2+s0+$0x0] =	vst.idx.add.f32.msk $0xffff, v1  }
0x1c8: {  	v2 =	vld [tilespmem:s11+$0x0];
	_ =	sdelay $0x7  }
0x1c9: {  	s12 =	sor.u32 $0x1A70, s8;
	[tilespmem:v2+s1+$0x0] =	vst.idx.add.f32.msk $0xffff, v1  }
0x1ca: {  	v2 =	vld [tilespmem:s12+$0x0];
	_ =	sdelay $0x7  }
0x1cb: {  	s13 =	sor.u32 $0xB00, s31;
	[tilespmem:v2+s0+$0x0] =	vst.idx.add.f32.msk $0xffff, v1  }
0x1cc: {  	v2 =	vld [tilespmem:s13+$0x0];
	_ =	sdelay $0x7  }
0x1cd: {  	[tilespmem:v2+s1+$0x0] =	vst.idx.add.f32.msk $0xffff, v1  }
0x1ce: {  	v2 =	vld [tilespmem:s13+$0x1000];
	_ =	sdelay $0x7  }
0x1cf: {  	s11 =	sor.u32 $0xB10, s31;
	[tilespmem:v2+s0+$0x0] =	vst.idx.add.f32.msk $0xffff, v1  }
0x1d0: {  	v2 =	vld [tilespmem:s11+$0x0];
	_ =	sdelay $0x7  }
0x1d1: {  	[tilespmem:v2+s1+$0x0] =	vst.idx.add.f32.msk $0xffff, v1  }
0x1d2: {  	v2 =	vld [tilespmem:s11+$0x1000];
	_ =	sdelay $0x7  }
0x1d3: {  	s12 =	sor.u32 $0xB20, s31;
	[tilespmem:v2+s0+$0x0] =	vst.idx.add.f32.msk $0xffff, v1  }
0x1d4: {  	v2 =	vld [tilespmem:s12+$0x0];
	_ =	sdelay $0x7  }
0x1d5: {  	[tilespmem:v2+s1+$0x0] =	vst.idx.add.f32.msk $0xffff, v1  }
0x1d6: {  	v2 =	vld [tilespmem:s12+$0x1000];
	_ =	sdelay $0x7  }
0x1d7: {  	s13 =	sor.u32 $0xB30, s31;
	[tilespmem:v2+s0+$0x0] =	vst.idx.add.f32.msk $0xffff, v1  }
0x1d8: {  	v2 =	vld [tilespmem:s13+$0x0];
	_ =	sdelay $0x7  }
0x1d9: {  	[tilespmem:v2+s1+$0x0] =	vst.idx.add.f32.msk $0xffff, v1  }
0x1da: {  	v2 =	vld [tilespmem:s13+$0x1000];
	_ =	sdelay $0x7  }
0x1db: {  	s11 =	sor.u32 $0xB40, s31;
	[tilespmem:v2+s0+$0x0] =	vst.idx.add.f32.msk $0xffff, v1  }
0x1dc: {  	v2 =	vld [tilespmem:s11+$0x0];
	_ =	sdelay $0x7  }
0x1dd: {  	[tilespmem:v2+s1+$0x0] =	vst.idx.add.f32.msk $0xffff, v1  }
0x1de: {  	v2 =	vld [tilespmem:s11+$0x1000];
	_ =	sdelay $0x7  }
0x1df: {  	s12 =	sor.u32 $0xB50, s31;
	[tilespmem:v2+s0+$0x0] =	vst.idx.add.f32.msk $0xffff, v1  }
0x1e0: {  	v2 =	vld [tilespmem:s12+$0x0];
	_ =	sdelay $0x7  }
0x1e1: {  	[tilespmem:v2+s1+$0x0] =	vst.idx.add.f32.msk $0xffff, v1  }
0x1e2: {  	v2 =	vld [tilespmem:s12+$0x1000];
	_ =	sdelay $0x7  }
0x1e3: {  	s13 =	sor.u32 $0xB60, s31;
	[tilespmem:v2+s0+$0x0] =	vst.idx.add.f32.msk $0xffff, v1  }
0x1e4: {  	v2 =	vld [tilespmem:s13+$0x0];
	_ =	sdelay $0x7  }
0x1e5: {  	[tilespmem:v2+s1+$0x0] =	vst.idx.add.f32.msk $0xffff, v1  }
0x1e6: {  	v2 =	vld [tilespmem:s13+$0x1000];
	_ =	sdelay $0x7  }
0x1e7: {  	s11 =	sor.u32 $0xB70, s31;
	[tilespmem:v2+s0+$0x0] =	vst.idx.add.f32.msk $0xffff, v1  }
0x1e8: {  	v2 =	vld [tilespmem:s11+$0x0];
	_ =	sdelay $0x7  }
0x1e9: {  	[tilespmem:v2+s1+$0x0] =	vst.idx.add.f32.msk $0xffff, v1  }
0x1ea: {  	v2 =	vld [tilespmem:s11+$0x1000];
	_ =	sdelay $0x7  }
0x1eb: {  	[tilespmem:v2+s0+$0x0] =	vst.idx.add.f32.msk $0xffff, v1  }
0x1ec: {  	v2 =	vld [tilespmem:s8+$0xC00];
	_ =	sdelay $0x7  }
0x1ed: {  	[tilespmem:v2+s1+$0x0] =	vst.idx.add.f32.msk $0xffff, v1  }
0x1ee: {  	v2 =	vld [tilespmem:s8+$0x1C00];
	_ =	sdelay $0x7  }
0x1ef: {  	s12 =	sor.u32 $0xC10, s8;
	[tilespmem:v2+s0+$0x0] =	vst.idx.add.f32.msk $0xffff, v1  }
0x1f0: {  	v2 =	vld [tilespmem:s12+$0x0];
	_ =	sdelay $0x7  }
0x1f1: {  	s13 =	sor.u32 $0x1C10, s8;
	[tilespmem:v2+s1+$0x0] =	vst.idx.add.f32.msk $0xffff, v1  }
0x1f2: {  	v2 =	vld [tilespmem:s13+$0x0];
	_ =	sdelay $0x7  }
0x1f3: {  	s11 =	sor.u32 $0xC20, s8;
	[tilespmem:v2+s0+$0x0] =	vst.idx.add.f32.msk $0xffff, v1  }
0x1f4: {  	v2 =	vld [tilespmem:s11+$0x0];
	_ =	sdelay $0x7  }
0x1f5: {  	s12 =	sor.u32 $0x1C20, s8;
	[tilespmem:v2+s1+$0x0] =	vst.idx.add.f32.msk $0xffff, v1  }
0x1f6: {  	v2 =	vld [tilespmem:s12+$0x0];
	_ =	sdelay $0x7  }
0x1f7: {  	s13 =	sor.u32 $0xC30, s8;
	[tilespmem:v2+s0+$0x0] =	vst.idx.add.f32.msk $0xffff, v1  }
0x1f8: {  	v2 =	vld [tilespmem:s13+$0x0];
	_ =	sdelay $0x7  }
0x1f9: {  	s11 =	sor.u32 $0x1C30, s8;
	[tilespmem:v2+s1+$0x0] =	vst.idx.add.f32.msk $0xffff, v1  }
0x1fa: {  	v2 =	vld [tilespmem:s11+$0x0];
	_ =	sdelay $0x7  }
0x1fb: {  	s12 =	sor.u32 $0xC40, s8;
	[tilespmem:v2+s0+$0x0] =	vst.idx.add.f32.msk $0xffff, v1  }
0x1fc: {  	v2 =	vld [tilespmem:s12+$0x0];
	_ =	sdelay $0x7  }
0x1fd: {  	s13 =	sor.u32 $0x1C40, s8;
	[tilespmem:v2+s1+$0x0] =	vst.idx.add.f32.msk $0xffff, v1  }
0x1fe: {  	v2 =	vld [tilespmem:s13+$0x0];
	_ =	sdelay $0x7  }
0x1ff: {  	s11 =	sor.u32 $0xC50, s8;
	[tilespmem:v2+s0+$0x0] =	vst.idx.add.f32.msk $0xffff, v1  }
0x200: {  	v2 =	vld [tilespmem:s11+$0x0];
	_ =	sdelay $0x7  }
0x201: {  	s12 =	sor.u32 $0x1C50, s8;
	[tilespmem:v2+s1+$0x0] =	vst.idx.add.f32.msk $0xffff, v1  }
0x202: {  	v2 =	vld [tilespmem:s12+$0x0];
	_ =	sdelay $0x7  }
0x203: {  	s13 =	sor.u32 $0xC60, s8;
	[tilespmem:v2+s0+$0x0] =	vst.idx.add.f32.msk $0xffff, v1  }
0x204: {  	v2 =	vld [tilespmem:s13+$0x0];
	_ =	sdelay $0x7  }
0x205: {  	s11 =	sor.u32 $0x1C60, s8;
	[tilespmem:v2+s1+$0x0] =	vst.idx.add.f32.msk $0xffff, v1  }
0x206: {  	v2 =	vld [tilespmem:s11+$0x0];
	_ =	sdelay $0x7  }
0x207: {  	s12 =	sor.u32 $0xC70, s8;
	[tilespmem:v2+s0+$0x0] =	vst.idx.add.f32.msk $0xffff, v1  }
0x208: {  	v2 =	vld [tilespmem:s12+$0x0];
	_ =	sdelay $0x7  }
0x209: {  	s13 =	sor.u32 $0x1C70, s8;
	[tilespmem:v2+s1+$0x0] =	vst.idx.add.f32.msk $0xffff, v1  }
0x20a: {  	v2 =	vld [tilespmem:s13+$0x0];
	_ =	sdelay $0x7  }
0x20b: {  	[tilespmem:v2+s0+$0x0] =	vst.idx.add.f32.msk $0xffff, v1  }
0x20c: {  	v2 =	vld [tilespmem:s8+$0xD00];
	_ =	sdelay $0x7  }
0x20d: {  	[tilespmem:v2+s1+$0x0] =	vst.idx.add.f32.msk $0xffff, v1  }
0x20e: {  	v2 =	vld [tilespmem:s8+$0x1D00];
	_ =	sdelay $0x7  }
0x20f: {  	s11 =	sor.u32 $0xD10, s8;
	[tilespmem:v2+s0+$0x0] =	vst.idx.add.f32.msk $0xffff, v1  }
0x210: {  	v2 =	vld [tilespmem:s11+$0x0];
	_ =	sdelay $0x7  }
0x211: {  	s12 =	sor.u32 $0x1D10, s8;
	[tilespmem:v2+s1+$0x0] =	vst.idx.add.f32.msk $0xffff, v1  }
0x212: {  	v2 =	vld [tilespmem:s12+$0x0];
	_ =	sdelay $0x7  }
0x213: {  	s13 =	sor.u32 $0xD20, s8;
	[tilespmem:v2+s0+$0x0] =	vst.idx.add.f32.msk $0xffff, v1  }
0x214: {  	v2 =	vld [tilespmem:s13+$0x0];
	_ =	sdelay $0x7  }
0x215: {  	s11 =	sor.u32 $0x1D20, s8;
	[tilespmem:v2+s1+$0x0] =	vst.idx.add.f32.msk $0xffff, v1  }
0x216: {  	v2 =	vld [tilespmem:s11+$0x0];
	_ =	sdelay $0x7  }
0x217: {  	s12 =	sor.u32 $0xD30, s8;
	[tilespmem:v2+s0+$0x0] =	vst.idx.add.f32.msk $0xffff, v1  }
0x218: {  	v2 =	vld [tilespmem:s12+$0x0];
	_ =	sdelay $0x7  }
0x219: {  	s13 =	sor.u32 $0x1D30, s8;
	[tilespmem:v2+s1+$0x0] =	vst.idx.add.f32.msk $0xffff, v1  }
0x21a: {  	v2 =	vld [tilespmem:s13+$0x0];
	_ =	sdelay $0x7  }
0x21b: {  	s11 =	sor.u32 $0xD40, s8;
	[tilespmem:v2+s0+$0x0] =	vst.idx.add.f32.msk $0xffff, v1  }
0x21c: {  	v2 =	vld [tilespmem:s11+$0x0];
	_ =	sdelay $0x7  }
0x21d: {  	s12 =	sor.u32 $0x1D40, s8;
	[tilespmem:v2+s1+$0x0] =	vst.idx.add.f32.msk $0xffff, v1  }
0x21e: {  	v2 =	vld [tilespmem:s12+$0x0];
	_ =	sdelay $0x7  }
0x21f: {  	s13 =	sor.u32 $0xD50, s8;
	[tilespmem:v2+s0+$0x0] =	vst.idx.add.f32.msk $0xffff, v1  }
0x220: {  	v2 =	vld [tilespmem:s13+$0x0];
	_ =	sdelay $0x7  }
0x221: {  	s11 =	sor.u32 $0x1D50, s8;
	[tilespmem:v2+s1+$0x0] =	vst.idx.add.f32.msk $0xffff, v1  }
0x222: {  	v2 =	vld [tilespmem:s11+$0x0];
	_ =	sdelay $0x7  }
0x223: {  	s12 =	sor.u32 $0xD60, s8;
	[tilespmem:v2+s0+$0x0] =	vst.idx.add.f32.msk $0xffff, v1  }
0x224: {  	v2 =	vld [tilespmem:s12+$0x0];
	_ =	sdelay $0x7  }
0x225: {  	s13 =	sor.u32 $0x1D60, s8;
	[tilespmem:v2+s1+$0x0] =	vst.idx.add.f32.msk $0xffff, v1  }
0x226: {  	v2 =	vld [tilespmem:s13+$0x0];
	_ =	sdelay $0x7  }
0x227: {  	s11 =	sor.u32 $0xD70, s8;
	[tilespmem:v2+s0+$0x0] =	vst.idx.add.f32.msk $0xffff, v1  }
0x228: {  	v2 =	vld [tilespmem:s11+$0x0];
	_ =	sdelay $0x7  }
0x229: {  	s12 =	sor.u32 $0x1D70, s8;
	[tilespmem:v2+s1+$0x0] =	vst.idx.add.f32.msk $0xffff, v1  }
0x22a: {  	v2 =	vld [tilespmem:s12+$0x0];
	_ =	sdelay $0x7  }
0x22b: {  	[tilespmem:v2+s0+$0x0] =	vst.idx.add.f32.msk $0xffff, v1  }
0x22c: {  	v2 =	vld [tilespmem:s8+$0xE00];
	_ =	sdelay $0x7  }
0x22d: {  	[tilespmem:v2+s1+$0x0] =	vst.idx.add.f32.msk $0xffff, v1  }
0x22e: {  	v2 =	vld [tilespmem:s8+$0x1E00];
	_ =	sdelay $0x7  }
0x22f: {  	s13 =	sor.u32 $0xE10, s8;
	[tilespmem:v2+s0+$0x0] =	vst.idx.add.f32.msk $0xffff, v1  }
0x230: {  	v2 =	vld [tilespmem:s13+$0x0];
	_ =	sdelay $0x7  }
0x231: {  	s11 =	sor.u32 $0x1E10, s8;
	[tilespmem:v2+s1+$0x0] =	vst.idx.add.f32.msk $0xffff, v1  }
0x232: {  	v2 =	vld [tilespmem:s11+$0x0];
	_ =	sdelay $0x7  }
0x233: {  	s12 =	sor.u32 $0xE20, s8;
	[tilespmem:v2+s0+$0x0] =	vst.idx.add.f32.msk $0xffff, v1  }
0x234: {  	v2 =	vld [tilespmem:s12+$0x0];
	_ =	sdelay $0x7  }
0x235: {  	s13 =	sor.u32 $0x1E20, s8;
	[tilespmem:v2+s1+$0x0] =	vst.idx.add.f32.msk $0xffff, v1  }
0x236: {  	v2 =	vld [tilespmem:s13+$0x0];
	_ =	sdelay $0x7  }
0x237: {  	s11 =	sor.u32 $0xE30, s8;
	[tilespmem:v2+s0+$0x0] =	vst.idx.add.f32.msk $0xffff, v1  }
0x238: {  	v2 =	vld [tilespmem:s11+$0x0];
	_ =	sdelay $0x7  }
0x239: {  	s12 =	sor.u32 $0x1E30, s8;
	[tilespmem:v2+s1+$0x0] =	vst.idx.add.f32.msk $0xffff, v1  }
0x23a: {  	v2 =	vld [tilespmem:s12+$0x0];
	_ =	sdelay $0x7  }
0x23b: {  	s13 =	sor.u32 $0xE40, s8;
	[tilespmem:v2+s0+$0x0] =	vst.idx.add.f32.msk $0xffff, v1  }
0x23c: {  	v2 =	vld [tilespmem:s13+$0x0];
	_ =	sdelay $0x7  }
0x23d: {  	s11 =	sor.u32 $0x1E40, s8;
	[tilespmem:v2+s1+$0x0] =	vst.idx.add.f32.msk $0xffff, v1  }
0x23e: {  	v2 =	vld [tilespmem:s11+$0x0];
	_ =	sdelay $0x7  }
0x23f: {  	s12 =	sor.u32 $0xE50, s8;
	[tilespmem:v2+s0+$0x0] =	vst.idx.add.f32.msk $0xffff, v1  }
0x240: {  	v2 =	vld [tilespmem:s12+$0x0];
	_ =	sdelay $0x7  }
0x241: {  	s13 =	sor.u32 $0x1E50, s8;
	[tilespmem:v2+s1+$0x0] =	vst.idx.add.f32.msk $0xffff, v1  }
0x242: {  	v2 =	vld [tilespmem:s13+$0x0];
	_ =	sdelay $0x7  }
0x243: {  	s11 =	sor.u32 $0xE60, s8;
	[tilespmem:v2+s0+$0x0] =	vst.idx.add.f32.msk $0xffff, v1  }
0x244: {  	v2 =	vld [tilespmem:s11+$0x0];
	_ =	sdelay $0x7  }
0x245: {  	s12 =	sor.u32 $0x1E60, s8;
	[tilespmem:v2+s1+$0x0] =	vst.idx.add.f32.msk $0xffff, v1  }
0x246: {  	v2 =	vld [tilespmem:s12+$0x0];
	_ =	sdelay $0x7  }
0x247: {  	s13 =	sor.u32 $0xE70, s8;
	[tilespmem:v2+s0+$0x0] =	vst.idx.add.f32.msk $0xffff, v1  }
0x248: {  	v2 =	vld [tilespmem:s13+$0x0];
	_ =	sdelay $0x7  }
0x249: {  	s10 =	sor.u32 $0x1E70, s8;
	[tilespmem:v2+s1+$0x0] =	vst.idx.add.f32.msk $0xffff, v1  }
0x24a: {  	v2 =	vld [tilespmem:s10+$0x0];
	_ =	sdelay $0x7  }
0x24b: {  	s11 =	sor.u32 $0xF00, s31;
	[tilespmem:v2+s0+$0x0] =	vst.idx.add.f32.msk $0xffff, v1  }
0x24c: {  	v2 =	vld [tilespmem:s11+$0x0];
	_ =	sdelay $0x7  }
0x24d: {  	[tilespmem:v2+s1+$0x0] =	vst.idx.add.f32.msk $0xffff, v1  }
0x24e: {  	v2 =	vld [tilespmem:s11+$0x1000];
	_ =	sdelay $0x7  }
0x24f: {  	s12 =	sor.u32 $0xF10, s31;
	[tilespmem:v2+s0+$0x0] =	vst.idx.add.f32.msk $0xffff, v1  }
0x250: {  	v2 =	vld [tilespmem:s12+$0x0];
	_ =	sdelay $0x7  }
0x251: {  	[tilespmem:v2+s1+$0x0] =	vst.idx.add.f32.msk $0xffff, v1  }
0x252: {  	v2 =	vld [tilespmem:s12+$0x1000];
	_ =	sdelay $0x7  }
0x253: {  	s13 =	sor.u32 $0xF20, s31;
	[tilespmem:v2+s0+$0x0] =	vst.idx.add.f32.msk $0xffff, v1  }
0x254: {  	v2 =	vld [tilespmem:s13+$0x0];
	_ =	sdelay $0x7  }
0x255: {  	[tilespmem:v2+s1+$0x0] =	vst.idx.add.f32.msk $0xffff, v1  }
0x256: {  	v2 =	vld [tilespmem:s13+$0x1000];
	_ =	sdelay $0x7  }
0x257: {  	s10 =	sor.u32 $0xF30, s31;
	[tilespmem:v2+s0+$0x0] =	vst.idx.add.f32.msk $0xffff, v1  }
0x258: {  	v2 =	vld [tilespmem:s10+$0x0];
	_ =	sdelay $0x7  }
0x259: {  	[tilespmem:v2+s1+$0x0] =	vst.idx.add.f32.msk $0xffff, v1  }
0x25a: {  	v2 =	vld [tilespmem:s10+$0x1000];
	_ =	sdelay $0x7  }
0x25b: {  	s11 =	sor.u32 $0xF40, s31;
	[tilespmem:v2+s0+$0x0] =	vst.idx.add.f32.msk $0xffff, v1  }
0x25c: {  	v2 =	vld [tilespmem:s11+$0x0];
	_ =	sdelay $0x7  }
0x25d: {  	[tilespmem:v2+s1+$0x0] =	vst.idx.add.f32.msk $0xffff, v1  }
0x25e: {  	v2 =	vld [tilespmem:s11+$0x1000];
	_ =	sdelay $0x7  }
0x25f: {  	s12 =	sor.u32 $0xF50, s31;
	[tilespmem:v2+s0+$0x0] =	vst.idx.add.f32.msk $0xffff, v1  }
0x260: {  	v2 =	vld [tilespmem:s12+$0x0];
	_ =	sdelay $0x7  }
0x261: {  	[tilespmem:v2+s1+$0x0] =	vst.idx.add.f32.msk $0xffff, v1  }
0x262: {  	v2 =	vld [tilespmem:s12+$0x1000];
	_ =	sdelay $0x7  }
0x263: {  	s13 =	sor.u32 $0xF60, s31;
	[tilespmem:v2+s0+$0x0] =	vst.idx.add.f32.msk $0xffff, v1  }
0x264: {  	v2 =	vld [tilespmem:s13+$0x0];
	_ =	sdelay $0x7  }
0x265: {  	[tilespmem:v2+s1+$0x0] =	vst.idx.add.f32.msk $0xffff, v1  }
0x266: {  	v2 =	vld [tilespmem:s13+$0x1000];
	_ =	sdelay $0x7  }
0x267: {  	s31 =	sor.u32 $0xF70, s31;
	[tilespmem:v2+s0+$0x0] =	vst.idx.add.f32.msk $0xffff, v1  }
0x268: {  	v2 =	vld [tilespmem:s31+$0x0];
	_ =	sdelay $0x7  }
0x269: {  	[tilespmem:v2+s1+$0x0] =	vst.idx.add.f32.msk $0xffff, v1  }
0x26a: {  	v2 =	vld [tilespmem:s31+$0x1000];
	_ =	sdelay $0x6  }
0x26b: {  	s9 =	sadd.s32 @!p0 $0x80, s9  }
0x26c: {  	p1 =	sne.s32 @!p0 s9, $0x280;
	s8 =	simm.s32 @!p0 $0x1;
	[tilespmem:v2+s0+$0x0] =	vst.idx.add.f32.msk $0xffff, v1  }
0x26d: {  	p1 =	por p0, !p1;
	_ =	swait.ge @!p0 [sflag:s8], $0x800  }
.Ltmp4:
0x26e: {  	[sflag:s8] =	ssyncset.done @!p0 $0x0;
	(pc) =	sbr.rel @p1 .LBB2_7-.Ltmp4, $4  }
0x26f: {  	[sflag:s8] =	ssyncadd.s32 @!p0 $0xFFFFF800;
	s8 =	simm.s32 @!p0 $0x2  }
0x270: {  	_ =	swait.ge @!p0 [sflag:s8], $0x800  }
0x271: {  	[sflag:s8] =	ssyncset.done @!p0 $0x0  }
0x272: {  	s25 =	sadd.s32 @!p0 $0x4000, s25;
	[sflag:s8] =	ssyncadd.s32 @!p0 $0xFFFFF800  }
.LBB2_4:
0x273: {  	p0 =	seq.s32 s9, $0x200  }
.Ltmp5:
0x274: {  	_ = 	snop;
	(pc) =	sbr.rel @p0 .LBB2_6-.Ltmp5, $2  }
0x275: {  	_ =	sdelay $0x2  }
0x276: {  	s31 =	simm.s32 $0x200;
	s8 =	simm.s32 $0x0  }
0x277: {  	s8 =	sand.u32 $0x80, s9;
	s10 =	sshrl.u32 s25, $0x3  }
0x278: {  	s31 =	sxor.u32 $0x80, s8;
	s11 =	sadd.s32 s2, s10  }
0x279: {  	[tilespmem:s31], [sflag:$0x1] =	stream.linear.gather [hbm4b:s11+s3], $0x80, $0x38;
	[tilespmem:$0x7000] =	vst v63  }
0x27a: {  	s12 =	sadd.s32 $0x80, s11;
	s13 =	sor.u32 $0x100, s31  }
0x27b: {  	[tilespmem:s13], [sflag:$0x1] =	stream.linear.gather [hbm4b:s12+s3], $0x80, $0x38;
	[tilespmem:$0x7000] =	vst v63  }
0x27c: {  	s12 =	sadd.s32 $0x100, s11;
	s13 =	sor.u32 $0x200, s31  }
0x27d: {  	[tilespmem:s13], [sflag:$0x1] =	stream.linear.gather [hbm4b:s12+s3], $0x80, $0x38;
	[tilespmem:$0x7000] =	vst v63  }
0x27e: {  	s12 =	sadd.s32 $0x180, s11;
	s13 =	sor.u32 $0x300, s31  }
0x27f: {  	[tilespmem:s13], [sflag:$0x1] =	stream.linear.gather [hbm4b:s12+s3], $0x80, $0x38;
	[tilespmem:$0x7000] =	vst v63  }
0x280: {  	s12 =	sadd.s32 $0x200, s11;
	s13 =	sor.u32 $0x400, s31  }
0x281: {  	[tilespmem:s13], [sflag:$0x1] =	stream.linear.gather [hbm4b:s12+s3], $0x80, $0x38;
	[tilespmem:$0x7000] =	vst v63  }
0x282: {  	s12 =	sadd.s32 $0x280, s11;
	s13 =	sor.u32 $0x500, s31  }
0x283: {  	[tilespmem:s13], [sflag:$0x1] =	stream.linear.gather [hbm4b:s12+s3], $0x80, $0x38;
	[tilespmem:$0x7000] =	vst v63  }
0x284: {  	s12 =	sadd.s32 $0x300, s11;
	s13 =	sor.u32 $0x600, s31  }
0x285: {  	[tilespmem:s13], [sflag:$0x1] =	stream.linear.gather [hbm4b:s12+s3], $0x80, $0x38;
	[tilespmem:$0x7000] =	vst v63  }
0x286: {  	s12 =	sadd.s32 $0x380, s11;
	s13 =	sor.u32 $0x700, s31  }
0x287: {  	[tilespmem:s13], [sflag:$0x1] =	stream.linear.gather [hbm4b:s12+s3], $0x80, $0x38;
	[tilespmem:$0x7000] =	vst v63  }
0x288: {  	s12 =	sadd.s32 $0x400, s11;
	s13 =	sor.u32 $0x800, s31  }
0x289: {  	[tilespmem:s13], [sflag:$0x1] =	stream.linear.gather [hbm4b:s12+s3], $0x80, $0x38;
	[tilespmem:$0x7000] =	vst v63  }
0x28a: {  	s12 =	sadd.s32 $0x480, s11;
	s13 =	sor.u32 $0x900, s31  }
0x28b: {  	[tilespmem:s13], [sflag:$0x1] =	stream.linear.gather [hbm4b:s12+s3], $0x80, $0x38;
	[tilespmem:$0x7000] =	vst v63  }
0x28c: {  	s12 =	sadd.s32 $0x500, s11;
	s13 =	sor.u32 $0xA00, s31  }
0x28d: {  	[tilespmem:s13], [sflag:$0x1] =	stream.linear.gather [hbm4b:s12+s3], $0x80, $0x38;
	[tilespmem:$0x7000] =	vst v63  }
0x28e: {  	s12 =	sadd.s32 $0x580, s11;
	s13 =	sor.u32 $0xB00, s31  }
0x28f: {  	[tilespmem:s13], [sflag:$0x1] =	stream.linear.gather [hbm4b:s12+s3], $0x80, $0x38;
	[tilespmem:$0x7000] =	vst v63  }
0x290: {  	s12 =	sadd.s32 $0x600, s11;
	s13 =	sor.u32 $0xC00, s31  }
0x291: {  	[tilespmem:s13], [sflag:$0x1] =	stream.linear.gather [hbm4b:s12+s3], $0x80, $0x38;
	[tilespmem:$0x7000] =	vst v63  }
0x292: {  	s12 =	sadd.s32 $0x680, s11;
	s13 =	sor.u32 $0xD00, s31  }
0x293: {  	[tilespmem:s13], [sflag:$0x1] =	stream.linear.gather [hbm4b:s12+s3], $0x80, $0x38;
	[tilespmem:$0x7000] =	vst v63  }
0x294: {  	s12 =	sadd.s32 $0x700, s11;
	s13 =	sor.u32 $0xE00, s31  }
0x295: {  	[tilespmem:s13], [sflag:$0x1] =	stream.linear.gather [hbm4b:s12+s3], $0x80, $0x38;
	[tilespmem:$0x7000] =	vst v63  }
0x296: {  	s11 =	sadd.s32 $0x780, s11;
	s13 =	sor.u32 $0xF00, s31  }
0x297: {  	[tilespmem:s13], [sflag:$0x1] =	stream.linear.gather [hbm4b:s11+s3], $0x80, $0x38;
	[tilespmem:$0x7000] =	vst v63  }
0x298: {  	s10 =	sadd.s32 s4, s10;
	s13 =	sor.u32 $0x1000, s31  }
0x299: {  	[tilespmem:s13], [sflag:$0x2] =	stream.linear.gather [hbm4b:s10+s3], $0x80, $0x38;
	[tilespmem:$0x7000] =	vst v63  }
0x29a: {  	s12 =	sadd.s32 $0x80, s10;
	s13 =	sor.u32 $0x1100, s31  }
0x29b: {  	[tilespmem:s13], [sflag:$0x2] =	stream.linear.gather [hbm4b:s12+s3], $0x80, $0x38;
	[tilespmem:$0x7000] =	vst v63  }
0x29c: {  	s12 =	sadd.s32 $0x100, s10;
	s13 =	sor.u32 $0x1200, s31  }
0x29d: {  	[tilespmem:s13], [sflag:$0x2] =	stream.linear.gather [hbm4b:s12+s3], $0x80, $0x38;
	[tilespmem:$0x7000] =	vst v63  }
0x29e: {  	s12 =	sadd.s32 $0x180, s10;
	s13 =	sor.u32 $0x1300, s31  }
0x29f: {  	[tilespmem:s13], [sflag:$0x2] =	stream.linear.gather [hbm4b:s12+s3], $0x80, $0x38;
	[tilespmem:$0x7000] =	vst v63  }
0x2a0: {  	s12 =	sadd.s32 $0x200, s10;
	s13 =	sor.u32 $0x1400, s31  }
0x2a1: {  	[tilespmem:s13], [sflag:$0x2] =	stream.linear.gather [hbm4b:s12+s3], $0x80, $0x38;
	[tilespmem:$0x7000] =	vst v63  }
0x2a2: {  	s12 =	sadd.s32 $0x280, s10;
	s13 =	sor.u32 $0x1500, s31  }
0x2a3: {  	[tilespmem:s13], [sflag:$0x2] =	stream.linear.gather [hbm4b:s12+s3], $0x80, $0x38;
	[tilespmem:$0x7000] =	vst v63  }
0x2a4: {  	s12 =	sadd.s32 $0x300, s10;
	s13 =	sor.u32 $0x1600, s31  }
0x2a5: {  	[tilespmem:s13], [sflag:$0x2] =	stream.linear.gather [hbm4b:s12+s3], $0x80, $0x38;
	[tilespmem:$0x7000] =	vst v63  }
0x2a6: {  	s12 =	sadd.s32 $0x380, s10;
	s13 =	sor.u32 $0x1700, s31  }
0x2a7: {  	[tilespmem:s13], [sflag:$0x2] =	stream.linear.gather [hbm4b:s12+s3], $0x80, $0x38;
	[tilespmem:$0x7000] =	vst v63  }
0x2a8: {  	s12 =	sadd.s32 $0x400, s10;
	s13 =	sor.u32 $0x1800, s31  }
0x2a9: {  	[tilespmem:s13], [sflag:$0x2] =	stream.linear.gather [hbm4b:s12+s3], $0x80, $0x38;
	[tilespmem:$0x7000] =	vst v63  }
0x2aa: {  	s12 =	sadd.s32 $0x480, s10;
	s13 =	sor.u32 $0x1900, s31  }
0x2ab: {  	[tilespmem:s13], [sflag:$0x2] =	stream.linear.gather [hbm4b:s12+s3], $0x80, $0x38;
	[tilespmem:$0x7000] =	vst v63  }
0x2ac: {  	s12 =	sadd.s32 $0x500, s10;
	s13 =	sor.u32 $0x1A00, s31  }
0x2ad: {  	[tilespmem:s13], [sflag:$0x2] =	stream.linear.gather [hbm4b:s12+s3], $0x80, $0x38;
	[tilespmem:$0x7000] =	vst v63  }
0x2ae: {  	s12 =	sadd.s32 $0x580, s10;
	s13 =	sor.u32 $0x1B00, s31  }
0x2af: {  	[tilespmem:s13], [sflag:$0x2] =	stream.linear.gather [hbm4b:s12+s3], $0x80, $0x38;
	[tilespmem:$0x7000] =	vst v63  }
0x2b0: {  	s12 =	sadd.s32 $0x600, s10;
	s13 =	sor.u32 $0x1C00, s31  }
0x2b1: {  	[tilespmem:s13], [sflag:$0x2] =	stream.linear.gather [hbm4b:s12+s3], $0x80, $0x38;
	[tilespmem:$0x7000] =	vst v63  }
0x2b2: {  	s12 =	sadd.s32 $0x680, s10;
	s13 =	sor.u32 $0x1D00, s31  }
0x2b3: {  	[tilespmem:s13], [sflag:$0x2] =	stream.linear.gather [hbm4b:s12+s3], $0x80, $0x38;
	[tilespmem:$0x7000] =	vst v63  }
.Ltmp6:
0x2b4: {  	_ = 	snop;
	(pc) =	sbr.rel .LBB2_6-.Ltmp6, $4  }
0x2b5: {  	s12 =	sadd.s32 $0x700, s10;
	s13 =	sor.u32 $0x1E00, s31  }
0x2b6: {  	[tilespmem:s13], [sflag:$0x2] =	stream.linear.gather [hbm4b:s12+s3], $0x80, $0x38;
	[tilespmem:$0x7000] =	vst v63  }
0x2b7: {  	s10 =	sadd.s32 $0x780, s10;
	s13 =	sor.u32 $0x1F00, s31;
	s31 =	smov.u32 s9  }
0x2b8: {  	[tilespmem:s13], [sflag:$0x2] =	stream.linear.gather [hbm4b:s10+s3], $0x80, $0x38;
	[tilespmem:$0x7000] =	vst v63  }
.LBB2_8:
0x2b9: {  	_ =	sfence.sel $0x180000  }
0x2ba: {  	[bflag:$0x0] =	sbarrier.arrive $0xFFFF  }
0x2bb: {  	_ =	strace $0x90000047  }
0x2bc: {  	s0 =	stileid.u32;
	[bflag:$0x2] =	sbarrier.arrive $0xFFFF  }
0x2bd: {  	p0 =	sne.s32 s0, $0x0;
	s0 =	rddreg [dreg:$0x2]  }
0x2be: {  	s0 =	sadd.s32 @!p0 $0x100000, s0  }
0x2bf: {  	[sflag:s0] =	ssyncadd.tile.s32 @!p0 $0x1;
	_ =	shalt  }
.Lfunc_end2:
_tile_overlayer_lowered:
.L_overlay_start_2:
0x2c0: {  	(tag) =	ssettag $0x2  }
0x2c1: {  	s0 =	rddreg [dreg:$0x0];
	s2 =	stileid.u32  }
0x2c2: {  	s1 =	rddreg [dreg:$0x1];
	p0 =	sne.s32 s2, $0x0  }
0x2c3: {  	s3 =	rddreg [dreg:$0x2];
	[bflag:$0x3] =	sbarrier.arrive $0xFFFF;
	s2 =	simm.s32 @!p0 $0x1C03  }
0x2c4: {  	[timem:s3], [sflag:s2] =	dma.local @!p0 [hbm:s0], s1  }
0x2c5: {  	s0 =	simm.s32 @!p0 $0x3  }
0x2c6: {  	_ =	swait.ge @!p0 [sflag:s0], s1  }
0x2c7: {  	s1 =	ssub.s32 @!p0 $0x0, s1;
	[sflag:s0] =	ssyncset.done @!p0 $0x0  }
0x2c8: {  	[sflag:s0] =	ssyncadd.s32 @!p0 s1  }
0x2c9: {  	[bflag:$0x3] =	sbarrier.arrive $0xFFFF  }
0x2ca: {  	_ =	shalt  }

// kernel: kernel.9.cloned.1.call-start
scs
__scs_entry_jumppad:
0x0: {  	(pc) =	sbr.rel $0x88, $3  }
0x1: {  	(tag) =	ssettag $0x0;
	lr =	simm.s32 $0x1  }
0x2: {  	[smem:$0x3F9D] =	sst lr;
	_ =	strace $0xD0000000  }
0x3: {  	_ = 	snop  }
0x4: {  	_ = 	snop  }
0x5: {  	_ = 	snop  }
0x6: {  	_ = 	snop  }
0x7: {  	_ = 	snop  }
__scs_overlays_trampoline_lowered:
0x8: {  	[smem:$0x3FAC] =	sst s0  }
0x9: {  	[smem:$0x3FAD] =	sst s1  }
0xa: {  	[smem:$0x3FAE] =	sst s2  }
0xb: {  	[smem:$0x3FAF] =	sst s3  }
0xc: {  	[smem:$0x3FB0] =	sst s4  }
0xd: {  	[smem:$0x3FB1] =	sst s5  }
0xe: {  	[smem:$0x3FB2] =	sst s6  }
0xf: {  	[smem:$0x3FB3] =	sst s7  }
0x10: {  	[smem:$0x3FB4] =	sst s8  }
0x11: {  	[smem:$0x3FB5] =	sst s9;
	s0 =	simm.s32 @!p0 $0x0  }
0x12: {  	s1 =	sld [smem:$0x3F9B];
	s0 =	simm.s32 @p0 $0x1  }
0x13: {  	[smem:$0x3FB6] =	sst s0;
	s0 =	simm.s32 @!p1 $0x0  }
0x14: {  	s2 =	sld [smem:$0x3F9A];
	s0 =	simm.s32 @p1 $0x1  }
0x15: {  	[smem:$0x3FB7] =	sst s0;
	s0 =	simm.s32 @!p2 $0x0  }
0x16: {  	s3 =	sld [smem:$0x3FDB];
	s0 =	simm.s32 @p2 $0x1  }
0x17: {  	s4 =	simm.s32 $0x1BF5;
	[smem:$0x3FB9] =	sst s0  }
0x18: {  	s0 =	sld [smem:$0x3F9C];
	_ =	swait.ge [sflag:s4], $0x0  }
0x19: {  	s7 =	sld [smem:$0x3F9D]  }
0x1a: {  	s8 =	sadd.s32 $0xFFFFE003, lr  }
0x1b: {  	s9 =	sadd.s32 $0xFFFFFEF7, lr;
	s5 =	simm.s32 $0xFFFFFFFF;
	p2 =	slt.u32 s8, $0xFFFFF086  }
0x1c: {  	p1 =	slt.u32 s9, $0xF7A;
	s5 =	simm.s32 @!p2 $0x0  }
0x1d: {  	s5 =	simm.s32 @p1 $0x1;
	p0 =	seq.s32 s7, s2  }
0x1e: {  	s7 =	smul.u32 @!p0 $0xF7A, s2;
	p2 =	seq.s32 @!p0 s5, $0x0  }
0x1f: {  	s9 =	smul.u32 $0xF7A, s1;
	s8 =	simm.s32 @!p0 $0x1BF5;
	p2 =	por !p2, p0  }
0x20: {  	[sflag:s8] =	ssyncset.s32 @!p0 $0xFFFFF086;
	s6 =	sadd.s32 @!p0 s3, s7;
	s7 =	simm.s32 @!p0 $0x108  }
0x21: {  	s3 =	sadd.s32 s3, s9;
	s6 =	sadd.s32 @!p0 $0x88, s6;
	s7 =	simm.s32 @p2 $0x1082  }
0x22: {  	[simem:s7], [sflag:s8] =	dma.local @!p0 [hbm:s6], $0xF7A  }
0x23: {  	s9 =	sor.u32 $0xD0000000, s2;
	s6 =	simm.s32 $0x108;
	_ =	swait.ge @!p0 [sflag:s8], $0x0  }
0x24: {  	s3 =	sadd.s32 $0x88, s3;
	s6 =	simm.s32 @!p1 $0x1082;
	[sflag:s4] =	ssyncset.s32 $0xFFFFF086  }
0x25: {  	[simem:s6], [sflag:s4] =	dma.local [hbm:s3], $0xF7A  }
0x26: {  	[smem:$0x3F9D] =	sst s1;
	(tag) =	ssettag s2;
	_ =	strace s9  }
0x27: {  	s1 =	sld [smem:$0x3FAD]  }
0x28: {  	s2 =	sld [smem:$0x3FAE]  }
0x29: {  	s4 =	sld [smem:$0x3FB0]  }
0x2a: {  	p0 =	seq.s32 s5, $0x0;
	s5 =	sld [smem:$0x3FB1]  }
0x2b: {  	s6 =	sld [smem:$0x3FB2]  }
0x2c: {  	s7 =	sld [smem:$0x3FB3]  }
0x2d: {  	s3 =	simm.s32 $0x108;
	s8 =	sld [smem:$0x3FB4]  }
0x2e: {  	s3 =	simm.s32 @!p0 $0x1082;
	s9 =	sld [smem:$0x3FB5]  }
0x2f: {  	lr =	sadd.s32 s0, s3;
	s0 =	sld [smem:$0x3FAC]  }
0x30: {  	s3 =	sld [smem:$0x3FAF]  }
0x31: {  	[smem:$0x3FB8] =	sst s10  }
0x32: {  	s10 =	sld [smem:$0x3FB6];
	_ =	sdelay $0x3  }
0x33: {  	p0 =	seq.s32 s10, $0x1;
	s10 =	sld [smem:$0x3FB8];
	_ =	sdelay $0x3  }
0x34: {  	[smem:$0x3FB8] =	sst s10  }
0x35: {  	s10 =	sld [smem:$0x3FB7];
	_ =	sdelay $0x3  }
0x36: {  	p1 =	seq.s32 s10, $0x1;
	s10 =	sld [smem:$0x3FB8];
	_ =	sdelay $0x3  }
0x37: {  	[smem:$0x3FB8] =	sst s10  }
0x38: {  	s10 =	sld [smem:$0x3FB9]  }
0x39: {  	_ = 	snop;
	(pc) =	sbr.ind lr, $3  }
0x3a: {  	_ = 	snop  }
0x3b: {  	_ = 	snop  }
0x3c: {  	p2 =	seq.s32 s10, $0x1;
	s10 =	sld [smem:$0x3FB8]  }
0x3d: {  	_ =	shalt  }
0x3e: {  	_ =	shalt  }
0x3f: {  	_ =	shalt  }
0x40: {  	_ =	shalt  }
0x41: {  	_ =	shalt  }
0x42: {  	_ =	shalt  }
0x43: {  	_ =	shalt  }
0x44: {  	_ =	shalt  }
0x45: {  	_ =	shalt  }
0x46: {  	_ =	shalt  }
0x47: {  	_ =	shalt  }
0x48: {  	_ =	shalt  }
0x49: {  	_ =	shalt  }
0x4a: {  	_ =	shalt  }
0x4b: {  	_ =	shalt  }
0x4c: {  	_ =	shalt  }
0x4d: {  	_ =	shalt  }
0x4e: {  	_ =	shalt  }
0x4f: {  	_ =	shalt  }
0x50: {  	_ =	shalt  }
0x51: {  	_ =	shalt  }
0x52: {  	_ =	shalt  }
0x53: {  	_ =	shalt  }
0x54: {  	_ =	shalt  }
0x55: {  	_ =	shalt  }
0x56: {  	_ =	shalt  }
0x57: {  	_ =	shalt  }
0x58: {  	_ =	shalt  }
0x59: {  	_ =	shalt  }
0x5a: {  	_ =	shalt  }
0x5b: {  	_ =	shalt  }
0x5c: {  	_ =	shalt  }
0x5d: {  	_ =	shalt  }
0x5e: {  	_ =	shalt  }
0x5f: {  	_ =	shalt  }
0x60: {  	_ =	shalt  }
0x61: {  	_ =	shalt  }
0x62: {  	_ =	shalt  }
0x63: {  	_ =	shalt  }
0x64: {  	_ =	shalt  }
0x65: {  	_ =	shalt  }
0x66: {  	_ =	shalt  }
0x67: {  	_ =	shalt  }
0x68: {  	_ =	shalt  }
0x69: {  	_ =	shalt  }
0x6a: {  	_ =	shalt  }
0x6b: {  	_ =	shalt  }
0x6c: {  	_ =	shalt  }
0x6d: {  	_ =	shalt  }
0x6e: {  	_ =	shalt  }
0x6f: {  	_ =	shalt  }
0x70: {  	_ =	shalt  }
0x71: {  	_ =	shalt  }
0x72: {  	_ =	shalt  }
0x73: {  	_ =	shalt  }
0x74: {  	_ =	shalt  }
0x75: {  	_ =	shalt  }
0x76: {  	_ =	shalt  }
0x77: {  	_ =	shalt  }
0x78: {  	_ =	shalt  }
0x79: {  	_ =	shalt  }
0x7a: {  	_ =	shalt  }
0x7b: {  	_ =	shalt  }
0x7c: {  	_ =	shalt  }
0x7d: {  	_ =	shalt  }
0x7e: {  	_ =	shalt  }
0x7f: {  	_ =	shalt  }
0x80: {  	_ =	shalt  }
0x81: {  	_ =	shalt  }
0x82: {  	_ =	shalt  }
0x83: {  	_ =	shalt  }
0x84: {  	_ =	shalt  }
0x85: {  	_ =	shalt  }
0x86: {  	_ =	shalt  }
0x87: {  	_ =	shalt  }
.Lfunc_end0:
.L_simem_size_0:
called_computation.1_lowered:
.L_overlay_start_0:
0x88: {  	s2 =	sld [smem:$0x3FD9]  }
0x89: {  	s3 =	sld [smem:$0x3FFE];
	_ =	sdelay $0x1  }
0x8a: {  	s1 =	srdreg.scid  }
0x8b: {  	s0 =	sand.u32 $0x1, s1  }
0x8c: {  	s16 =	sshll.u32 s0, $0xA;
	s2 =	sadd.s32 s3, s2  }
0x8d: {  	s2 =	sadd.s32 s2, s16  }
0x8e: {  	[smem:$0x3FC4] =	sst s2  }
0x8f: {  	_ = 	snop  }
0x90: {  	(tm) =	ssettm $0x1  }
0x91: {  	s17 =	sld [smem:$0x3FFB];
	_ =	sdelay $0x3  }
0x92: {  	_ =	strace s17  }
0x93: {  	s2 =	sld [smem:$0x3FFC];
	_ =	sdelay $0x3  }
0x94: {  	_ =	strace s2  }
0x95: {  	s2 =	sld [smem:$0x3FFD];
	_ =	sdelay $0x3  }
0x96: {  	_ =	strace s2  }
0x97: {  	_ =	strace $0x8FFFFFFF  }
0x98: {  	s18 =	sld [smem:$0x3FDB];
	_ =	sdelay $0x1  }
0x99: {  	s19 =	simm.s32 $_scs_section_size  }
0x9a: {  	s4 =	simm.s32 $_size__tile_overlayer_lowered;
	s5 =	simm.s32 $_tile_overlayer_lowered  }
0x9b: {  	s22 =	simm.s32 $0x1BFF;
	s21 =	sshll.u32 s5, $0x1;
	s2 =	sadd.s32 s19, s18  }
0x9c: {  	s6 =	simm.s32 $0x0;
	s20 =	sshll.u32 s4, $0x1;
	s4 =	sadd.s32 s21, s2  }
0x9d: {  	[timem:s6], [sflag:s22] =	dma.local [hbm:s4], s20  }
0x9e: {  	_ =	swait.ge [sflag:s22], s20  }
0x9f: {  	s3 =	ssub.s32 $0x0, s20;
	[sflag:s22] =	ssyncset.done $0x0  }
0xa0: {  	[sflag:s22] =	ssyncadd.s32 s3;
	_ =	sdelay $0x1  }
0xa1: {  	s23 =	simm.s32 $0x1B8B  }
0xa2: {  	_ =	swait.ge [sflag:s23], $0x1  }
0xa3: {  	[sflag:s23] =	ssyncset.done $0x0  }
0xa4: {  	s25 =	simm.s32 $0x1B8E;
	s24 =	sld [smem:$0x3FFE];
	[sflag:s23] =	ssyncadd.s32 $0xFFFFFFFF  }
0xa5: {  	s26 =	simm.s32 $execute0_lowered;
	[smem:$0x3FD2] =	sst s25  }
0xa6: {  	s4 =	sshll.u32 s26, $0x1;
	_ =	strace $0x80000049;
	[dreg:$0x1] =	wrdreg $0xFFFFFFFF  }
0xa7: {  	s28 =	simm.s32 $_size_execute0_lowered;
	s2 =	sadd.s32 s2, s4;
	[dreg:$0x0] =	wrdreg $0x0  }
0xa8: {  	s4 =	sshll.u32 s28, $0x1;
	[dreg:$0x2] =	wrdreg s2  }
0xa9: {  	[dreg:$0x3] =	wrdreg s4  }
0xaa: {  	[dreg:$0x4] =	wrdreg $0xC0  }
0xab: {  	_ =	task [dreg:s6], $0x5FFFF  }
0xac: {  	[dreg:$0x1] =	wrdreg $0xFFFFFFFF  }
0xad: {  	[dreg:$0x0] =	wrdreg $0x60  }
0xae: {  	[dreg:$0x2] =	wrdreg s24  }
0xaf: {  	[dreg:$0x3] =	wrdreg $0x48000  }
0xb0: {  	[dreg:$0x4] =	wrdreg $0x9  }
0xb1: {  	_ =	task.clear_ibuf [dreg:s6], $0x5FFFF;
	_ =	strace $0x90000049  }
0xb2: {  	s29 =	simm.s32 $0x9;
	_ =	strace $0x8000004B  }
0xb3: {  	_ =	swait.ge [sflag:s29], $0x1  }
0xb4: {  	[sflag:s29] =	ssyncadd.s32 $0xFFFFFFFF  }
0xb5: {  	_ =	strace $0x9000004B  }
0xb6: {  	_ =	sfence  }
0xb7: {  	s30 =	sld [smem:$0x0];
	_ =	sdelay $0x2  }
0xb8: {  	s31 =	sshll.u32 s1, $0xD;
	s1 =	sshrl.u32 s1, $0x2  }
0xb9: {  	s3 =	sand.u32 $0x4000, s31;
	s1 =	sadd.s32 s1, s30  }
0xba: {  	s0 =	sor.u32 s3, s0;
	s1 =	sshll.u32 s1, $0x11  }
0xbb: {  	s0 =	sor.u32 s1, s0  }
0xbc: {  	s0 =	sadd.s32 $0x8F2B, s0  }
0xbd: {  	[sflag:s0] =	ssyncadd.remote.s32 $0x1  }
0xbe: {  	_ =	sfence.sel $0xFFFF  }
0xbf: {  	[dreg:$0x0] =	wrdreg $0xFFFFFFFF;
	(pc) =	sbr.abs _section_cstart, $3  }
0xc0: {  	[dreg:$0x1] =	wrdreg $0xFFFFFFFF  }
0xc1: {  	_ =	task.clear_ibuf [dreg:s6], $0x2FFFF;
	_ =	strace $0x9FFFFFFF  }
0xc2: {  	(tm) =	ssettm $0x7FFFFFFF  }
0xc3: {  	_ =	shalt  }
tec
execute0_lowered:
.L_overlay_start_1:
0x0: {  	(tag) =	ssettag $0x1  }
0x1: {  	s0 =	rddreg [dreg:$0x0]  }
0x2: {  	s1 =	rddreg [dreg:$0x1];
	s2 =	srdreg.scid;
	s3 =	simm.s32 $0x0  }
0x3: {  	s10 =	stileid.u32;
	s17 =	simm.s32 $0x800;
	s18 =	simm.s32 $0x7  }
0x4: {  	s20 =	simm.s32 $0x20;
	s24 =	simm.s32 $0x2800;
	s28 =	simm.s32 $0x1  }
0x5: {  	s29 =	simm.s32 $0x3;
	s30 =	simm.s32 $0x4;
	s7 =	smul.u32 $0x14000, s10  }
0x6: {  	s2 =	sand.u32 $0x1, s2;
	[smem:$0x7FF] =	sst s3;
	s8 =	smul.u32 $0x50000, s10  }
0x7: {  	s4 =	sadd.s32 $0x6F800, s0;
	s5 =	sadd.s32 $0x47800, s0;
	s6 =	smul.u32 $0x140000, s2  }
0x8: {  	_ =	strace $0x8000004A;
	s26 =	sshll.u32 s2, $0x4;
	s2 =	ssub.s32 $0x2, s2  }
0x9: {  	s10 =	sor.u32 s10, s26;
	s31 =	sshrl.u32 s8, $0x2;
	s11 =	sshrl.u32 s2, $0x1  }
0xa: {  	s26 =	simm.s32 $0x3800;
	s7 =	sadd.s32 s7, s6;
	s8 =	smul.u32 $0xA000, s10  }
.Ltmp0:
0xb: {  	s6 =	sadd.s32 $0x1F800, s0;
	s2 =	ssub.s32 s2, s11;
	(pc) =	sbr.rel .LBB2_1-.Ltmp0, $4  }
0xc: {  	s9 =	sshrl.u32 s7, $0x3;
	s7 =	sadd.s32 s31, s1;
	s16 =	smax.u32 s2, $0x1  }
0xd: {  	s0 =	sadd.s32 s9, s0;
	s9 =	sadd.s32 $0x4000, s7;
	s10 =	sadd.s32 $0x8000, s7  }
0xe: {  	s11 =	sadd.s32 $0xC000, s7;
	s14 =	sshrl.u32 s8, $0x3;
	s12 =	sadd.s32 $0x10000, s7  }
0xf: {  	v0 =	vimm.f32 $0.0e+00;
	s13 =	sadd.s32 s5, s14;
	s14 =	sadd.s32 s6, s14;
	s15 =	sadd.s32 $0x97800, s0  }
.LBB2_5:
0x10: {  	_ =	swait.ge [sflag:s30], $0x1000  }
0x11: {  	[sflag:s30] =	ssyncset.done $0x0  }
0x12: {  	s0 =	sadd.s32 $0x580, s19;
	[sflag:s30] =	ssyncadd.s32 $0xFFFFF000  }
0x13: {  	[spmem:s1] =	stream.indirect.scatter.add.f32 [tilespmem:s26], [sflag:$0x7], $0x80, s0, s20, $0xb8;
	[tilespmem:$0x18800] =	vst v63  }
0x14: {  	_ =	swait.ge [sflag:s18], $0x1000  }
0x15: {  	[sflag:s18] =	ssyncset.done $0x0  }
0x16: {  	[sflag:s18] =	ssyncadd.s32 $0xFFFFF000  }
.LBB2_7:
0x17: {  	s0 =	stileid.u32;
	s3 =	sadd.s32 $0x1, s3  }
0x18: {  	[bflag:$0x0] =	sbarrier.arrive $0xFFFF;
	s0 =	sshll.u32 s0, $0x6;
	p0 =	sne.s32 s3, s16  }
.Ltmp1:
0x19: {  	s2 =	sshrl.u32 s7, $0x3;
	s0 =	sor.u32 $0x1C07, s0;
	(pc) =	sbr.rel @!p0 .LBB2_8-.Ltmp1, $4  }
0x1a: {  	[hbm:s15], [sflag:s0] =	dma.local [spmem:s2], $0x2800  }
0x1b: {  	_ =	swait.ge [sflag:s18], $0x2800  }
0x1c: {  	[sflag:s18] =	ssyncset.done $0x0  }
0x1d: {  	[sflag:s18] =	ssyncadd.s32 $0xFFFFD800  }
.LBB2_1:
0x1e: {  	s0 =	simm.s32 $0x0;
	s2 =	simm.s32 $0x200  }
.LBB2_2:
0x1f: {  	p0 =	sne.s32 s2, $0xFE00;
	[tilespmem:s0+$0x870] =	vst v0  }
0x20: {  	[tilespmem:s0+$0x800] =	vst v0  }
0x21: {  	[tilespmem:s0+$0x810] =	vst v0  }
.Ltmp2:
0x22: {  	[tilespmem:s0+$0x820] =	vst v0;
	(pc) =	sbr.rel @p0 .LBB2_2-.Ltmp2, $4  }
0x23: {  	[tilespmem:s0+$0x830] =	vst v0  }
0x24: {  	[tilespmem:s0+$0x840] =	vst v0  }
0x25: {  	[tilespmem:s0+$0x850] =	vst v0  }
0x26: {  	[tilespmem:s0+$0x860] =	vst v0;
	s0 =	sshra.s32 s2, $0x2;
	s2 =	sadd.s32 $0x200, s2  }
0x27: {  	[tilespmem:s0+$0x870] =	vst v0  }
0x28: {  	[tilespmem:s0+$0x800] =	vst v0  }
0x29: {  	[tilespmem:s0+$0x810] =	vst v0  }
0x2a: {  	[tilespmem:s0+$0x820] =	vst v0  }
0x2b: {  	[tilespmem:s0+$0x830] =	vst v0  }
0x2c: {  	[tilespmem:s0+$0x840] =	vst v0  }
0x2d: {  	[tilespmem:s0+$0x850] =	vst v0  }
0x2e: {  	[tilespmem:s0+$0x860] =	vst v0  }
0x2f: {  	[spmem:s7] =	stream.linear.scatter [tilespmem:s17], [sflag:$0x7], $0x4000, $0x38;
	[tilespmem:$0x18800] =	vst v63  }
0x30: {  	_ =	swait.ge [sflag:s18], $0x4000  }
0x31: {  	[sflag:s18] =	ssyncset.done $0x0  }
0x32: {  	[sflag:s18] =	ssyncadd.s32 $0xFFFFC000  }
0x33: {  	[spmem:s9] =	stream.linear.scatter [tilespmem:s17], [sflag:$0x7], $0x4000, $0x38;
	[tilespmem:$0x18800] =	vst v63  }
0x34: {  	_ =	swait.ge [sflag:s18], $0x4000  }
0x35: {  	[sflag:s18] =	ssyncset.done $0x0  }
0x36: {  	[sflag:s18] =	ssyncadd.s32 $0xFFFFC000  }
0x37: {  	[spmem:s10] =	stream.linear.scatter [tilespmem:s17], [sflag:$0x7], $0x4000, $0x38;
	[tilespmem:$0x18800] =	vst v63  }
0x38: {  	_ =	swait.ge [sflag:s18], $0x4000  }
0x39: {  	[sflag:s18] =	ssyncset.done $0x0  }
0x3a: {  	[sflag:s18] =	ssyncadd.s32 $0xFFFFC000  }
0x3b: {  	[spmem:s11] =	stream.linear.scatter [tilespmem:s17], [sflag:$0x7], $0x4000, $0x38;
	[tilespmem:$0x18800] =	vst v63  }
0x3c: {  	_ =	swait.ge [sflag:s18], $0x4000  }
0x3d: {  	[sflag:s18] =	ssyncset.done $0x0  }
0x3e: {  	[sflag:s18] =	ssyncadd.s32 $0xFFFFC000  }
0x3f: {  	[spmem:s12] =	stream.linear.scatter [tilespmem:s17], [sflag:$0x7], $0x4000, $0x38;
	[tilespmem:$0x18800] =	vst v63  }
0x40: {  	_ =	swait.ge [sflag:s18], $0x4000  }
0x41: {  	[sflag:s18] =	ssyncset.done $0x0  }
0x42: {  	[sflag:s18] =	ssyncadd.s32 $0xFFFFC000  }
0x43: {  	s31 =	simm.s32 $0x0;
	[bflag:$0x0] =	sbarrier.arrive $0xFFFF  }
0x44: {  	[tilespmem:s31], [sflag:$0x7] =	stream.linear.gather [hbm4b:s13+s31], $0x200, $0x38;
	[tilespmem:$0x18800] =	vst v63  }
0x45: {  	_ =	swait.ge [sflag:s18], $0x200  }
0x46: {  	[sflag:s18] =	ssyncset.done $0x0  }
0x47: {  	s21 =	simm.s32 $0x400;
	[sflag:s18] =	ssyncadd.s32 $0xFFFFFE00  }
0x48: {  	[tilespmem:s21], [sflag:$0x7] =	stream.linear.gather [hbm4b:s14+s31], $0x200, $0x38;
	[tilespmem:$0x18800] =	vst v63  }
0x49: {  	_ =	swait.ge [sflag:s18], $0x200  }
0x4a: {  	[sflag:s18] =	ssyncset.done $0x0  }
0x4b: {  	[sflag:s18] =	ssyncadd.s32 $0xFFFFFE00  }
0x4c: {  	[tilespmem:s17], [sflag:$0x1] =	stream.indirect.gather [hbm4b:s4+s20], $0x80, s31, s20, $0xb8;
	[tilespmem:$0x18800] =	vst v63  }
0x4d: {  	s22 =	simm.s32 $0x80;
	s2 =	simm.s32 $0x1800  }
0x4e: {  	[tilespmem:s2], [sflag:$0x2] =	stream.indirect.gather [hbm4b:s4+s20], $0x80, s22, s20, $0xb8;
	[tilespmem:$0x18800] =	vst v63  }
0x4f: {  	s23 =	simm.s32 $0x100  }
0x50: {  	[tilespmem:s24], [sflag:$0x3] =	stream.indirect.gather [hbm4b:s4+s20], $0x80, s23, s20, $0xb8;
	[tilespmem:$0x18800] =	vst v63  }
0x51: {  	s25 =	simm.s32 $0x180;
	s0 =	simm.s32 $0x200  }
0x52: {  	[tilespmem:s26], [sflag:$0x4] =	stream.indirect.gather [hbm4b:s4+s20], $0x80, s25, s20, $0xb8;
	[tilespmem:$0x18800] =	vst v63  }
.LBB2_4:
0x53: {  	p0 =	seq.s32 s31, $0x4F  }
0x54: {  	s2 =	sand.u32 @!p0 $0x1FC00, s0  }
0x55: {  	s19 =	sand.u32 @!p0 $0x200, s0;
	s2 =	sadd.s32 @!p0 s8, s2  }
0x56: {  	s21 =	sand.u32 $0x1, s31;
	s19 =	sor.u32 @!p0 s19, s2  }
0x57: {  	s2 =	sxor.u32 $0x1, s21;
	s19 =	sshrl.u32 @!p0 s19, $0x3  }
0x58: {  	s25 =	simm.s32 @!p0 $0x0;
	s22 =	sshll.u32 @!p0 s2, $0x9;
	s23 =	sadd.s32 @!p0 s5, s19  }
0x59: {  	[tilespmem:s22], [sflag:$0x5] =	stream.linear.gather @!p0 [hbm4b:s23+s25], $0x200, $0x38;
	[tilespmem:$0x18800] =	vst v63  }
0x5a: {  	s19 =	sadd.s32 @!p0 s6, s19;
	s23 =	sor.u32 @!p0 $0x400, s22  }
0x5b: {  	[tilespmem:s23], [sflag:$0x6] =	stream.linear.gather @!p0 [hbm4b:s19+s25], $0x200, $0x38;
	[tilespmem:$0x18800] =	vst v63  }
0x5c: {  	_ =	swait.ge [sflag:s28], $0x1000  }
0x5d: {  	s19 =	sshll.u32 s21, $0x9;
	[sflag:s28] =	ssyncset.done $0x0  }
0x5e: {  	s21 =	sor.u32 $0x400, s19;
	[sflag:s28] =	ssyncadd.s32 $0xFFFFF000  }
0x5f: {  	[spmem:s1] =	stream.indirect.scatter.add.f32 [tilespmem:s17], [sflag:$0x7], $0x80, s21, s20, $0xb8;
	[tilespmem:$0x18800] =	vst v63  }
0x60: {  	_ =	swait.ge [sflag:s18], $0x1000  }
0x61: {  	[sflag:s18] =	ssyncset.done $0x0  }
0x62: {  	s21 =	simm.s32 @p0 $0x2;
	[sflag:s18] =	ssyncadd.s32 $0xFFFFF000  }
0x63: {  	_ =	swait.ge @p0 [sflag:s21], $0x1000  }
0x64: {  	s23 =	simm.s32 @p0 $0x20;
	[sflag:s21] =	ssyncset.done @p0 $0x0  }
0x65: {  	s25 =	simm.s32 @p0 $0x1800;
	[sflag:s21] =	ssyncadd.s32 @p0 $0xFFFFF000;
	s21 =	sadd.s32 @p0 $0x480, s19  }
0x66: {  	[spmem:s1] =	stream.indirect.scatter.add.f32 @p0 [tilespmem:s25], [sflag:$0x7], $0x80, s21, s23, $0xb8;
	[tilespmem:$0x18800] =	vst v63  }
0x67: {  	s21 =	simm.s32 @p0 $0x7  }
0x68: {  	_ =	swait.ge @p0 [sflag:s21], $0x1000  }
0x69: {  	[sflag:s21] =	ssyncset.done @p0 $0x0  }
0x6a: {  	[sflag:s21] =	ssyncadd.s32 @p0 $0xFFFFF000;
	s21 =	simm.s32 @!p0 $0x5  }
0x6b: {  	_ =	swait.ge @!p0 [sflag:s21], $0x200  }
0x6c: {  	[sflag:s21] =	ssyncset.done @!p0 $0x0  }
0x6d: {  	[sflag:s21] =	ssyncadd.s32 @!p0 $0xFFFFFE00;
	s21 =	simm.s32 @!p0 $0x6  }
0x6e: {  	_ =	swait.ge @!p0 [sflag:s21], $0x200  }
0x6f: {  	[sflag:s21] =	ssyncset.done @!p0 $0x0  }
0x70: {  	s23 =	simm.s32 @!p0 $0x800;
	[sflag:s21] =	ssyncadd.s32 @!p0 $0xFFFFFE00;
	s21 =	simm.s32 @!p0 $0x20  }
0x71: {  	[tilespmem:s23], [sflag:$0x1] =	stream.indirect.gather @!p0 [hbm4b:s4+s21], $0x80, s22, s21, $0xb8;
	[tilespmem:$0x18800] =	vst v63  }
0x72: {  	s23 =	simm.s32 @!p0 $0x2  }
0x73: {  	_ =	swait.ge @!p0 [sflag:s23], $0x1000  }
0x74: {  	[sflag:s23] =	ssyncset.done @!p0 $0x0  }
0x75: {  	s25 =	simm.s32 @!p0 $0x1800;
	[sflag:s23] =	ssyncadd.s32 @!p0 $0xFFFFF000;
	s23 =	sadd.s32 @!p0 $0x480, s19  }
0x76: {  	[spmem:s1] =	stream.indirect.scatter.add.f32 @!p0 [tilespmem:s25], [sflag:$0x7], $0x80, s23, s21, $0xb8;
	[tilespmem:$0x18800] =	vst v63  }
0x77: {  	s23 =	simm.s32 @!p0 $0x7  }
0x78: {  	_ =	swait.ge @!p0 [sflag:s23], $0x1000  }
0x79: {  	[sflag:s23] =	ssyncset.done @!p0 $0x0  }
0x7a: {  	s22 =	sor.u32 @!p0 $0x80, s22;
	[sflag:s23] =	ssyncadd.s32 @!p0 $0xFFFFF000  }
0x7b: {  	[tilespmem:s25], [sflag:$0x2] =	stream.indirect.gather @!p0 [hbm4b:s4+s21], $0x80, s22, s21, $0xb8;
	[tilespmem:$0x18800] =	vst v63  }
0x7c: {  	_ =	swait.ge [sflag:s29], $0x1000  }
0x7d: {  	p0 =	sne.s32 s31, $0x4F;
	[sflag:s29] =	ssyncset.done $0x0  }
.Ltmp3:
0x7e: {  	s25 =	sadd.s32 $0x500, s19;
	[sflag:s29] =	ssyncadd.s32 $0xFFFFF000;
	(pc) =	sbr.rel @!p0 .LBB2_5-.Ltmp3, $4  }
0x7f: {  	[spmem:s1] =	stream.indirect.scatter.add.f32 [tilespmem:s24], [sflag:$0x7], $0x80, s25, s20, $0xb8;
	[tilespmem:$0x18800] =	vst v63  }
0x80: {  	_ =	swait.ge [sflag:s18], $0x1000  }
0x81: {  	[sflag:s18] =	ssyncset.done $0x0  }
0x82: {  	[sflag:s18] =	ssyncadd.s32 $0xFFFFF000  }
0x83: {  	s2 =	sshll.u32 s2, $0x9  }
0x84: {  	s21 =	sor.u32 $0x100, s2  }
0x85: {  	[tilespmem:s24], [sflag:$0x3] =	stream.indirect.gather [hbm4b:s4+s20], $0x80, s21, s20, $0xb8;
	[tilespmem:$0x18800] =	vst v63  }
0x86: {  	_ =	swait.ge [sflag:s30], $0x1000  }
0x87: {  	s31 =	sadd.s32 $0x1, s31;
	[sflag:s30] =	ssyncset.done $0x0  }
0x88: {  	s19 =	sadd.s32 $0x580, s19;
	p0 =	sne.s32 s31, $0x50;
	[sflag:s30] =	ssyncadd.s32 $0xFFFFF000  }
0x89: {  	[spmem:s1] =	stream.indirect.scatter.add.f32 [tilespmem:s26], [sflag:$0x7], $0x80, s19, s20, $0xb8;
	[tilespmem:$0x18800] =	vst v63  }
.Ltmp4:
0x8a: {  	_ = 	snop;
	(pc) =	sbr.rel @p0 .LBB2_4-.Ltmp4, $4  }
.Ltmp5:
0x8b: {  	_ =	swait.ge [sflag:s18], $0x1000;
	(pc) =	sbr.rel @!p0 .LBB2_7-.Ltmp5, $4  }
0x8c: {  	[sflag:s18] =	ssyncset.done $0x0  }
0x8d: {  	s0 =	sadd.s32 $0x200, s0;
	s2 =	sor.u32 $0x180, s2;
	[sflag:s18] =	ssyncadd.s32 $0xFFFFF000  }
0x8e: {  	[tilespmem:s26], [sflag:$0x4] =	stream.indirect.gather [hbm4b:s4+s20], $0x80, s2, s20, $0xb8;
	[tilespmem:$0x18800] =	vst v63  }
0x8f: {  	_ = 	snop  }
.LBB2_8:
0x90: {  	_ =	sfence.sel $0x180000  }
0x91: {  	[bflag:$0x0] =	sbarrier.arrive $0xFFFF  }
0x92: {  	_ =	strace $0x9000004A  }
0x93: {  	s0 =	stileid.u32;
	[bflag:$0x2] =	sbarrier.arrive $0xFFFF  }
0x94: {  	p0 =	sne.s32 s0, $0x0;
	s0 =	rddreg [dreg:$0x2]  }
0x95: {  	s0 =	sadd.s32 @!p0 $0x100000, s0  }
0x96: {  	[sflag:s0] =	ssyncadd.tile.s32 @!p0 $0x1;
	_ =	shalt  }
.Lfunc_end2:
_tile_overlayer_lowered:
.L_overlay_start_2:
0x97: {  	(tag) =	ssettag $0x2  }
0x98: {  	s0 =	rddreg [dreg:$0x0];
	s2 =	stileid.u32  }
0x99: {  	s1 =	rddreg [dreg:$0x1];
	p0 =	sne.s32 s2, $0x0  }
0x9a: {  	s3 =	rddreg [dreg:$0x2];
	[bflag:$0x3] =	sbarrier.arrive $0xFFFF;
	s2 =	simm.s32 @!p0 $0x1C07  }
0x9b: {  	[timem:s3], [sflag:s2] =	dma.local @!p0 [hbm:s0], s1  }
0x9c: {  	s0 =	simm.s32 @!p0 $0x7  }
0x9d: {  	_ =	swait.ge @!p0 [sflag:s0], s1  }
0x9e: {  	s1 =	ssub.s32 @!p0 $0x0, s1;
	[sflag:s0] =	ssyncset.done @!p0 $0x0  }
0x9f: {  	[sflag:s0] =	ssyncadd.s32 @!p0 s1  }
0xa0: {  	[bflag:$0x3] =	sbarrier.arrive $0xFFFF  }
0xa1: {  	_ =	shalt  }

</sc_bundles>
